<compile_context>
chip_gen: v7x
topology: tpu7x:2x2x1
jax: 0.10.2.dev20260603
libtpu: 0.0.44.dev20260713+nightly
codegen_flags: <defaults>
</compile_context>

<pallas_src>
import jax
import jax.numpy as jnp
from jax import lax
from jax.experimental import pallas as pl
from jax.experimental.pallas import tpu as pltpu
from jax.experimental.pallas import tpu_sc as plsc

DIM = 2048
SEQ_LEN = 8192
NUM_CORES = 2
NUM_SUBCORES = 16
LANES = 16
NUM_WORKERS = NUM_CORES * NUM_SUBCORES
ROWS_PER_WORKER = SEQ_LEN // NUM_WORKERS
SLOT_ROWS = 16
NUM_SLOTS = ROWS_PER_WORKER // SLOT_ROWS
HALF_ROWS = SLOT_ROWS // 2
VECS_PER_ROW = DIM // LANES


INNER_VECS = 8
BLOCKS_PER_ROW = VECS_PER_ROW // INNER_VECS


def _scale_half(src, src_row0, dst, scale):
    @plsc.parallel_loop(0, HALF_ROWS * BLOCKS_PER_ROW)
    def _blk(v):
        row = v // BLOCKS_PER_ROW
        col0 = (v % BLOCKS_PER_ROW) * (INNER_VECS * LANES)
        for u in range(INNER_VECS):
            sl = pl.ds(col0 + u * LANES, LANES)
            dst[row, sl] = src[src_row0 + row, sl] * scale


def _sc_body(emb_hbm, out_hbm, in0, in1, st0, st1, isem0, isem1, osem0, osem1):
    scale = jnp.float32(DIM ** -0.5)
    in_bufs = (in0, in1)
    in_sems = (isem0, isem1)
    out_bufs = (st0, st1)
    out_sems = (osem0, osem1)
    wid = lax.axis_index("s") * NUM_CORES + lax.axis_index("c")
    base = wid * ROWS_PER_WORKER

    def in_slice(k):
        return emb_hbm.at[pl.ds(base + k * SLOT_ROWS, SLOT_ROWS)]

    def out_half_slice(k, h):
        return out_hbm.at[pl.ds(base + k * SLOT_ROWS + h * HALF_ROWS, HALF_ROWS)]

    def slot(k, b, first):
        pltpu.make_async_copy(in_slice(k), in_bufs[b], in_sems[b]).wait()
        for h in range(2):
            if not first:
                pltpu.make_async_copy(
                    out_bufs[h], out_half_slice(k - 1, h), out_sems[h]
                ).wait()
            _scale_half(in_bufs[b], h * HALF_ROWS, out_bufs[h], scale)
            pltpu.async_copy(out_bufs[h], out_half_slice(k, h), out_sems[h])

    pltpu.async_copy(in_slice(0), in_bufs[0], in_sems[0])
    pltpu.async_copy(in_slice(1), in_bufs[1], in_sems[1])
    slot(0, 0, True)
    pltpu.async_copy(in_slice(2), in_bufs[0], in_sems[0])
    slot(1, 1, False)
    pltpu.async_copy(in_slice(3), in_bufs[1], in_sems[1])

    @pl.loop(1, NUM_SLOTS // 2 - 1)
    def _group(g):
        for b in range(2):
            k = 2 * g + b
            slot(k, b, False)
            pltpu.async_copy(in_slice(k + 2), in_bufs[b], in_sems[b])

    slot(NUM_SLOTS - 2, 0, False)
    slot(NUM_SLOTS - 1, 1, False)

    for h in range(2):
        pltpu.make_async_copy(
            out_bufs[h], out_half_slice(NUM_SLOTS - 1, h), out_sems[h]
        ).wait()


_SCRATCH = (
    [pltpu.VMEM((SLOT_ROWS, DIM), jnp.float32)] * 2
    + [pltpu.VMEM((HALF_ROWS, DIM), jnp.float32)] * 2
    + [pltpu.SemaphoreType.DMA] * 4
)

_pos_emb_sc = pl.kernel(
    _sc_body,
    out_type=jax.ShapeDtypeStruct((SEQ_LEN, DIM), jnp.float32),
    mesh=plsc.VectorSubcoreMesh(core_axis_name="c", subcore_axis_name="s"),
    scratch_types=_SCRATCH,
)


def kernel(x, emb):
    seq_len = x.shape[1]
    assert seq_len == SEQ_LEN
    return _pos_emb_sc(emb)

# --- scband reference (transcript-rebuilt; emitter-appended) ---
"""Pipeline reference for scband-absolute-position-embedding-10161892622388 (READ-ONLY COPY).

The authoritative reference and input builder live on the scoring server;
editing this copy changes nothing except your own understanding.
"""

import jax, jax.numpy as jnp
import numpy as np

DIM = 2048
MAX_SEQ_LEN = 8192

def setup_inputs(seed: int = 0) -> dict:
    key = jax.random.key(seed)
    k1, k2 = jax.random.split(key)
    x = jax.random.normal(k1, (2, 8192, DIM), dtype=jnp.float32)
    emb = jax.random.normal(k2, (MAX_SEQ_LEN, DIM), dtype=jnp.float32) * 0.02
    return {"x": x, "emb": emb}

def reference(x, emb):
    seq_len = x.shape[1]
    assert seq_len <= MAX_SEQ_LEN, 'input length > max_seq_len'
    scale = DIM ** (-0.5)
    pos = jnp.arange(seq_len)
    pos_emb = jnp.take(emb, pos, axis=0) * scale
    return pos_emb

if __name__ == "__main__":
    import jax
    _d = setup_inputs()
    print(jax.jit(kernel)(*tuple(_d.values())))

</pallas_src>

<mosaic_0001>
#map = affine_map<(d0, d1) -> (0, 0)>
module attributes {stable_mosaic.version = 14 : i64} {
  func.func @_sc_body(%arg0: i32, %arg1: i32, %arg2: memref<8192x2048xf32, #tpu.memory_space<hbm>>, %arg3: memref<8192x2048xf32, #tpu.memory_space<hbm>>, %arg4: memref<16x2048xf32, #tpu.memory_space<vmem>>, %arg5: memref<16x2048xf32, #tpu.memory_space<vmem>>, %arg6: memref<8x2048xf32, #tpu.memory_space<vmem>>, %arg7: memref<8x2048xf32, #tpu.memory_space<vmem>>, %arg8: memref<!tpu.dma_semaphore, #tpu.memory_space<semaphore_mem>>, %arg9: memref<!tpu.dma_semaphore, #tpu.memory_space<semaphore_mem>>, %arg10: memref<!tpu.dma_semaphore, #tpu.memory_space<semaphore_mem>>, %arg11: memref<!tpu.dma_semaphore, #tpu.memory_space<semaphore_mem>>) attributes {dimension_semantics = [#tpu.dimension_semantics<core_parallel>, #tpu.dimension_semantics<subcore_parallel>], iteration_bounds = array<i64: 2, 16>, scalar_prefetch = 0 : i64, scratch_operands = 8 : i64, tpu.core_type = #tpu.core_type<sc_vector_subcore>, window_params = [{transform_indices = #map}, {transform_indices = #map}]} {
    %mul3A = arith.constant 2 : i32
    %mul3A_0 = arith.muli %arg1, %mul3A : i32
    %add3A = arith.addi %mul3A_0, %arg0 : i32
    %mul3A_1 = arith.constant 256 : i32
    %mul3A_2 = arith.muli %add3A, %mul3A_1 : i32
    %add3A_3 = arith.constant 0 : i32
    %add3A_4 = arith.addi %mul3A_2, %add3A_3 : i32
    %dma_start3A = arith.constant 0 : i32
    %dma_start3A_5 = tpu.memref_slice %arg2[%add3A_4, %dma_start3A] : memref<8192x2048xf32, #tpu.memory_space<hbm>> -> memref<16x2048xf32, #tpu.memory_space<hbm>>
    %dma_start3A_6 = arith.constant 0 : i32
    %dma_start3A_7 = tpu.memref_slice %arg2[%add3A_4, %dma_start3A_6] : memref<8192x2048xf32, #tpu.memory_space<hbm>> -> memref<16x2048xf32, #tpu.memory_space<hbm>>
    tpu.enqueue_dma source(%dma_start3A_7 : memref<16x2048xf32, #tpu.memory_space<hbm>>) target(%arg4 : memref<16x2048xf32, #tpu.memory_space<vmem>>) target_semaphore(%arg8 : memref<!tpu.dma_semaphore, #tpu.memory_space<semaphore_mem>>)
    %add3A_8 = arith.constant 16 : i32
    %add3A_9 = arith.addi %mul3A_2, %add3A_8 : i32
    %dma_start3A_10 = arith.constant 0 : i32
    %dma_start3A_11 = tpu.memref_slice %arg2[%add3A_9, %dma_start3A_10] : memref<8192x2048xf32, #tpu.memory_space<hbm>> -> memref<16x2048xf32, #tpu.memory_space<hbm>>
    %dma_start3A_12 = arith.constant 0 : i32
    %dma_start3A_13 = tpu.memref_slice %arg2[%add3A_9, %dma_start3A_12] : memref<8192x2048xf32, #tpu.memory_space<hbm>> -> memref<16x2048xf32, #tpu.memory_space<hbm>>
    tpu.enqueue_dma source(%dma_start3A_13 : memref<16x2048xf32, #tpu.memory_space<hbm>>) target(%arg5 : memref<16x2048xf32, #tpu.memory_space<vmem>>) target_semaphore(%arg9 : memref<!tpu.dma_semaphore, #tpu.memory_space<semaphore_mem>>)
    %add3A_14 = arith.constant 0 : i32
    %add3A_15 = arith.addi %mul3A_2, %add3A_14 : i32
    %dma_wait3A = arith.constant 0 : i32
    %dma_wait3A_16 = tpu.memref_slice %arg2[%add3A_15, %dma_wait3A] : memref<8192x2048xf32, #tpu.memory_space<hbm>> -> memref<16x2048xf32, #tpu.memory_space<hbm>>
    %dma_wait3A_17 = arith.constant 0 : i32
    %dma_wait3A_18 = tpu.memref_slice %arg2[%add3A_15, %dma_wait3A_17] : memref<8192x2048xf32, #tpu.memory_space<hbm>> -> memref<16x2048xf32, #tpu.memory_space<hbm>>
    tpu.wait_dma2 semaphore(%arg8 : memref<!tpu.dma_semaphore, #tpu.memory_space<semaphore_mem>>) src(%dma_wait3A_18 : memref<16x2048xf32, #tpu.memory_space<hbm>>) dst(%arg4 : memref<16x2048xf32, #tpu.memory_space<vmem>>)
    %parallel_loop3A = arith.constant 0 : i32
    %parallel_loop3A_19 = arith.constant 128 : i32
    %parallel_loop3A_20 = arith.constant 1 : i32
    %parallel_loop3A_21 = arith.constant 0.0220970865 : f32
    scf.for %parallel_loop3A_213 = %parallel_loop3A to %parallel_loop3A_19 step %parallel_loop3A_20  : i32 {
      %parallel_loop3A_214 = arith.constant 16 : i32
      %parallel_loop3A_215 = arith.divsi %parallel_loop3A_213, %parallel_loop3A_214 : i32
      %parallel_loop3A_216 = arith.constant 0 : i32
      %parallel_loop3A_217 = arith.cmpi sgt, %parallel_loop3A_213, %parallel_loop3A_216 : i32
      %parallel_loop3A_218 = arith.extui %parallel_loop3A_217 : i1 to i32
      %parallel_loop3A_219 = arith.constant 0 : i32
      %parallel_loop3A_220 = arith.cmpi slt, %parallel_loop3A_213, %parallel_loop3A_219 : i32
      %parallel_loop3A_221 = arith.extui %parallel_loop3A_220 : i1 to i32
      %parallel_loop3A_222 = arith.subi %parallel_loop3A_218, %parallel_loop3A_221 : i32
      %parallel_loop3A_223 = arith.constant 0 : i32
      %parallel_loop3A_224 = arith.cmpi sgt, %parallel_loop3A_214, %parallel_loop3A_223 : i32
      %parallel_loop3A_225 = arith.extui %parallel_loop3A_224 : i1 to i32
      %parallel_loop3A_226 = arith.constant 0 : i32
      %parallel_loop3A_227 = arith.cmpi slt, %parallel_loop3A_214, %parallel_loop3A_226 : i32
      %parallel_loop3A_228 = arith.extui %parallel_loop3A_227 : i1 to i32
      %parallel_loop3A_229 = arith.subi %parallel_loop3A_225, %parallel_loop3A_228 : i32
      %parallel_loop3A_230 = arith.cmpi ne, %parallel_loop3A_222, %parallel_loop3A_229 : i32
      %parallel_loop3A_231 = arith.remsi %parallel_loop3A_213, %parallel_loop3A_214 : i32
      %parallel_loop3A_232 = arith.constant 0 : i32
      %parallel_loop3A_233 = arith.cmpi ne, %parallel_loop3A_231, %parallel_loop3A_232 : i32
      %parallel_loop3A_234 = arith.andi %parallel_loop3A_230, %parallel_loop3A_233 : i1
      %parallel_loop3A_235 = arith.constant 1 : i32
      %parallel_loop3A_236 = arith.subi %parallel_loop3A_215, %parallel_loop3A_235 : i32
      %parallel_loop3A_237 = arith.select %parallel_loop3A_234, %parallel_loop3A_236, %parallel_loop3A_215 : i32
      %parallel_loop3A_238 = arith.constant 16 : i32
      %parallel_loop3A_239 = arith.constant 0 : i32
      %parallel_loop3A_240 = arith.cmpi eq, %parallel_loop3A_238, %parallel_loop3A_239 : i32
      %parallel_loop3A_241 = arith.constant 1 : i32
      %parallel_loop3A_242 = arith.select %parallel_loop3A_240, %parallel_loop3A_241, %parallel_loop3A_238 : i32
      %parallel_loop3A_243 = arith.remsi %parallel_loop3A_213, %parallel_loop3A_242 : i32
      %parallel_loop3A_244 = arith.constant 0 : i32
      %parallel_loop3A_245 = arith.cmpi ne, %parallel_loop3A_243, %parallel_loop3A_244 : i32
      %parallel_loop3A_246 = arith.constant 0 : i32
      %parallel_loop3A_247 = arith.cmpi slt, %parallel_loop3A_243, %parallel_loop3A_246 : i32
      %parallel_loop3A_248 = arith.constant 0 : i32
      %parallel_loop3A_249 = arith.cmpi slt, %parallel_loop3A_242, %parallel_loop3A_248 : i32
      %parallel_loop3A_250 = arith.xori %parallel_loop3A_247, %parallel_loop3A_249 : i1
      %parallel_loop3A_251 = arith.andi %parallel_loop3A_250, %parallel_loop3A_245 : i1
      %parallel_loop3A_252 = arith.addi %parallel_loop3A_243, %parallel_loop3A_242 : i32
      %parallel_loop3A_253 = arith.select %parallel_loop3A_251, %parallel_loop3A_252, %parallel_loop3A_243 : i32
      %parallel_loop3A_254 = arith.constant 128 : i32
      %parallel_loop3A_255 = arith.muli %parallel_loop3A_253, %parallel_loop3A_254 : i32
      %parallel_loop3A_256 = arith.constant 0 : i32
      %parallel_loop3A_257 = arith.addi %parallel_loop3A_255, %parallel_loop3A_256 : i32
      %parallel_loop3A_258 = arith.constant 0 : i32
      %parallel_loop3A_259 = arith.addi %parallel_loop3A_258, %parallel_loop3A_237 : i32
      %parallel_loop3A_260 = arith.index_cast %parallel_loop3A_259 : i32 to index
      %parallel_loop3A_261 = arith.index_cast %parallel_loop3A_257 : i32 to index
      %parallel_loop3A_262 = tpu.vector_load %arg4[%parallel_loop3A_260, %parallel_loop3A_261] {strides = array<i32>} : memref<16x2048xf32, #tpu.memory_space<vmem>>, vector<1x16xf32>,
      %parallel_loop3A_263 = vector.shape_cast %parallel_loop3A_262 : vector<1x16xf32> to vector<16xf32>
      %parallel_loop3A_264 = vector.broadcast %parallel_loop3A_21 : f32 to vector<16xf32>
      %parallel_loop3A_265 = arith.mulf %parallel_loop3A_263, %parallel_loop3A_264 : vector<16xf32>
      %parallel_loop3A_266 = arith.index_cast %parallel_loop3A_237 : i32 to index
      %parallel_loop3A_267 = arith.index_cast %parallel_loop3A_257 : i32 to index
      %parallel_loop3A_268 = tpu.vector_load %arg6[%parallel_loop3A_266, %parallel_loop3A_267] {strides = array<i32>} : memref<8x2048xf32, #tpu.memory_space<vmem>>, vector<1x16xf32>,
      %parallel_loop3A_269 = vector.shape_cast %parallel_loop3A_268 : vector<1x16xf32> to vector<16xf32>
      %parallel_loop3A_270 = vector.shape_cast %parallel_loop3A_265 : vector<16xf32> to vector<1x16xf32>
      tpu.vector_store %arg6[%parallel_loop3A_266, %parallel_loop3A_267], %parallel_loop3A_270 {strides = array<i32>} : memref<8x2048xf32, #tpu.memory_space<vmem>>, vector<1x16xf32>,
      %parallel_loop3A_271 = arith.constant 16 : i32
      %parallel_loop3A_272 = arith.addi %parallel_loop3A_255, %parallel_loop3A_271 : i32
      %parallel_loop3A_273 = arith.constant 0 : i32
      %parallel_loop3A_274 = arith.addi %parallel_loop3A_273, %parallel_loop3A_237 : i32
      %parallel_loop3A_275 = arith.index_cast %parallel_loop3A_274 : i32 to index
      %parallel_loop3A_276 = arith.index_cast %parallel_loop3A_272 : i32 to index
      %parallel_loop3A_277 = tpu.vector_load %arg4[%parallel_loop3A_275, %parallel_loop3A_276] {strides = array<i32>} : memref<16x2048xf32, #tpu.memory_space<vmem>>, vector<1x16xf32>,
      %parallel_loop3A_278 = vector.shape_cast %parallel_loop3A_277 : vector<1x16xf32> to vector<16xf32>
      %parallel_loop3A_279 = vector.broadcast %parallel_loop3A_21 : f32 to vector<16xf32>
      %parallel_loop3A_280 = arith.mulf %parallel_loop3A_278, %parallel_loop3A_279 : vector<16xf32>
      %parallel_loop3A_281 = arith.index_cast %parallel_loop3A_237 : i32 to index
      %parallel_loop3A_282 = arith.index_cast %parallel_loop3A_272 : i32 to index
      %parallel_loop3A_283 = tpu.vector_load %arg6[%parallel_loop3A_281, %parallel_loop3A_282] {strides = array<i32>} : memref<8x2048xf32, #tpu.memory_space<vmem>>, vector<1x16xf32>,
      %parallel_loop3A_284 = vector.shape_cast %parallel_loop3A_283 : vector<1x16xf32> to vector<16xf32>
      %parallel_loop3A_285 = vector.shape_cast %parallel_loop3A_280 : vector<16xf32> to vector<1x16xf32>
      tpu.vector_store %arg6[%parallel_loop3A_281, %parallel_loop3A_282], %parallel_loop3A_285 {strides = array<i32>} : memref<8x2048xf32, #tpu.memory_space<vmem>>, vector<1x16xf32>,
      %parallel_loop3A_286 = arith.constant 32 : i32
      %parallel_loop3A_287 = arith.addi %parallel_loop3A_255, %parallel_loop3A_286 : i32
      %parallel_loop3A_288 = arith.constant 0 : i32
      %parallel_loop3A_289 = arith.addi %parallel_loop3A_288, %parallel_loop3A_237 : i32
      %parallel_loop3A_290 = arith.index_cast %parallel_loop3A_289 : i32 to index
      %parallel_loop3A_291 = arith.index_cast %parallel_loop3A_287 : i32 to index
      %parallel_loop3A_292 = tpu.vector_load %arg4[%parallel_loop3A_290, %parallel_loop3A_291] {strides = array<i32>} : memref<16x2048xf32, #tpu.memory_space<vmem>>, vector<1x16xf32>,
      %parallel_loop3A_293 = vector.shape_cast %parallel_loop3A_292 : vector<1x16xf32> to vector<16xf32>
      %parallel_loop3A_294 = vector.broadcast %parallel_loop3A_21 : f32 to vector<16xf32>
      %parallel_loop3A_295 = arith.mulf %parallel_loop3A_293, %parallel_loop3A_294 : vector<16xf32>
      %parallel_loop3A_296 = arith.index_cast %parallel_loop3A_237 : i32 to index
      %parallel_loop3A_297 = arith.index_cast %parallel_loop3A_287 : i32 to index
      %parallel_loop3A_298 = tpu.vector_load %arg6[%parallel_loop3A_296, %parallel_loop3A_297] {strides = array<i32>} : memref<8x2048xf32, #tpu.memory_space<vmem>>, vector<1x16xf32>,
      %parallel_loop3A_299 = vector.shape_cast %parallel_loop3A_298 : vector<1x16xf32> to vector<16xf32>
      %parallel_loop3A_300 = vector.shape_cast %parallel_loop3A_295 : vector<16xf32> to vector<1x16xf32>
      tpu.vector_store %arg6[%parallel_loop3A_296, %parallel_loop3A_297], %parallel_loop3A_300 {strides = array<i32>} : memref<8x2048xf32, #tpu.memory_space<vmem>>, vector<1x16xf32>,
      %parallel_loop3A_301 = arith.constant 48 : i32
      %parallel_loop3A_302 = arith.addi %parallel_loop3A_255, %parallel_loop3A_301 : i32
      %parallel_loop3A_303 = arith.constant 0 : i32
      %parallel_loop3A_304 = arith.addi %parallel_loop3A_303, %parallel_loop3A_237 : i32
      %parallel_loop3A_305 = arith.index_cast %parallel_loop3A_304 : i32 to index
      %parallel_loop3A_306 = arith.index_cast %parallel_loop3A_302 : i32 to index
      %parallel_loop3A_307 = tpu.vector_load %arg4[%parallel_loop3A_305, %parallel_loop3A_306] {strides = array<i32>} : memref<16x2048xf32, #tpu.memory_space<vmem>>, vector<1x16xf32>,
      %parallel_loop3A_308 = vector.shape_cast %parallel_loop3A_307 : vector<1x16xf32> to vector<16xf32>
      %parallel_loop3A_309 = vector.broadcast %parallel_loop3A_21 : f32 to vector<16xf32>
      %parallel_loop3A_310 = arith.mulf %parallel_loop3A_308, %parallel_loop3A_309 : vector<16xf32>
      %parallel_loop3A_311 = arith.index_cast %parallel_loop3A_237 : i32 to index
      %parallel_loop3A_312 = arith.index_cast %parallel_loop3A_302 : i32 to index
      %parallel_loop3A_313 = tpu.vector_load %arg6[%parallel_loop3A_311, %parallel_loop3A_312] {strides = array<i32>} : memref<8x2048xf32, #tpu.memory_space<vmem>>, vector<1x16xf32>,
      %parallel_loop3A_314 = vector.shape_cast %parallel_loop3A_313 : vector<1x16xf32> to vector<16xf32>
      %parallel_loop3A_315 = vector.shape_cast %parallel_loop3A_310 : vector<16xf32> to vector<1x16xf32>
      tpu.vector_store %arg6[%parallel_loop3A_311, %parallel_loop3A_312], %parallel_loop3A_315 {strides = array<i32>} : memref<8x2048xf32, #tpu.memory_space<vmem>>, vector<1x16xf32>,
      %parallel_loop3A_316 = arith.constant 64 : i32
      %parallel_loop3A_317 = arith.addi %parallel_loop3A_255, %parallel_loop3A_316 : i32
      %parallel_loop3A_318 = arith.constant 0 : i32
      %parallel_loop3A_319 = arith.addi %parallel_loop3A_318, %parallel_loop3A_237 : i32
      %parallel_loop3A_320 = arith.index_cast %parallel_loop3A_319 : i32 to index
      %parallel_loop3A_321 = arith.index_cast %parallel_loop3A_317 : i32 to index
      %parallel_loop3A_322 = tpu.vector_load %arg4[%parallel_loop3A_320, %parallel_loop3A_321] {strides = array<i32>} : memref<16x2048xf32, #tpu.memory_space<vmem>>, vector<1x16xf32>,
      %parallel_loop3A_323 = vector.shape_cast %parallel_loop3A_322 : vector<1x16xf32> to vector<16xf32>
      %parallel_loop3A_324 = vector.broadcast %parallel_loop3A_21 : f32 to vector<16xf32>
      %parallel_loop3A_325 = arith.mulf %parallel_loop3A_323, %parallel_loop3A_324 : vector<16xf32>
      %parallel_loop3A_326 = arith.index_cast %parallel_loop3A_237 : i32 to index
      %parallel_loop3A_327 = arith.index_cast %parallel_loop3A_317 : i32 to index
      %parallel_loop3A_328 = tpu.vector_load %arg6[%parallel_loop3A_326, %parallel_loop3A_327] {strides = array<i32>} : memref<8x2048xf32, #tpu.memory_space<vmem>>, vector<1x16xf32>,
      %parallel_loop3A_329 = vector.shape_cast %parallel_loop3A_328 : vector<1x16xf32> to vector<16xf32>
      %parallel_loop3A_330 = vector.shape_cast %parallel_loop3A_325 : vector<16xf32> to vector<1x16xf32>
      tpu.vector_store %arg6[%parallel_loop3A_326, %parallel_loop3A_327], %parallel_loop3A_330 {strides = array<i32>} : memref<8x2048xf32, #tpu.memory_space<vmem>>, vector<1x16xf32>,
      %parallel_loop3A_331 = arith.constant 80 : i32
      %parallel_loop3A_332 = arith.addi %parallel_loop3A_255, %parallel_loop3A_331 : i32
      %parallel_loop3A_333 = arith.constant 0 : i32
      %parallel_loop3A_334 = arith.addi %parallel_loop3A_333, %parallel_loop3A_237 : i32
      %parallel_loop3A_335 = arith.index_cast %parallel_loop3A_334 : i32 to index
      %parallel_loop3A_336 = arith.index_cast %parallel_loop3A_332 : i32 to index
      %parallel_loop3A_337 = tpu.vector_load %arg4[%parallel_loop3A_335, %parallel_loop3A_336] {strides = array<i32>} : memref<16x2048xf32, #tpu.memory_space<vmem>>, vector<1x16xf32>,
      %parallel_loop3A_338 = vector.shape_cast %parallel_loop3A_337 : vector<1x16xf32> to vector<16xf32>
      %parallel_loop3A_339 = vector.broadcast %parallel_loop3A_21 : f32 to vector<16xf32>
      %parallel_loop3A_340 = arith.mulf %parallel_loop3A_338, %parallel_loop3A_339 : vector<16xf32>
      %parallel_loop3A_341 = arith.index_cast %parallel_loop3A_237 : i32 to index
      %parallel_loop3A_342 = arith.index_cast %parallel_loop3A_332 : i32 to index
      %parallel_loop3A_343 = tpu.vector_load %arg6[%parallel_loop3A_341, %parallel_loop3A_342] {strides = array<i32>} : memref<8x2048xf32, #tpu.memory_space<vmem>>, vector<1x16xf32>,
      %parallel_loop3A_344 = vector.shape_cast %parallel_loop3A_343 : vector<1x16xf32> to vector<16xf32>
      %parallel_loop3A_345 = vector.shape_cast %parallel_loop3A_340 : vector<16xf32> to vector<1x16xf32>
      tpu.vector_store %arg6[%parallel_loop3A_341, %parallel_loop3A_342], %parallel_loop3A_345 {strides = array<i32>} : memref<8x2048xf32, #tpu.memory_space<vmem>>, vector<1x16xf32>,
      %parallel_loop3A_346 = arith.constant 96 : i32
      %parallel_loop3A_347 = arith.addi %parallel_loop3A_255, %parallel_loop3A_346 : i32
      %parallel_loop3A_348 = arith.constant 0 : i32
      %parallel_loop3A_349 = arith.addi %parallel_loop3A_348, %parallel_loop3A_237 : i32
      %parallel_loop3A_350 = arith.index_cast %parallel_loop3A_349 : i32 to index
      %parallel_loop3A_351 = arith.index_cast %parallel_loop3A_347 : i32 to index
      %parallel_loop3A_352 = tpu.vector_load %arg4[%parallel_loop3A_350, %parallel_loop3A_351] {strides = array<i32>} : memref<16x2048xf32, #tpu.memory_space<vmem>>, vector<1x16xf32>,
      %parallel_loop3A_353 = vector.shape_cast %parallel_loop3A_352 : vector<1x16xf32> to vector<16xf32>
      %parallel_loop3A_354 = vector.broadcast %parallel_loop3A_21 : f32 to vector<16xf32>
      %parallel_loop3A_355 = arith.mulf %parallel_loop3A_353, %parallel_loop3A_354 : vector<16xf32>
      %parallel_loop3A_356 = arith.index_cast %parallel_loop3A_237 : i32 to index
      %parallel_loop3A_357 = arith.index_cast %parallel_loop3A_347 : i32 to index
      %parallel_loop3A_358 = tpu.vector_load %arg6[%parallel_loop3A_356, %parallel_loop3A_357] {strides = array<i32>} : memref<8x2048xf32, #tpu.memory_space<vmem>>, vector<1x16xf32>,
      %parallel_loop3A_359 = vector.shape_cast %parallel_loop3A_358 : vector<1x16xf32> to vector<16xf32>
      %parallel_loop3A_360 = vector.shape_cast %parallel_loop3A_355 : vector<16xf32> to vector<1x16xf32>
      tpu.vector_store %arg6[%parallel_loop3A_356, %parallel_loop3A_357], %parallel_loop3A_360 {strides = array<i32>} : memref<8x2048xf32, #tpu.memory_space<vmem>>, vector<1x16xf32>,
      %parallel_loop3A_361 = arith.constant 112 : i32
      %parallel_loop3A_362 = arith.addi %parallel_loop3A_255, %parallel_loop3A_361 : i32
      %parallel_loop3A_363 = arith.constant 0 : i32
      %parallel_loop3A_364 = arith.addi %parallel_loop3A_363, %parallel_loop3A_237 : i32
      %parallel_loop3A_365 = arith.index_cast %parallel_loop3A_364 : i32 to index
      %parallel_loop3A_366 = arith.index_cast %parallel_loop3A_362 : i32 to index
      %parallel_loop3A_367 = tpu.vector_load %arg4[%parallel_loop3A_365, %parallel_loop3A_366] {strides = array<i32>} : memref<16x2048xf32, #tpu.memory_space<vmem>>, vector<1x16xf32>,
      %parallel_loop3A_368 = vector.shape_cast %parallel_loop3A_367 : vector<1x16xf32> to vector<16xf32>
      %parallel_loop3A_369 = vector.broadcast %parallel_loop3A_21 : f32 to vector<16xf32>
      %parallel_loop3A_370 = arith.mulf %parallel_loop3A_368, %parallel_loop3A_369 : vector<16xf32>
      %parallel_loop3A_371 = arith.index_cast %parallel_loop3A_237 : i32 to index
      %parallel_loop3A_372 = arith.index_cast %parallel_loop3A_362 : i32 to index
      %parallel_loop3A_373 = tpu.vector_load %arg6[%parallel_loop3A_371, %parallel_loop3A_372] {strides = array<i32>} : memref<8x2048xf32, #tpu.memory_space<vmem>>, vector<1x16xf32>,
      %parallel_loop3A_374 = vector.shape_cast %parallel_loop3A_373 : vector<1x16xf32> to vector<16xf32>
      %parallel_loop3A_375 = vector.shape_cast %parallel_loop3A_370 : vector<16xf32> to vector<1x16xf32>
      tpu.vector_store %arg6[%parallel_loop3A_371, %parallel_loop3A_372], %parallel_loop3A_375 {strides = array<i32>} : memref<8x2048xf32, #tpu.memory_space<vmem>>, vector<1x16xf32>,
    } {sc.loop_unroll_factor = 1 : i64, sc.parallel_access}
    %add3A_22 = arith.constant 0 : i32
    %add3A_23 = arith.addi %mul3A_2, %add3A_22 : i32
    %add3A_24 = arith.constant 0 : i32
    %add3A_25 = arith.addi %add3A_23, %add3A_24 : i32
    %dma_start3A_26 = arith.constant 0 : i32
    %dma_start3A_27 = tpu.memref_slice %arg3[%add3A_25, %dma_start3A_26] : memref<8192x2048xf32, #tpu.memory_space<hbm>> -> memref<8x2048xf32, #tpu.memory_space<hbm>>
    %dma_start3A_28 = arith.constant 0 : i32
    %dma_start3A_29 = tpu.memref_slice %arg3[%add3A_25, %dma_start3A_28] : memref<8192x2048xf32, #tpu.memory_space<hbm>> -> memref<8x2048xf32, #tpu.memory_space<hbm>>
    tpu.enqueue_dma source(%arg6 : memref<8x2048xf32, #tpu.memory_space<vmem>>) target(%dma_start3A_29 : memref<8x2048xf32, #tpu.memory_space<hbm>>) target_semaphore(%arg10 : memref<!tpu.dma_semaphore, #tpu.memory_space<semaphore_mem>>)
    %parallel_loop3A_30 = arith.constant 0 : i32
    %parallel_loop3A_31 = arith.constant 128 : i32
    %parallel_loop3A_32 = arith.constant 1 : i32
    %parallel_loop3A_33 = arith.constant 0.0220970865 : f32
    scf.for %parallel_loop3A_213 = %parallel_loop3A_30 to %parallel_loop3A_31 step %parallel_loop3A_32  : i32 {
      %parallel_loop3A_214 = arith.constant 16 : i32
      %parallel_loop3A_215 = arith.divsi %parallel_loop3A_213, %parallel_loop3A_214 : i32
      %parallel_loop3A_216 = arith.constant 0 : i32
      %parallel_loop3A_217 = arith.cmpi sgt, %parallel_loop3A_213, %parallel_loop3A_216 : i32
      %parallel_loop3A_218 = arith.extui %parallel_loop3A_217 : i1 to i32
      %parallel_loop3A_219 = arith.constant 0 : i32
      %parallel_loop3A_220 = arith.cmpi slt, %parallel_loop3A_213, %parallel_loop3A_219 : i32
      %parallel_loop3A_221 = arith.extui %parallel_loop3A_220 : i1 to i32
      %parallel_loop3A_222 = arith.subi %parallel_loop3A_218, %parallel_loop3A_221 : i32
      %parallel_loop3A_223 = arith.constant 0 : i32
      %parallel_loop3A_224 = arith.cmpi sgt, %parallel_loop3A_214, %parallel_loop3A_223 : i32
      %parallel_loop3A_225 = arith.extui %parallel_loop3A_224 : i1 to i32
      %parallel_loop3A_226 = arith.constant 0 : i32
      %parallel_loop3A_227 = arith.cmpi slt, %parallel_loop3A_214, %parallel_loop3A_226 : i32
      %parallel_loop3A_228 = arith.extui %parallel_loop3A_227 : i1 to i32
      %parallel_loop3A_229 = arith.subi %parallel_loop3A_225, %parallel_loop3A_228 : i32
      %parallel_loop3A_230 = arith.cmpi ne, %parallel_loop3A_222, %parallel_loop3A_229 : i32
      %parallel_loop3A_231 = arith.remsi %parallel_loop3A_213, %parallel_loop3A_214 : i32
      %parallel_loop3A_232 = arith.constant 0 : i32
      %parallel_loop3A_233 = arith.cmpi ne, %parallel_loop3A_231, %parallel_loop3A_232 : i32
      %parallel_loop3A_234 = arith.andi %parallel_loop3A_230, %parallel_loop3A_233 : i1
      %parallel_loop3A_235 = arith.constant 1 : i32
      %parallel_loop3A_236 = arith.subi %parallel_loop3A_215, %parallel_loop3A_235 : i32
      %parallel_loop3A_237 = arith.select %parallel_loop3A_234, %parallel_loop3A_236, %parallel_loop3A_215 : i32
      %parallel_loop3A_238 = arith.constant 16 : i32
      %parallel_loop3A_239 = arith.constant 0 : i32
      %parallel_loop3A_240 = arith.cmpi eq, %parallel_loop3A_238, %parallel_loop3A_239 : i32
      %parallel_loop3A_241 = arith.constant 1 : i32
      %parallel_loop3A_242 = arith.select %parallel_loop3A_240, %parallel_loop3A_241, %parallel_loop3A_238 : i32
      %parallel_loop3A_243 = arith.remsi %parallel_loop3A_213, %parallel_loop3A_242 : i32
      %parallel_loop3A_244 = arith.constant 0 : i32
      %parallel_loop3A_245 = arith.cmpi ne, %parallel_loop3A_243, %parallel_loop3A_244 : i32
      %parallel_loop3A_246 = arith.constant 0 : i32
      %parallel_loop3A_247 = arith.cmpi slt, %parallel_loop3A_243, %parallel_loop3A_246 : i32
      %parallel_loop3A_248 = arith.constant 0 : i32
      %parallel_loop3A_249 = arith.cmpi slt, %parallel_loop3A_242, %parallel_loop3A_248 : i32
      %parallel_loop3A_250 = arith.xori %parallel_loop3A_247, %parallel_loop3A_249 : i1
      %parallel_loop3A_251 = arith.andi %parallel_loop3A_250, %parallel_loop3A_245 : i1
      %parallel_loop3A_252 = arith.addi %parallel_loop3A_243, %parallel_loop3A_242 : i32
      %parallel_loop3A_253 = arith.select %parallel_loop3A_251, %parallel_loop3A_252, %parallel_loop3A_243 : i32
      %parallel_loop3A_254 = arith.constant 128 : i32
      %parallel_loop3A_255 = arith.muli %parallel_loop3A_253, %parallel_loop3A_254 : i32
      %parallel_loop3A_256 = arith.constant 0 : i32
      %parallel_loop3A_257 = arith.addi %parallel_loop3A_255, %parallel_loop3A_256 : i32
      %parallel_loop3A_258 = arith.constant 8 : i32
      %parallel_loop3A_259 = arith.addi %parallel_loop3A_258, %parallel_loop3A_237 : i32
      %parallel_loop3A_260 = arith.index_cast %parallel_loop3A_259 : i32 to index
      %parallel_loop3A_261 = arith.index_cast %parallel_loop3A_257 : i32 to index
      %parallel_loop3A_262 = tpu.vector_load %arg4[%parallel_loop3A_260, %parallel_loop3A_261] {strides = array<i32>} : memref<16x2048xf32, #tpu.memory_space<vmem>>, vector<1x16xf32>,
      %parallel_loop3A_263 = vector.shape_cast %parallel_loop3A_262 : vector<1x16xf32> to vector<16xf32>
      %parallel_loop3A_264 = vector.broadcast %parallel_loop3A_33 : f32 to vector<16xf32>
      %parallel_loop3A_265 = arith.mulf %parallel_loop3A_263, %parallel_loop3A_264 : vector<16xf32>
      %parallel_loop3A_266 = arith.index_cast %parallel_loop3A_237 : i32 to index
      %parallel_loop3A_267 = arith.index_cast %parallel_loop3A_257 : i32 to index
      %parallel_loop3A_268 = tpu.vector_load %arg7[%parallel_loop3A_266, %parallel_loop3A_267] {strides = array<i32>} : memref<8x2048xf32, #tpu.memory_space<vmem>>, vector<1x16xf32>,
      %parallel_loop3A_269 = vector.shape_cast %parallel_loop3A_268 : vector<1x16xf32> to vector<16xf32>
      %parallel_loop3A_270 = vector.shape_cast %parallel_loop3A_265 : vector<16xf32> to vector<1x16xf32>
      tpu.vector_store %arg7[%parallel_loop3A_266, %parallel_loop3A_267], %parallel_loop3A_270 {strides = array<i32>} : memref<8x2048xf32, #tpu.memory_space<vmem>>, vector<1x16xf32>,
      %parallel_loop3A_271 = arith.constant 16 : i32
      %parallel_loop3A_272 = arith.addi %parallel_loop3A_255, %parallel_loop3A_271 : i32
      %parallel_loop3A_273 = arith.constant 8 : i32
      %parallel_loop3A_274 = arith.addi %parallel_loop3A_273, %parallel_loop3A_237 : i32
      %parallel_loop3A_275 = arith.index_cast %parallel_loop3A_274 : i32 to index
      %parallel_loop3A_276 = arith.index_cast %parallel_loop3A_272 : i32 to index
      %parallel_loop3A_277 = tpu.vector_load %arg4[%parallel_loop3A_275, %parallel_loop3A_276] {strides = array<i32>} : memref<16x2048xf32, #tpu.memory_space<vmem>>, vector<1x16xf32>,
      %parallel_loop3A_278 = vector.shape_cast %parallel_loop3A_277 : vector<1x16xf32> to vector<16xf32>
      %parallel_loop3A_279 = vector.broadcast %parallel_loop3A_33 : f32 to vector<16xf32>
      %parallel_loop3A_280 = arith.mulf %parallel_loop3A_278, %parallel_loop3A_279 : vector<16xf32>
      %parallel_loop3A_281 = arith.index_cast %parallel_loop3A_237 : i32 to index
      %parallel_loop3A_282 = arith.index_cast %parallel_loop3A_272 : i32 to index
      %parallel_loop3A_283 = tpu.vector_load %arg7[%parallel_loop3A_281, %parallel_loop3A_282] {strides = array<i32>} : memref<8x2048xf32, #tpu.memory_space<vmem>>, vector<1x16xf32>,
      %parallel_loop3A_284 = vector.shape_cast %parallel_loop3A_283 : vector<1x16xf32> to vector<16xf32>
      %parallel_loop3A_285 = vector.shape_cast %parallel_loop3A_280 : vector<16xf32> to vector<1x16xf32>
      tpu.vector_store %arg7[%parallel_loop3A_281, %parallel_loop3A_282], %parallel_loop3A_285 {strides = array<i32>} : memref<8x2048xf32, #tpu.memory_space<vmem>>, vector<1x16xf32>,
      %parallel_loop3A_286 = arith.constant 32 : i32
      %parallel_loop3A_287 = arith.addi %parallel_loop3A_255, %parallel_loop3A_286 : i32
      %parallel_loop3A_288 = arith.constant 8 : i32
      %parallel_loop3A_289 = arith.addi %parallel_loop3A_288, %parallel_loop3A_237 : i32
      %parallel_loop3A_290 = arith.index_cast %parallel_loop3A_289 : i32 to index
      %parallel_loop3A_291 = arith.index_cast %parallel_loop3A_287 : i32 to index
      %parallel_loop3A_292 = tpu.vector_load %arg4[%parallel_loop3A_290, %parallel_loop3A_291] {strides = array<i32>} : memref<16x2048xf32, #tpu.memory_space<vmem>>, vector<1x16xf32>,
      %parallel_loop3A_293 = vector.shape_cast %parallel_loop3A_292 : vector<1x16xf32> to vector<16xf32>
      %parallel_loop3A_294 = vector.broadcast %parallel_loop3A_33 : f32 to vector<16xf32>
      %parallel_loop3A_295 = arith.mulf %parallel_loop3A_293, %parallel_loop3A_294 : vector<16xf32>
      %parallel_loop3A_296 = arith.index_cast %parallel_loop3A_237 : i32 to index
      %parallel_loop3A_297 = arith.index_cast %parallel_loop3A_287 : i32 to index
      %parallel_loop3A_298 = tpu.vector_load %arg7[%parallel_loop3A_296, %parallel_loop3A_297] {strides = array<i32>} : memref<8x2048xf32, #tpu.memory_space<vmem>>, vector<1x16xf32>,
      %parallel_loop3A_299 = vector.shape_cast %parallel_loop3A_298 : vector<1x16xf32> to vector<16xf32>
      %parallel_loop3A_300 = vector.shape_cast %parallel_loop3A_295 : vector<16xf32> to vector<1x16xf32>
      tpu.vector_store %arg7[%parallel_loop3A_296, %parallel_loop3A_297], %parallel_loop3A_300 {strides = array<i32>} : memref<8x2048xf32, #tpu.memory_space<vmem>>, vector<1x16xf32>,
      %parallel_loop3A_301 = arith.constant 48 : i32
      %parallel_loop3A_302 = arith.addi %parallel_loop3A_255, %parallel_loop3A_301 : i32
      %parallel_loop3A_303 = arith.constant 8 : i32
      %parallel_loop3A_304 = arith.addi %parallel_loop3A_303, %parallel_loop3A_237 : i32
      %parallel_loop3A_305 = arith.index_cast %parallel_loop3A_304 : i32 to index
      %parallel_loop3A_306 = arith.index_cast %parallel_loop3A_302 : i32 to index
      %parallel_loop3A_307 = tpu.vector_load %arg4[%parallel_loop3A_305, %parallel_loop3A_306] {strides = array<i32>} : memref<16x2048xf32, #tpu.memory_space<vmem>>, vector<1x16xf32>,
      %parallel_loop3A_308 = vector.shape_cast %parallel_loop3A_307 : vector<1x16xf32> to vector<16xf32>
      %parallel_loop3A_309 = vector.broadcast %parallel_loop3A_33 : f32 to vector<16xf32>
      %parallel_loop3A_310 = arith.mulf %parallel_loop3A_308, %parallel_loop3A_309 : vector<16xf32>
      %parallel_loop3A_311 = arith.index_cast %parallel_loop3A_237 : i32 to index
      %parallel_loop3A_312 = arith.index_cast %parallel_loop3A_302 : i32 to index
      %parallel_loop3A_313 = tpu.vector_load %arg7[%parallel_loop3A_311, %parallel_loop3A_312] {strides = array<i32>} : memref<8x2048xf32, #tpu.memory_space<vmem>>, vector<1x16xf32>,
      %parallel_loop3A_314 = vector.shape_cast %parallel_loop3A_313 : vector<1x16xf32> to vector<16xf32>
      %parallel_loop3A_315 = vector.shape_cast %parallel_loop3A_310 : vector<16xf32> to vector<1x16xf32>
      tpu.vector_store %arg7[%parallel_loop3A_311, %parallel_loop3A_312], %parallel_loop3A_315 {strides = array<i32>} : memref<8x2048xf32, #tpu.memory_space<vmem>>, vector<1x16xf32>,
      %parallel_loop3A_316 = arith.constant 64 : i32
      %parallel_loop3A_317 = arith.addi %parallel_loop3A_255, %parallel_loop3A_316 : i32
      %parallel_loop3A_318 = arith.constant 8 : i32
      %parallel_loop3A_319 = arith.addi %parallel_loop3A_318, %parallel_loop3A_237 : i32
      %parallel_loop3A_320 = arith.index_cast %parallel_loop3A_319 : i32 to index
      %parallel_loop3A_321 = arith.index_cast %parallel_loop3A_317 : i32 to index
      %parallel_loop3A_322 = tpu.vector_load %arg4[%parallel_loop3A_320, %parallel_loop3A_321] {strides = array<i32>} : memref<16x2048xf32, #tpu.memory_space<vmem>>, vector<1x16xf32>,
      %parallel_loop3A_323 = vector.shape_cast %parallel_loop3A_322 : vector<1x16xf32> to vector<16xf32>
      %parallel_loop3A_324 = vector.broadcast %parallel_loop3A_33 : f32 to vector<16xf32>
      %parallel_loop3A_325 = arith.mulf %parallel_loop3A_323, %parallel_loop3A_324 : vector<16xf32>
      %parallel_loop3A_326 = arith.index_cast %parallel_loop3A_237 : i32 to index
      %parallel_loop3A_327 = arith.index_cast %parallel_loop3A_317 : i32 to index
      %parallel_loop3A_328 = tpu.vector_load %arg7[%parallel_loop3A_326, %parallel_loop3A_327] {strides = array<i32>} : memref<8x2048xf32, #tpu.memory_space<vmem>>, vector<1x16xf32>,
      %parallel_loop3A_329 = vector.shape_cast %parallel_loop3A_328 : vector<1x16xf32> to vector<16xf32>
      %parallel_loop3A_330 = vector.shape_cast %parallel_loop3A_325 : vector<16xf32> to vector<1x16xf32>
      tpu.vector_store %arg7[%parallel_loop3A_326, %parallel_loop3A_327], %parallel_loop3A_330 {strides = array<i32>} : memref<8x2048xf32, #tpu.memory_space<vmem>>, vector<1x16xf32>,
      %parallel_loop3A_331 = arith.constant 80 : i32
      %parallel_loop3A_332 = arith.addi %parallel_loop3A_255, %parallel_loop3A_331 : i32
      %parallel_loop3A_333 = arith.constant 8 : i32
      %parallel_loop3A_334 = arith.addi %parallel_loop3A_333, %parallel_loop3A_237 : i32
      %parallel_loop3A_335 = arith.index_cast %parallel_loop3A_334 : i32 to index
      %parallel_loop3A_336 = arith.index_cast %parallel_loop3A_332 : i32 to index
      %parallel_loop3A_337 = tpu.vector_load %arg4[%parallel_loop3A_335, %parallel_loop3A_336] {strides = array<i32>} : memref<16x2048xf32, #tpu.memory_space<vmem>>, vector<1x16xf32>,
      %parallel_loop3A_338 = vector.shape_cast %parallel_loop3A_337 : vector<1x16xf32> to vector<16xf32>
      %parallel_loop3A_339 = vector.broadcast %parallel_loop3A_33 : f32 to vector<16xf32>
      %parallel_loop3A_340 = arith.mulf %parallel_loop3A_338, %parallel_loop3A_339 : vector<16xf32>
      %parallel_loop3A_341 = arith.index_cast %parallel_loop3A_237 : i32 to index
      %parallel_loop3A_342 = arith.index_cast %parallel_loop3A_332 : i32 to index
      %parallel_loop3A_343 = tpu.vector_load %arg7[%parallel_loop3A_341, %parallel_loop3A_342] {strides = array<i32>} : memref<8x2048xf32, #tpu.memory_space<vmem>>, vector<1x16xf32>,
      %parallel_loop3A_344 = vector.shape_cast %parallel_loop3A_343 : vector<1x16xf32> to vector<16xf32>
      %parallel_loop3A_345 = vector.shape_cast %parallel_loop3A_340 : vector<16xf32> to vector<1x16xf32>
      tpu.vector_store %arg7[%parallel_loop3A_341, %parallel_loop3A_342], %parallel_loop3A_345 {strides = array<i32>} : memref<8x2048xf32, #tpu.memory_space<vmem>>, vector<1x16xf32>,
      %parallel_loop3A_346 = arith.constant 96 : i32
      %parallel_loop3A_347 = arith.addi %parallel_loop3A_255, %parallel_loop3A_346 : i32
      %parallel_loop3A_348 = arith.constant 8 : i32
      %parallel_loop3A_349 = arith.addi %parallel_loop3A_348, %parallel_loop3A_237 : i32
      %parallel_loop3A_350 = arith.index_cast %parallel_loop3A_349 : i32 to index
      %parallel_loop3A_351 = arith.index_cast %parallel_loop3A_347 : i32 to index
      %parallel_loop3A_352 = tpu.vector_load %arg4[%parallel_loop3A_350, %parallel_loop3A_351] {strides = array<i32>} : memref<16x2048xf32, #tpu.memory_space<vmem>>, vector<1x16xf32>,
      %parallel_loop3A_353 = vector.shape_cast %parallel_loop3A_352 : vector<1x16xf32> to vector<16xf32>
      %parallel_loop3A_354 = vector.broadcast %parallel_loop3A_33 : f32 to vector<16xf32>
      %parallel_loop3A_355 = arith.mulf %parallel_loop3A_353, %parallel_loop3A_354 : vector<16xf32>
      %parallel_loop3A_356 = arith.index_cast %parallel_loop3A_237 : i32 to index
      %parallel_loop3A_357 = arith.index_cast %parallel_loop3A_347 : i32 to index
      %parallel_loop3A_358 = tpu.vector_load %arg7[%parallel_loop3A_356, %parallel_loop3A_357] {strides = array<i32>} : memref<8x2048xf32, #tpu.memory_space<vmem>>, vector<1x16xf32>,
      %parallel_loop3A_359 = vector.shape_cast %parallel_loop3A_358 : vector<1x16xf32> to vector<16xf32>
      %parallel_loop3A_360 = vector.shape_cast %parallel_loop3A_355 : vector<16xf32> to vector<1x16xf32>
      tpu.vector_store %arg7[%parallel_loop3A_356, %parallel_loop3A_357], %parallel_loop3A_360 {strides = array<i32>} : memref<8x2048xf32, #tpu.memory_space<vmem>>, vector<1x16xf32>,
      %parallel_loop3A_361 = arith.constant 112 : i32
      %parallel_loop3A_362 = arith.addi %parallel_loop3A_255, %parallel_loop3A_361 : i32
      %parallel_loop3A_363 = arith.constant 8 : i32
      %parallel_loop3A_364 = arith.addi %parallel_loop3A_363, %parallel_loop3A_237 : i32
      %parallel_loop3A_365 = arith.index_cast %parallel_loop3A_364 : i32 to index
      %parallel_loop3A_366 = arith.index_cast %parallel_loop3A_362 : i32 to index
      %parallel_loop3A_367 = tpu.vector_load %arg4[%parallel_loop3A_365, %parallel_loop3A_366] {strides = array<i32>} : memref<16x2048xf32, #tpu.memory_space<vmem>>, vector<1x16xf32>,
      %parallel_loop3A_368 = vector.shape_cast %parallel_loop3A_367 : vector<1x16xf32> to vector<16xf32>
      %parallel_loop3A_369 = vector.broadcast %parallel_loop3A_33 : f32 to vector<16xf32>
      %parallel_loop3A_370 = arith.mulf %parallel_loop3A_368, %parallel_loop3A_369 : vector<16xf32>
      %parallel_loop3A_371 = arith.index_cast %parallel_loop3A_237 : i32 to index
      %parallel_loop3A_372 = arith.index_cast %parallel_loop3A_362 : i32 to index
      %parallel_loop3A_373 = tpu.vector_load %arg7[%parallel_loop3A_371, %parallel_loop3A_372] {strides = array<i32>} : memref<8x2048xf32, #tpu.memory_space<vmem>>, vector<1x16xf32>,
      %parallel_loop3A_374 = vector.shape_cast %parallel_loop3A_373 : vector<1x16xf32> to vector<16xf32>
      %parallel_loop3A_375 = vector.shape_cast %parallel_loop3A_370 : vector<16xf32> to vector<1x16xf32>
      tpu.vector_store %arg7[%parallel_loop3A_371, %parallel_loop3A_372], %parallel_loop3A_375 {strides = array<i32>} : memref<8x2048xf32, #tpu.memory_space<vmem>>, vector<1x16xf32>,
    } {sc.loop_unroll_factor = 1 : i64, sc.parallel_access}
    %add3A_34 = arith.constant 0 : i32
    %add3A_35 = arith.addi %mul3A_2, %add3A_34 : i32
    %add3A_36 = arith.constant 8 : i32
    %add3A_37 = arith.addi %add3A_35, %add3A_36 : i32
    %dma_start3A_38 = arith.constant 0 : i32
    %dma_start3A_39 = tpu.memref_slice %arg3[%add3A_37, %dma_start3A_38] : memref<8192x2048xf32, #tpu.memory_space<hbm>> -> memref<8x2048xf32, #tpu.memory_space<hbm>>
    %dma_start3A_40 = arith.constant 0 : i32
    %dma_start3A_41 = tpu.memref_slice %arg3[%add3A_37, %dma_start3A_40] : memref<8192x2048xf32, #tpu.memory_space<hbm>> -> memref<8x2048xf32, #tpu.memory_space<hbm>>
    tpu.enqueue_dma source(%arg7 : memref<8x2048xf32, #tpu.memory_space<vmem>>) target(%dma_start3A_41 : memref<8x2048xf32, #tpu.memory_space<hbm>>) target_semaphore(%arg11 : memref<!tpu.dma_semaphore, #tpu.memory_space<semaphore_mem>>)
    %add3A_42 = arith.constant 32 : i32
    %add3A_43 = arith.addi %mul3A_2, %add3A_42 : i32
    %dma_start3A_44 = arith.constant 0 : i32
    %dma_start3A_45 = tpu.memref_slice %arg2[%add3A_43, %dma_start3A_44] : memref<8192x2048xf32, #tpu.memory_space<hbm>> -> memref<16x2048xf32, #tpu.memory_space<hbm>>
    %dma_start3A_46 = arith.constant 0 : i32
    %dma_start3A_47 = tpu.memref_slice %arg2[%add3A_43, %dma_start3A_46] : memref<8192x2048xf32, #tpu.memory_space<hbm>> -> memref<16x2048xf32, #tpu.memory_space<hbm>>
    tpu.enqueue_dma source(%dma_start3A_47 : memref<16x2048xf32, #tpu.memory_space<hbm>>) target(%arg4 : memref<16x2048xf32, #tpu.memory_space<vmem>>) target_semaphore(%arg8 : memref<!tpu.dma_semaphore, #tpu.memory_space<semaphore_mem>>)
    %add3A_48 = arith.constant 16 : i32
    %add3A_49 = arith.addi %mul3A_2, %add3A_48 : i32
    %dma_wait3A_50 = arith.constant 0 : i32
    %dma_wait3A_51 = tpu.memref_slice %arg2[%add3A_49, %dma_wait3A_50] : memref<8192x2048xf32, #tpu.memory_space<hbm>> -> memref<16x2048xf32, #tpu.memory_space<hbm>>
    %dma_wait3A_52 = arith.constant 0 : i32
    %dma_wait3A_53 = tpu.memref_slice %arg2[%add3A_49, %dma_wait3A_52] : memref<8192x2048xf32, #tpu.memory_space<hbm>> -> memref<16x2048xf32, #tpu.memory_space<hbm>>
    tpu.wait_dma2 semaphore(%arg9 : memref<!tpu.dma_semaphore, #tpu.memory_space<semaphore_mem>>) src(%dma_wait3A_53 : memref<16x2048xf32, #tpu.memory_space<hbm>>) dst(%arg5 : memref<16x2048xf32, #tpu.memory_space<vmem>>)
    %add3A_54 = arith.constant 0 : i32
    %add3A_55 = arith.addi %mul3A_2, %add3A_54 : i32
    %add3A_56 = arith.constant 0 : i32
    %add3A_57 = arith.addi %add3A_55, %add3A_56 : i32
    %dma_wait3A_58 = arith.constant 0 : i32
    %dma_wait3A_59 = tpu.memref_slice %arg3[%add3A_57, %dma_wait3A_58] : memref<8192x2048xf32, #tpu.memory_space<hbm>> -> memref<8x2048xf32, #tpu.memory_space<hbm>>
    %dma_wait3A_60 = arith.constant 0 : i32
    %dma_wait3A_61 = tpu.memref_slice %arg3[%add3A_57, %dma_wait3A_60] : memref<8192x2048xf32, #tpu.memory_space<hbm>> -> memref<8x2048xf32, #tpu.memory_space<hbm>>
    tpu.wait_dma2 semaphore(%arg10 : memref<!tpu.dma_semaphore, #tpu.memory_space<semaphore_mem>>) src(%arg6 : memref<8x2048xf32, #tpu.memory_space<vmem>>) dst(%dma_wait3A_61 : memref<8x2048xf32, #tpu.memory_space<hbm>>)
    %parallel_loop3A_62 = arith.constant 0 : i32
    %parallel_loop3A_63 = arith.constant 128 : i32
    %parallel_loop3A_64 = arith.constant 1 : i32
    %parallel_loop3A_65 = arith.constant 0.0220970865 : f32
    scf.for %parallel_loop3A_213 = %parallel_loop3A_62 to %parallel_loop3A_63 step %parallel_loop3A_64  : i32 {
      %parallel_loop3A_214 = arith.constant 16 : i32
      %parallel_loop3A_215 = arith.divsi %parallel_loop3A_213, %parallel_loop3A_214 : i32
      %parallel_loop3A_216 = arith.constant 0 : i32
      %parallel_loop3A_217 = arith.cmpi sgt, %parallel_loop3A_213, %parallel_loop3A_216 : i32
      %parallel_loop3A_218 = arith.extui %parallel_loop3A_217 : i1 to i32
      %parallel_loop3A_219 = arith.constant 0 : i32
      %parallel_loop3A_220 = arith.cmpi slt, %parallel_loop3A_213, %parallel_loop3A_219 : i32
      %parallel_loop3A_221 = arith.extui %parallel_loop3A_220 : i1 to i32
      %parallel_loop3A_222 = arith.subi %parallel_loop3A_218, %parallel_loop3A_221 : i32
      %parallel_loop3A_223 = arith.constant 0 : i32
      %parallel_loop3A_224 = arith.cmpi sgt, %parallel_loop3A_214, %parallel_loop3A_223 : i32
      %parallel_loop3A_225 = arith.extui %parallel_loop3A_224 : i1 to i32
      %parallel_loop3A_226 = arith.constant 0 : i32
      %parallel_loop3A_227 = arith.cmpi slt, %parallel_loop3A_214, %parallel_loop3A_226 : i32
      %parallel_loop3A_228 = arith.extui %parallel_loop3A_227 : i1 to i32
      %parallel_loop3A_229 = arith.subi %parallel_loop3A_225, %parallel_loop3A_228 : i32
      %parallel_loop3A_230 = arith.cmpi ne, %parallel_loop3A_222, %parallel_loop3A_229 : i32
      %parallel_loop3A_231 = arith.remsi %parallel_loop3A_213, %parallel_loop3A_214 : i32
      %parallel_loop3A_232 = arith.constant 0 : i32
      %parallel_loop3A_233 = arith.cmpi ne, %parallel_loop3A_231, %parallel_loop3A_232 : i32
      %parallel_loop3A_234 = arith.andi %parallel_loop3A_230, %parallel_loop3A_233 : i1
      %parallel_loop3A_235 = arith.constant 1 : i32
      %parallel_loop3A_236 = arith.subi %parallel_loop3A_215, %parallel_loop3A_235 : i32
      %parallel_loop3A_237 = arith.select %parallel_loop3A_234, %parallel_loop3A_236, %parallel_loop3A_215 : i32
      %parallel_loop3A_238 = arith.constant 16 : i32
      %parallel_loop3A_239 = arith.constant 0 : i32
      %parallel_loop3A_240 = arith.cmpi eq, %parallel_loop3A_238, %parallel_loop3A_239 : i32
      %parallel_loop3A_241 = arith.constant 1 : i32
      %parallel_loop3A_242 = arith.select %parallel_loop3A_240, %parallel_loop3A_241, %parallel_loop3A_238 : i32
      %parallel_loop3A_243 = arith.remsi %parallel_loop3A_213, %parallel_loop3A_242 : i32
      %parallel_loop3A_244 = arith.constant 0 : i32
      %parallel_loop3A_245 = arith.cmpi ne, %parallel_loop3A_243, %parallel_loop3A_244 : i32
      %parallel_loop3A_246 = arith.constant 0 : i32
      %parallel_loop3A_247 = arith.cmpi slt, %parallel_loop3A_243, %parallel_loop3A_246 : i32
      %parallel_loop3A_248 = arith.constant 0 : i32
      %parallel_loop3A_249 = arith.cmpi slt, %parallel_loop3A_242, %parallel_loop3A_248 : i32
      %parallel_loop3A_250 = arith.xori %parallel_loop3A_247, %parallel_loop3A_249 : i1
      %parallel_loop3A_251 = arith.andi %parallel_loop3A_250, %parallel_loop3A_245 : i1
      %parallel_loop3A_252 = arith.addi %parallel_loop3A_243, %parallel_loop3A_242 : i32
      %parallel_loop3A_253 = arith.select %parallel_loop3A_251, %parallel_loop3A_252, %parallel_loop3A_243 : i32
      %parallel_loop3A_254 = arith.constant 128 : i32
      %parallel_loop3A_255 = arith.muli %parallel_loop3A_253, %parallel_loop3A_254 : i32
      %parallel_loop3A_256 = arith.constant 0 : i32
      %parallel_loop3A_257 = arith.addi %parallel_loop3A_255, %parallel_loop3A_256 : i32
      %parallel_loop3A_258 = arith.constant 0 : i32
      %parallel_loop3A_259 = arith.addi %parallel_loop3A_258, %parallel_loop3A_237 : i32
      %parallel_loop3A_260 = arith.index_cast %parallel_loop3A_259 : i32 to index
      %parallel_loop3A_261 = arith.index_cast %parallel_loop3A_257 : i32 to index
      %parallel_loop3A_262 = tpu.vector_load %arg5[%parallel_loop3A_260, %parallel_loop3A_261] {strides = array<i32>} : memref<16x2048xf32, #tpu.memory_space<vmem>>, vector<1x16xf32>,
      %parallel_loop3A_263 = vector.shape_cast %parallel_loop3A_262 : vector<1x16xf32> to vector<16xf32>
      %parallel_loop3A_264 = vector.broadcast %parallel_loop3A_65 : f32 to vector<16xf32>
      %parallel_loop3A_265 = arith.mulf %parallel_loop3A_263, %parallel_loop3A_264 : vector<16xf32>
      %parallel_loop3A_266 = arith.index_cast %parallel_loop3A_237 : i32 to index
      %parallel_loop3A_267 = arith.index_cast %parallel_loop3A_257 : i32 to index
      %parallel_loop3A_268 = tpu.vector_load %arg6[%parallel_loop3A_266, %parallel_loop3A_267] {strides = array<i32>} : memref<8x2048xf32, #tpu.memory_space<vmem>>, vector<1x16xf32>,
      %parallel_loop3A_269 = vector.shape_cast %parallel_loop3A_268 : vector<1x16xf32> to vector<16xf32>
      %parallel_loop3A_270 = vector.shape_cast %parallel_loop3A_265 : vector<16xf32> to vector<1x16xf32>
      tpu.vector_store %arg6[%parallel_loop3A_266, %parallel_loop3A_267], %parallel_loop3A_270 {strides = array<i32>} : memref<8x2048xf32, #tpu.memory_space<vmem>>, vector<1x16xf32>,
      %parallel_loop3A_271 = arith.constant 16 : i32
      %parallel_loop3A_272 = arith.addi %parallel_loop3A_255, %parallel_loop3A_271 : i32
      %parallel_loop3A_273 = arith.constant 0 : i32
      %parallel_loop3A_274 = arith.addi %parallel_loop3A_273, %parallel_loop3A_237 : i32
      %parallel_loop3A_275 = arith.index_cast %parallel_loop3A_274 : i32 to index
      %parallel_loop3A_276 = arith.index_cast %parallel_loop3A_272 : i32 to index
      %parallel_loop3A_277 = tpu.vector_load %arg5[%parallel_loop3A_275, %parallel_loop3A_276] {strides = array<i32>} : memref<16x2048xf32, #tpu.memory_space<vmem>>, vector<1x16xf32>,
      %parallel_loop3A_278 = vector.shape_cast %parallel_loop3A_277 : vector<1x16xf32> to vector<16xf32>
      %parallel_loop3A_279 = vector.broadcast %parallel_loop3A_65 : f32 to vector<16xf32>
      %parallel_loop3A_280 = arith.mulf %parallel_loop3A_278, %parallel_loop3A_279 : vector<16xf32>
      %parallel_loop3A_281 = arith.index_cast %parallel_loop3A_237 : i32 to index
      %parallel_loop3A_282 = arith.index_cast %parallel_loop3A_272 : i32 to index
      %parallel_loop3A_283 = tpu.vector_load %arg6[%parallel_loop3A_281, %parallel_loop3A_282] {strides = array<i32>} : memref<8x2048xf32, #tpu.memory_space<vmem>>, vector<1x16xf32>,
      %parallel_loop3A_284 = vector.shape_cast %parallel_loop3A_283 : vector<1x16xf32> to vector<16xf32>
      %parallel_loop3A_285 = vector.shape_cast %parallel_loop3A_280 : vector<16xf32> to vector<1x16xf32>
      tpu.vector_store %arg6[%parallel_loop3A_281, %parallel_loop3A_282], %parallel_loop3A_285 {strides = array<i32>} : memref<8x2048xf32, #tpu.memory_space<vmem>>, vector<1x16xf32>,
      %parallel_loop3A_286 = arith.constant 32 : i32
      %parallel_loop3A_287 = arith.addi %parallel_loop3A_255, %parallel_loop3A_286 : i32
      %parallel_loop3A_288 = arith.constant 0 : i32
      %parallel_loop3A_289 = arith.addi %parallel_loop3A_288, %parallel_loop3A_237 : i32
      %parallel_loop3A_290 = arith.index_cast %parallel_loop3A_289 : i32 to index
      %parallel_loop3A_291 = arith.index_cast %parallel_loop3A_287 : i32 to index
      %parallel_loop3A_292 = tpu.vector_load %arg5[%parallel_loop3A_290, %parallel_loop3A_291] {strides = array<i32>} : memref<16x2048xf32, #tpu.memory_space<vmem>>, vector<1x16xf32>,
      %parallel_loop3A_293 = vector.shape_cast %parallel_loop3A_292 : vector<1x16xf32> to vector<16xf32>
      %parallel_loop3A_294 = vector.broadcast %parallel_loop3A_65 : f32 to vector<16xf32>
      %parallel_loop3A_295 = arith.mulf %parallel_loop3A_293, %parallel_loop3A_294 : vector<16xf32>
      %parallel_loop3A_296 = arith.index_cast %parallel_loop3A_237 : i32 to index
      %parallel_loop3A_297 = arith.index_cast %parallel_loop3A_287 : i32 to index
      %parallel_loop3A_298 = tpu.vector_load %arg6[%parallel_loop3A_296, %parallel_loop3A_297] {strides = array<i32>} : memref<8x2048xf32, #tpu.memory_space<vmem>>, vector<1x16xf32>,
      %parallel_loop3A_299 = vector.shape_cast %parallel_loop3A_298 : vector<1x16xf32> to vector<16xf32>
      %parallel_loop3A_300 = vector.shape_cast %parallel_loop3A_295 : vector<16xf32> to vector<1x16xf32>
      tpu.vector_store %arg6[%parallel_loop3A_296, %parallel_loop3A_297], %parallel_loop3A_300 {strides = array<i32>} : memref<8x2048xf32, #tpu.memory_space<vmem>>, vector<1x16xf32>,
      %parallel_loop3A_301 = arith.constant 48 : i32
      %parallel_loop3A_302 = arith.addi %parallel_loop3A_255, %parallel_loop3A_301 : i32
      %parallel_loop3A_303 = arith.constant 0 : i32
      %parallel_loop3A_304 = arith.addi %parallel_loop3A_303, %parallel_loop3A_237 : i32
      %parallel_loop3A_305 = arith.index_cast %parallel_loop3A_304 : i32 to index
      %parallel_loop3A_306 = arith.index_cast %parallel_loop3A_302 : i32 to index
      %parallel_loop3A_307 = tpu.vector_load %arg5[%parallel_loop3A_305, %parallel_loop3A_306] {strides = array<i32>} : memref<16x2048xf32, #tpu.memory_space<vmem>>, vector<1x16xf32>,
      %parallel_loop3A_308 = vector.shape_cast %parallel_loop3A_307 : vector<1x16xf32> to vector<16xf32>
      %parallel_loop3A_309 = vector.broadcast %parallel_loop3A_65 : f32 to vector<16xf32>
      %parallel_loop3A_310 = arith.mulf %parallel_loop3A_308, %parallel_loop3A_309 : vector<16xf32>
      %parallel_loop3A_311 = arith.index_cast %parallel_loop3A_237 : i32 to index
      %parallel_loop3A_312 = arith.index_cast %parallel_loop3A_302 : i32 to index
      %parallel_loop3A_313 = tpu.vector_load %arg6[%parallel_loop3A_311, %parallel_loop3A_312] {strides = array<i32>} : memref<8x2048xf32, #tpu.memory_space<vmem>>, vector<1x16xf32>,
      %parallel_loop3A_314 = vector.shape_cast %parallel_loop3A_313 : vector<1x16xf32> to vector<16xf32>
      %parallel_loop3A_315 = vector.shape_cast %parallel_loop3A_310 : vector<16xf32> to vector<1x16xf32>
      tpu.vector_store %arg6[%parallel_loop3A_311, %parallel_loop3A_312], %parallel_loop3A_315 {strides = array<i32>} : memref<8x2048xf32, #tpu.memory_space<vmem>>, vector<1x16xf32>,
      %parallel_loop3A_316 = arith.constant 64 : i32
      %parallel_loop3A_317 = arith.addi %parallel_loop3A_255, %parallel_loop3A_316 : i32
      %parallel_loop3A_318 = arith.constant 0 : i32
      %parallel_loop3A_319 = arith.addi %parallel_loop3A_318, %parallel_loop3A_237 : i32
      %parallel_loop3A_320 = arith.index_cast %parallel_loop3A_319 : i32 to index
      %parallel_loop3A_321 = arith.index_cast %parallel_loop3A_317 : i32 to index
      %parallel_loop3A_322 = tpu.vector_load %arg5[%parallel_loop3A_320, %parallel_loop3A_321] {strides = array<i32>} : memref<16x2048xf32, #tpu.memory_space<vmem>>, vector<1x16xf32>,
      %parallel_loop3A_323 = vector.shape_cast %parallel_loop3A_322 : vector<1x16xf32> to vector<16xf32>
      %parallel_loop3A_324 = vector.broadcast %parallel_loop3A_65 : f32 to vector<16xf32>
      %parallel_loop3A_325 = arith.mulf %parallel_loop3A_323, %parallel_loop3A_324 : vector<16xf32>
      %parallel_loop3A_326 = arith.index_cast %parallel_loop3A_237 : i32 to index
      %parallel_loop3A_327 = arith.index_cast %parallel_loop3A_317 : i32 to index
      %parallel_loop3A_328 = tpu.vector_load %arg6[%parallel_loop3A_326, %parallel_loop3A_327] {strides = array<i32>} : memref<8x2048xf32, #tpu.memory_space<vmem>>, vector<1x16xf32>,
      %parallel_loop3A_329 = vector.shape_cast %parallel_loop3A_328 : vector<1x16xf32> to vector<16xf32>
      %parallel_loop3A_330 = vector.shape_cast %parallel_loop3A_325 : vector<16xf32> to vector<1x16xf32>
      tpu.vector_store %arg6[%parallel_loop3A_326, %parallel_loop3A_327], %parallel_loop3A_330 {strides = array<i32>} : memref<8x2048xf32, #tpu.memory_space<vmem>>, vector<1x16xf32>,
      %parallel_loop3A_331 = arith.constant 80 : i32
      %parallel_loop3A_332 = arith.addi %parallel_loop3A_255, %parallel_loop3A_331 : i32
      %parallel_loop3A_333 = arith.constant 0 : i32
      %parallel_loop3A_334 = arith.addi %parallel_loop3A_333, %parallel_loop3A_237 : i32
      %parallel_loop3A_335 = arith.index_cast %parallel_loop3A_334 : i32 to index
      %parallel_loop3A_336 = arith.index_cast %parallel_loop3A_332 : i32 to index
      %parallel_loop3A_337 = tpu.vector_load %arg5[%parallel_loop3A_335, %parallel_loop3A_336] {strides = array<i32>} : memref<16x2048xf32, #tpu.memory_space<vmem>>, vector<1x16xf32>,
      %parallel_loop3A_338 = vector.shape_cast %parallel_loop3A_337 : vector<1x16xf32> to vector<16xf32>
      %parallel_loop3A_339 = vector.broadcast %parallel_loop3A_65 : f32 to vector<16xf32>
      %parallel_loop3A_340 = arith.mulf %parallel_loop3A_338, %parallel_loop3A_339 : vector<16xf32>
      %parallel_loop3A_341 = arith.index_cast %parallel_loop3A_237 : i32 to index
      %parallel_loop3A_342 = arith.index_cast %parallel_loop3A_332 : i32 to index
      %parallel_loop3A_343 = tpu.vector_load %arg6[%parallel_loop3A_341, %parallel_loop3A_342] {strides = array<i32>} : memref<8x2048xf32, #tpu.memory_space<vmem>>, vector<1x16xf32>,
      %parallel_loop3A_344 = vector.shape_cast %parallel_loop3A_343 : vector<1x16xf32> to vector<16xf32>
      %parallel_loop3A_345 = vector.shape_cast %parallel_loop3A_340 : vector<16xf32> to vector<1x16xf32>
      tpu.vector_store %arg6[%parallel_loop3A_341, %parallel_loop3A_342], %parallel_loop3A_345 {strides = array<i32>} : memref<8x2048xf32, #tpu.memory_space<vmem>>, vector<1x16xf32>,
      %parallel_loop3A_346 = arith.constant 96 : i32
      %parallel_loop3A_347 = arith.addi %parallel_loop3A_255, %parallel_loop3A_346 : i32
      %parallel_loop3A_348 = arith.constant 0 : i32
      %parallel_loop3A_349 = arith.addi %parallel_loop3A_348, %parallel_loop3A_237 : i32
      %parallel_loop3A_350 = arith.index_cast %parallel_loop3A_349 : i32 to index
      %parallel_loop3A_351 = arith.index_cast %parallel_loop3A_347 : i32 to index
      %parallel_loop3A_352 = tpu.vector_load %arg5[%parallel_loop3A_350, %parallel_loop3A_351] {strides = array<i32>} : memref<16x2048xf32, #tpu.memory_space<vmem>>, vector<1x16xf32>,
      %parallel_loop3A_353 = vector.shape_cast %parallel_loop3A_352 : vector<1x16xf32> to vector<16xf32>
      %parallel_loop3A_354 = vector.broadcast %parallel_loop3A_65 : f32 to vector<16xf32>
      %parallel_loop3A_355 = arith.mulf %parallel_loop3A_353, %parallel_loop3A_354 : vector<16xf32>
      %parallel_loop3A_356 = arith.index_cast %parallel_loop3A_237 : i32 to index
      %parallel_loop3A_357 = arith.index_cast %parallel_loop3A_347 : i32 to index
      %parallel_loop3A_358 = tpu.vector_load %arg6[%parallel_loop3A_356, %parallel_loop3A_357] {strides = array<i32>} : memref<8x2048xf32, #tpu.memory_space<vmem>>, vector<1x16xf32>,
      %parallel_loop3A_359 = vector.shape_cast %parallel_loop3A_358 : vector<1x16xf32> to vector<16xf32>
      %parallel_loop3A_360 = vector.shape_cast %parallel_loop3A_355 : vector<16xf32> to vector<1x16xf32>
      tpu.vector_store %arg6[%parallel_loop3A_356, %parallel_loop3A_357], %parallel_loop3A_360 {strides = array<i32>} : memref<8x2048xf32, #tpu.memory_space<vmem>>, vector<1x16xf32>,
      %parallel_loop3A_361 = arith.constant 112 : i32
      %parallel_loop3A_362 = arith.addi %parallel_loop3A_255, %parallel_loop3A_361 : i32
      %parallel_loop3A_363 = arith.constant 0 : i32
      %parallel_loop3A_364 = arith.addi %parallel_loop3A_363, %parallel_loop3A_237 : i32
      %parallel_loop3A_365 = arith.index_cast %parallel_loop3A_364 : i32 to index
      %parallel_loop3A_366 = arith.index_cast %parallel_loop3A_362 : i32 to index
      %parallel_loop3A_367 = tpu.vector_load %arg5[%parallel_loop3A_365, %parallel_loop3A_366] {strides = array<i32>} : memref<16x2048xf32, #tpu.memory_space<vmem>>, vector<1x16xf32>,
      %parallel_loop3A_368 = vector.shape_cast %parallel_loop3A_367 : vector<1x16xf32> to vector<16xf32>
      %parallel_loop3A_369 = vector.broadcast %parallel_loop3A_65 : f32 to vector<16xf32>
      %parallel_loop3A_370 = arith.mulf %parallel_loop3A_368, %parallel_loop3A_369 : vector<16xf32>
      %parallel_loop3A_371 = arith.index_cast %parallel_loop3A_237 : i32 to index
      %parallel_loop3A_372 = arith.index_cast %parallel_loop3A_362 : i32 to index
      %parallel_loop3A_373 = tpu.vector_load %arg6[%parallel_loop3A_371, %parallel_loop3A_372] {strides = array<i32>} : memref<8x2048xf32, #tpu.memory_space<vmem>>, vector<1x16xf32>,
      %parallel_loop3A_374 = vector.shape_cast %parallel_loop3A_373 : vector<1x16xf32> to vector<16xf32>
      %parallel_loop3A_375 = vector.shape_cast %parallel_loop3A_370 : vector<16xf32> to vector<1x16xf32>
      tpu.vector_store %arg6[%parallel_loop3A_371, %parallel_loop3A_372], %parallel_loop3A_375 {strides = array<i32>} : memref<8x2048xf32, #tpu.memory_space<vmem>>, vector<1x16xf32>,
    } {sc.loop_unroll_factor = 1 : i64, sc.parallel_access}
    %add3A_66 = arith.constant 16 : i32
    %add3A_67 = arith.addi %mul3A_2, %add3A_66 : i32
    %add3A_68 = arith.constant 0 : i32
    %add3A_69 = arith.addi %add3A_67, %add3A_68 : i32
    %dma_start3A_70 = arith.constant 0 : i32
    %dma_start3A_71 = tpu.memref_slice %arg3[%add3A_69, %dma_start3A_70] : memref<8192x2048xf32, #tpu.memory_space<hbm>> -> memref<8x2048xf32, #tpu.memory_space<hbm>>
    %dma_start3A_72 = arith.constant 0 : i32
    %dma_start3A_73 = tpu.memref_slice %arg3[%add3A_69, %dma_start3A_72] : memref<8192x2048xf32, #tpu.memory_space<hbm>> -> memref<8x2048xf32, #tpu.memory_space<hbm>>
    tpu.enqueue_dma source(%arg6 : memref<8x2048xf32, #tpu.memory_space<vmem>>) target(%dma_start3A_73 : memref<8x2048xf32, #tpu.memory_space<hbm>>) target_semaphore(%arg10 : memref<!tpu.dma_semaphore, #tpu.memory_space<semaphore_mem>>)
    %add3A_74 = arith.constant 0 : i32
    %add3A_75 = arith.addi %mul3A_2, %add3A_74 : i32
    %add3A_76 = arith.constant 8 : i32
    %add3A_77 = arith.addi %add3A_75, %add3A_76 : i32
    %dma_wait3A_78 = arith.constant 0 : i32
    %dma_wait3A_79 = tpu.memref_slice %arg3[%add3A_77, %dma_wait3A_78] : memref<8192x2048xf32, #tpu.memory_space<hbm>> -> memref<8x2048xf32, #tpu.memory_space<hbm>>
    %dma_wait3A_80 = arith.constant 0 : i32
    %dma_wait3A_81 = tpu.memref_slice %arg3[%add3A_77, %dma_wait3A_80] : memref<8192x2048xf32, #tpu.memory_space<hbm>> -> memref<8x2048xf32, #tpu.memory_space<hbm>>
    tpu.wait_dma2 semaphore(%arg11 : memref<!tpu.dma_semaphore, #tpu.memory_space<semaphore_mem>>) src(%arg7 : memref<8x2048xf32, #tpu.memory_space<vmem>>) dst(%dma_wait3A_81 : memref<8x2048xf32, #tpu.memory_space<hbm>>)
    %parallel_loop3A_82 = arith.constant 0 : i32
    %parallel_loop3A_83 = arith.constant 128 : i32
    %parallel_loop3A_84 = arith.constant 1 : i32
    %parallel_loop3A_85 = arith.constant 0.0220970865 : f32
    scf.for %parallel_loop3A_213 = %parallel_loop3A_82 to %parallel_loop3A_83 step %parallel_loop3A_84  : i32 {
      %parallel_loop3A_214 = arith.constant 16 : i32
      %parallel_loop3A_215 = arith.divsi %parallel_loop3A_213, %parallel_loop3A_214 : i32
      %parallel_loop3A_216 = arith.constant 0 : i32
      %parallel_loop3A_217 = arith.cmpi sgt, %parallel_loop3A_213, %parallel_loop3A_216 : i32
      %parallel_loop3A_218 = arith.extui %parallel_loop3A_217 : i1 to i32
      %parallel_loop3A_219 = arith.constant 0 : i32
      %parallel_loop3A_220 = arith.cmpi slt, %parallel_loop3A_213, %parallel_loop3A_219 : i32
      %parallel_loop3A_221 = arith.extui %parallel_loop3A_220 : i1 to i32
      %parallel_loop3A_222 = arith.subi %parallel_loop3A_218, %parallel_loop3A_221 : i32
      %parallel_loop3A_223 = arith.constant 0 : i32
      %parallel_loop3A_224 = arith.cmpi sgt, %parallel_loop3A_214, %parallel_loop3A_223 : i32
      %parallel_loop3A_225 = arith.extui %parallel_loop3A_224 : i1 to i32
      %parallel_loop3A_226 = arith.constant 0 : i32
      %parallel_loop3A_227 = arith.cmpi slt, %parallel_loop3A_214, %parallel_loop3A_226 : i32
      %parallel_loop3A_228 = arith.extui %parallel_loop3A_227 : i1 to i32
      %parallel_loop3A_229 = arith.subi %parallel_loop3A_225, %parallel_loop3A_228 : i32
      %parallel_loop3A_230 = arith.cmpi ne, %parallel_loop3A_222, %parallel_loop3A_229 : i32
      %parallel_loop3A_231 = arith.remsi %parallel_loop3A_213, %parallel_loop3A_214 : i32
      %parallel_loop3A_232 = arith.constant 0 : i32
      %parallel_loop3A_233 = arith.cmpi ne, %parallel_loop3A_231, %parallel_loop3A_232 : i32
      %parallel_loop3A_234 = arith.andi %parallel_loop3A_230, %parallel_loop3A_233 : i1
      %parallel_loop3A_235 = arith.constant 1 : i32
      %parallel_loop3A_236 = arith.subi %parallel_loop3A_215, %parallel_loop3A_235 : i32
      %parallel_loop3A_237 = arith.select %parallel_loop3A_234, %parallel_loop3A_236, %parallel_loop3A_215 : i32
      %parallel_loop3A_238 = arith.constant 16 : i32
      %parallel_loop3A_239 = arith.constant 0 : i32
      %parallel_loop3A_240 = arith.cmpi eq, %parallel_loop3A_238, %parallel_loop3A_239 : i32
      %parallel_loop3A_241 = arith.constant 1 : i32
      %parallel_loop3A_242 = arith.select %parallel_loop3A_240, %parallel_loop3A_241, %parallel_loop3A_238 : i32
      %parallel_loop3A_243 = arith.remsi %parallel_loop3A_213, %parallel_loop3A_242 : i32
      %parallel_loop3A_244 = arith.constant 0 : i32
      %parallel_loop3A_245 = arith.cmpi ne, %parallel_loop3A_243, %parallel_loop3A_244 : i32
      %parallel_loop3A_246 = arith.constant 0 : i32
      %parallel_loop3A_247 = arith.cmpi slt, %parallel_loop3A_243, %parallel_loop3A_246 : i32
      %parallel_loop3A_248 = arith.constant 0 : i32
      %parallel_loop3A_249 = arith.cmpi slt, %parallel_loop3A_242, %parallel_loop3A_248 : i32
      %parallel_loop3A_250 = arith.xori %parallel_loop3A_247, %parallel_loop3A_249 : i1
      %parallel_loop3A_251 = arith.andi %parallel_loop3A_250, %parallel_loop3A_245 : i1
      %parallel_loop3A_252 = arith.addi %parallel_loop3A_243, %parallel_loop3A_242 : i32
      %parallel_loop3A_253 = arith.select %parallel_loop3A_251, %parallel_loop3A_252, %parallel_loop3A_243 : i32
      %parallel_loop3A_254 = arith.constant 128 : i32
      %parallel_loop3A_255 = arith.muli %parallel_loop3A_253, %parallel_loop3A_254 : i32
      %parallel_loop3A_256 = arith.constant 0 : i32
      %parallel_loop3A_257 = arith.addi %parallel_loop3A_255, %parallel_loop3A_256 : i32
      %parallel_loop3A_258 = arith.constant 8 : i32
      %parallel_loop3A_259 = arith.addi %parallel_loop3A_258, %parallel_loop3A_237 : i32
      %parallel_loop3A_260 = arith.index_cast %parallel_loop3A_259 : i32 to index
      %parallel_loop3A_261 = arith.index_cast %parallel_loop3A_257 : i32 to index
      %parallel_loop3A_262 = tpu.vector_load %arg5[%parallel_loop3A_260, %parallel_loop3A_261] {strides = array<i32>} : memref<16x2048xf32, #tpu.memory_space<vmem>>, vector<1x16xf32>,
      %parallel_loop3A_263 = vector.shape_cast %parallel_loop3A_262 : vector<1x16xf32> to vector<16xf32>
      %parallel_loop3A_264 = vector.broadcast %parallel_loop3A_85 : f32 to vector<16xf32>
      %parallel_loop3A_265 = arith.mulf %parallel_loop3A_263, %parallel_loop3A_264 : vector<16xf32>
      %parallel_loop3A_266 = arith.index_cast %parallel_loop3A_237 : i32 to index
      %parallel_loop3A_267 = arith.index_cast %parallel_loop3A_257 : i32 to index
      %parallel_loop3A_268 = tpu.vector_load %arg7[%parallel_loop3A_266, %parallel_loop3A_267] {strides = array<i32>} : memref<8x2048xf32, #tpu.memory_space<vmem>>, vector<1x16xf32>,
      %parallel_loop3A_269 = vector.shape_cast %parallel_loop3A_268 : vector<1x16xf32> to vector<16xf32>
      %parallel_loop3A_270 = vector.shape_cast %parallel_loop3A_265 : vector<16xf32> to vector<1x16xf32>
      tpu.vector_store %arg7[%parallel_loop3A_266, %parallel_loop3A_267], %parallel_loop3A_270 {strides = array<i32>} : memref<8x2048xf32, #tpu.memory_space<vmem>>, vector<1x16xf32>,
      %parallel_loop3A_271 = arith.constant 16 : i32
      %parallel_loop3A_272 = arith.addi %parallel_loop3A_255, %parallel_loop3A_271 : i32
      %parallel_loop3A_273 = arith.constant 8 : i32
      %parallel_loop3A_274 = arith.addi %parallel_loop3A_273, %parallel_loop3A_237 : i32
      %parallel_loop3A_275 = arith.index_cast %parallel_loop3A_274 : i32 to index
      %parallel_loop3A_276 = arith.index_cast %parallel_loop3A_272 : i32 to index
      %parallel_loop3A_277 = tpu.vector_load %arg5[%parallel_loop3A_275, %parallel_loop3A_276] {strides = array<i32>} : memref<16x2048xf32, #tpu.memory_space<vmem>>, vector<1x16xf32>,
      %parallel_loop3A_278 = vector.shape_cast %parallel_loop3A_277 : vector<1x16xf32> to vector<16xf32>
      %parallel_loop3A_279 = vector.broadcast %parallel_loop3A_85 : f32 to vector<16xf32>
      %parallel_loop3A_280 = arith.mulf %parallel_loop3A_278, %parallel_loop3A_279 : vector<16xf32>
      %parallel_loop3A_281 = arith.index_cast %parallel_loop3A_237 : i32 to index
      %parallel_loop3A_282 = arith.index_cast %parallel_loop3A_272 : i32 to index
      %parallel_loop3A_283 = tpu.vector_load %arg7[%parallel_loop3A_281, %parallel_loop3A_282] {strides = array<i32>} : memref<8x2048xf32, #tpu.memory_space<vmem>>, vector<1x16xf32>,
      %parallel_loop3A_284 = vector.shape_cast %parallel_loop3A_283 : vector<1x16xf32> to vector<16xf32>
      %parallel_loop3A_285 = vector.shape_cast %parallel_loop3A_280 : vector<16xf32> to vector<1x16xf32>
      tpu.vector_store %arg7[%parallel_loop3A_281, %parallel_loop3A_282], %parallel_loop3A_285 {strides = array<i32>} : memref<8x2048xf32, #tpu.memory_space<vmem>>, vector<1x16xf32>,
      %parallel_loop3A_286 = arith.constant 32 : i32
      %parallel_loop3A_287 = arith.addi %parallel_loop3A_255, %parallel_loop3A_286 : i32
      %parallel_loop3A_288 = arith.constant 8 : i32
      %parallel_loop3A_289 = arith.addi %parallel_loop3A_288, %parallel_loop3A_237 : i32
      %parallel_loop3A_290 = arith.index_cast %parallel_loop3A_289 : i32 to index
      %parallel_loop3A_291 = arith.index_cast %parallel_loop3A_287 : i32 to index
      %parallel_loop3A_292 = tpu.vector_load %arg5[%parallel_loop3A_290, %parallel_loop3A_291] {strides = array<i32>} : memref<16x2048xf32, #tpu.memory_space<vmem>>, vector<1x16xf32>,
      %parallel_loop3A_293 = vector.shape_cast %parallel_loop3A_292 : vector<1x16xf32> to vector<16xf32>
      %parallel_loop3A_294 = vector.broadcast %parallel_loop3A_85 : f32 to vector<16xf32>
      %parallel_loop3A_295 = arith.mulf %parallel_loop3A_293, %parallel_loop3A_294 : vector<16xf32>
      %parallel_loop3A_296 = arith.index_cast %parallel_loop3A_237 : i32 to index
      %parallel_loop3A_297 = arith.index_cast %parallel_loop3A_287 : i32 to index
      %parallel_loop3A_298 = tpu.vector_load %arg7[%parallel_loop3A_296, %parallel_loop3A_297] {strides = array<i32>} : memref<8x2048xf32, #tpu.memory_space<vmem>>, vector<1x16xf32>,
      %parallel_loop3A_299 = vector.shape_cast %parallel_loop3A_298 : vector<1x16xf32> to vector<16xf32>
      %parallel_loop3A_300 = vector.shape_cast %parallel_loop3A_295 : vector<16xf32> to vector<1x16xf32>
      tpu.vector_store %arg7[%parallel_loop3A_296, %parallel_loop3A_297], %parallel_loop3A_300 {strides = array<i32>} : memref<8x2048xf32, #tpu.memory_space<vmem>>, vector<1x16xf32>,
      %parallel_loop3A_301 = arith.constant 48 : i32
      %parallel_loop3A_302 = arith.addi %parallel_loop3A_255, %parallel_loop3A_301 : i32
      %parallel_loop3A_303 = arith.constant 8 : i32
      %parallel_loop3A_304 = arith.addi %parallel_loop3A_303, %parallel_loop3A_237 : i32
      %parallel_loop3A_305 = arith.index_cast %parallel_loop3A_304 : i32 to index
      %parallel_loop3A_306 = arith.index_cast %parallel_loop3A_302 : i32 to index
      %parallel_loop3A_307 = tpu.vector_load %arg5[%parallel_loop3A_305, %parallel_loop3A_306] {strides = array<i32>} : memref<16x2048xf32, #tpu.memory_space<vmem>>, vector<1x16xf32>,
      %parallel_loop3A_308 = vector.shape_cast %parallel_loop3A_307 : vector<1x16xf32> to vector<16xf32>
      %parallel_loop3A_309 = vector.broadcast %parallel_loop3A_85 : f32 to vector<16xf32>
      %parallel_loop3A_310 = arith.mulf %parallel_loop3A_308, %parallel_loop3A_309 : vector<16xf32>
      %parallel_loop3A_311 = arith.index_cast %parallel_loop3A_237 : i32 to index
      %parallel_loop3A_312 = arith.index_cast %parallel_loop3A_302 : i32 to index
      %parallel_loop3A_313 = tpu.vector_load %arg7[%parallel_loop3A_311, %parallel_loop3A_312] {strides = array<i32>} : memref<8x2048xf32, #tpu.memory_space<vmem>>, vector<1x16xf32>,
      %parallel_loop3A_314 = vector.shape_cast %parallel_loop3A_313 : vector<1x16xf32> to vector<16xf32>
      %parallel_loop3A_315 = vector.shape_cast %parallel_loop3A_310 : vector<16xf32> to vector<1x16xf32>
      tpu.vector_store %arg7[%parallel_loop3A_311, %parallel_loop3A_312], %parallel_loop3A_315 {strides = array<i32>} : memref<8x2048xf32, #tpu.memory_space<vmem>>, vector<1x16xf32>,
      %parallel_loop3A_316 = arith.constant 64 : i32
      %parallel_loop3A_317 = arith.addi %parallel_loop3A_255, %parallel_loop3A_316 : i32
      %parallel_loop3A_318 = arith.constant 8 : i32
      %parallel_loop3A_319 = arith.addi %parallel_loop3A_318, %parallel_loop3A_237 : i32
      %parallel_loop3A_320 = arith.index_cast %parallel_loop3A_319 : i32 to index
      %parallel_loop3A_321 = arith.index_cast %parallel_loop3A_317 : i32 to index
      %parallel_loop3A_322 = tpu.vector_load %arg5[%parallel_loop3A_320, %parallel_loop3A_321] {strides = array<i32>} : memref<16x2048xf32, #tpu.memory_space<vmem>>, vector<1x16xf32>,
      %parallel_loop3A_323 = vector.shape_cast %parallel_loop3A_322 : vector<1x16xf32> to vector<16xf32>
      %parallel_loop3A_324 = vector.broadcast %parallel_loop3A_85 : f32 to vector<16xf32>
      %parallel_loop3A_325 = arith.mulf %parallel_loop3A_323, %parallel_loop3A_324 : vector<16xf32>
      %parallel_loop3A_326 = arith.index_cast %parallel_loop3A_237 : i32 to index
      %parallel_loop3A_327 = arith.index_cast %parallel_loop3A_317 : i32 to index
      %parallel_loop3A_328 = tpu.vector_load %arg7[%parallel_loop3A_326, %parallel_loop3A_327] {strides = array<i32>} : memref<8x2048xf32, #tpu.memory_space<vmem>>, vector<1x16xf32>,
      %parallel_loop3A_329 = vector.shape_cast %parallel_loop3A_328 : vector<1x16xf32> to vector<16xf32>
      %parallel_loop3A_330 = vector.shape_cast %parallel_loop3A_325 : vector<16xf32> to vector<1x16xf32>
      tpu.vector_store %arg7[%parallel_loop3A_326, %parallel_loop3A_327], %parallel_loop3A_330 {strides = array<i32>} : memref<8x2048xf32, #tpu.memory_space<vmem>>, vector<1x16xf32>,
      %parallel_loop3A_331 = arith.constant 80 : i32
      %parallel_loop3A_332 = arith.addi %parallel_loop3A_255, %parallel_loop3A_331 : i32
      %parallel_loop3A_333 = arith.constant 8 : i32
      %parallel_loop3A_334 = arith.addi %parallel_loop3A_333, %parallel_loop3A_237 : i32
      %parallel_loop3A_335 = arith.index_cast %parallel_loop3A_334 : i32 to index
      %parallel_loop3A_336 = arith.index_cast %parallel_loop3A_332 : i32 to index
      %parallel_loop3A_337 = tpu.vector_load %arg5[%parallel_loop3A_335, %parallel_loop3A_336] {strides = array<i32>} : memref<16x2048xf32, #tpu.memory_space<vmem>>, vector<1x16xf32>,
      %parallel_loop3A_338 = vector.shape_cast %parallel_loop3A_337 : vector<1x16xf32> to vector<16xf32>
      %parallel_loop3A_339 = vector.broadcast %parallel_loop3A_85 : f32 to vector<16xf32>
      %parallel_loop3A_340 = arith.mulf %parallel_loop3A_338, %parallel_loop3A_339 : vector<16xf32>
      %parallel_loop3A_341 = arith.index_cast %parallel_loop3A_237 : i32 to index
      %parallel_loop3A_342 = arith.index_cast %parallel_loop3A_332 : i32 to index
      %parallel_loop3A_343 = tpu.vector_load %arg7[%parallel_loop3A_341, %parallel_loop3A_342] {strides = array<i32>} : memref<8x2048xf32, #tpu.memory_space<vmem>>, vector<1x16xf32>,
      %parallel_loop3A_344 = vector.shape_cast %parallel_loop3A_343 : vector<1x16xf32> to vector<16xf32>
      %parallel_loop3A_345 = vector.shape_cast %parallel_loop3A_340 : vector<16xf32> to vector<1x16xf32>
      tpu.vector_store %arg7[%parallel_loop3A_341, %parallel_loop3A_342], %parallel_loop3A_345 {strides = array<i32>} : memref<8x2048xf32, #tpu.memory_space<vmem>>, vector<1x16xf32>,
      %parallel_loop3A_346 = arith.constant 96 : i32
      %parallel_loop3A_347 = arith.addi %parallel_loop3A_255, %parallel_loop3A_346 : i32
      %parallel_loop3A_348 = arith.constant 8 : i32
      %parallel_loop3A_349 = arith.addi %parallel_loop3A_348, %parallel_loop3A_237 : i32
      %parallel_loop3A_350 = arith.index_cast %parallel_loop3A_349 : i32 to index
      %parallel_loop3A_351 = arith.index_cast %parallel_loop3A_347 : i32 to index
      %parallel_loop3A_352 = tpu.vector_load %arg5[%parallel_loop3A_350, %parallel_loop3A_351] {strides = array<i32>} : memref<16x2048xf32, #tpu.memory_space<vmem>>, vector<1x16xf32>,
      %parallel_loop3A_353 = vector.shape_cast %parallel_loop3A_352 : vector<1x16xf32> to vector<16xf32>
      %parallel_loop3A_354 = vector.broadcast %parallel_loop3A_85 : f32 to vector<16xf32>
      %parallel_loop3A_355 = arith.mulf %parallel_loop3A_353, %parallel_loop3A_354 : vector<16xf32>
      %parallel_loop3A_356 = arith.index_cast %parallel_loop3A_237 : i32 to index
      %parallel_loop3A_357 = arith.index_cast %parallel_loop3A_347 : i32 to index
      %parallel_loop3A_358 = tpu.vector_load %arg7[%parallel_loop3A_356, %parallel_loop3A_357] {strides = array<i32>} : memref<8x2048xf32, #tpu.memory_space<vmem>>, vector<1x16xf32>,
      %parallel_loop3A_359 = vector.shape_cast %parallel_loop3A_358 : vector<1x16xf32> to vector<16xf32>
      %parallel_loop3A_360 = vector.shape_cast %parallel_loop3A_355 : vector<16xf32> to vector<1x16xf32>
      tpu.vector_store %arg7[%parallel_loop3A_356, %parallel_loop3A_357], %parallel_loop3A_360 {strides = array<i32>} : memref<8x2048xf32, #tpu.memory_space<vmem>>, vector<1x16xf32>,
      %parallel_loop3A_361 = arith.constant 112 : i32
      %parallel_loop3A_362 = arith.addi %parallel_loop3A_255, %parallel_loop3A_361 : i32
      %parallel_loop3A_363 = arith.constant 8 : i32
      %parallel_loop3A_364 = arith.addi %parallel_loop3A_363, %parallel_loop3A_237 : i32
      %parallel_loop3A_365 = arith.index_cast %parallel_loop3A_364 : i32 to index
      %parallel_loop3A_366 = arith.index_cast %parallel_loop3A_362 : i32 to index
      %parallel_loop3A_367 = tpu.vector_load %arg5[%parallel_loop3A_365, %parallel_loop3A_366] {strides = array<i32>} : memref<16x2048xf32, #tpu.memory_space<vmem>>, vector<1x16xf32>,
      %parallel_loop3A_368 = vector.shape_cast %parallel_loop3A_367 : vector<1x16xf32> to vector<16xf32>
      %parallel_loop3A_369 = vector.broadcast %parallel_loop3A_85 : f32 to vector<16xf32>
      %parallel_loop3A_370 = arith.mulf %parallel_loop3A_368, %parallel_loop3A_369 : vector<16xf32>
      %parallel_loop3A_371 = arith.index_cast %parallel_loop3A_237 : i32 to index
      %parallel_loop3A_372 = arith.index_cast %parallel_loop3A_362 : i32 to index
      %parallel_loop3A_373 = tpu.vector_load %arg7[%parallel_loop3A_371, %parallel_loop3A_372] {strides = array<i32>} : memref<8x2048xf32, #tpu.memory_space<vmem>>, vector<1x16xf32>,
      %parallel_loop3A_374 = vector.shape_cast %parallel_loop3A_373 : vector<1x16xf32> to vector<16xf32>
      %parallel_loop3A_375 = vector.shape_cast %parallel_loop3A_370 : vector<16xf32> to vector<1x16xf32>
      tpu.vector_store %arg7[%parallel_loop3A_371, %parallel_loop3A_372], %parallel_loop3A_375 {strides = array<i32>} : memref<8x2048xf32, #tpu.memory_space<vmem>>, vector<1x16xf32>,
    } {sc.loop_unroll_factor = 1 : i64, sc.parallel_access}
    %add3A_86 = arith.constant 16 : i32
    %add3A_87 = arith.addi %mul3A_2, %add3A_86 : i32
    %add3A_88 = arith.constant 8 : i32
    %add3A_89 = arith.addi %add3A_87, %add3A_88 : i32
    %dma_start3A_90 = arith.constant 0 : i32
    %dma_start3A_91 = tpu.memref_slice %arg3[%add3A_89, %dma_start3A_90] : memref<8192x2048xf32, #tpu.memory_space<hbm>> -> memref<8x2048xf32, #tpu.memory_space<hbm>>
    %dma_start3A_92 = arith.constant 0 : i32
    %dma_start3A_93 = tpu.memref_slice %arg3[%add3A_89, %dma_start3A_92] : memref<8192x2048xf32, #tpu.memory_space<hbm>> -> memref<8x2048xf32, #tpu.memory_space<hbm>>
    tpu.enqueue_dma source(%arg7 : memref<8x2048xf32, #tpu.memory_space<vmem>>) target(%dma_start3A_93 : memref<8x2048xf32, #tpu.memory_space<hbm>>) target_semaphore(%arg11 : memref<!tpu.dma_semaphore, #tpu.memory_space<semaphore_mem>>)
    %add3A_94 = arith.constant 48 : i32
    %add3A_95 = arith.addi %mul3A_2, %add3A_94 : i32
    %dma_start3A_96 = arith.constant 0 : i32
    %dma_start3A_97 = tpu.memref_slice %arg2[%add3A_95, %dma_start3A_96] : memref<8192x2048xf32, #tpu.memory_space<hbm>> -> memref<16x2048xf32, #tpu.memory_space<hbm>>
    %dma_start3A_98 = arith.constant 0 : i32
    %dma_start3A_99 = tpu.memref_slice %arg2[%add3A_95, %dma_start3A_98] : memref<8192x2048xf32, #tpu.memory_space<hbm>> -> memref<16x2048xf32, #tpu.memory_space<hbm>>
    tpu.enqueue_dma source(%dma_start3A_99 : memref<16x2048xf32, #tpu.memory_space<hbm>>) target(%arg5 : memref<16x2048xf32, #tpu.memory_space<vmem>>) target_semaphore(%arg9 : memref<!tpu.dma_semaphore, #tpu.memory_space<semaphore_mem>>)
    %scan3A = arith.constant 0.0220970865 : f32
    %scan3A_100 = arith.constant 0 : i32
    %scan3A_101 = arith.constant 6 : i32
    %scan3A_102 = arith.addi %scan3A_100, %scan3A_101 : i32
    %scan3A_103 = arith.constant 1 : i32
    scf.for %scan3A_213 = %scan3A_100 to %scan3A_102 step %scan3A_103  : i32 {
      %mul3A_214 = arith.constant 1 : i32
      %mul3A_215 = arith.muli %scan3A_213, %mul3A_214 : i32
      %add3A_216 = arith.constant 1 : i32
      %add3A_217 = arith.addi %add3A_216, %mul3A_215 : i32
      %mul3A_218 = arith.constant 2 : i32
      %mul3A_219 = arith.muli %mul3A_218, %add3A_217 : i32
      %add3A_220 = arith.constant 0 : i32
      %add3A_221 = arith.addi %mul3A_219, %add3A_220 : i32
      %mul3A_222 = arith.constant 16 : i32
      %mul3A_223 = arith.muli %add3A_221, %mul3A_222 : i32
      %add3A_224 = arith.addi %mul3A_2, %mul3A_223 : i32
      %dma_wait3A_225 = arith.constant 0 : i32
      %dma_wait3A_226 = tpu.memref_slice %arg2[%add3A_224, %dma_wait3A_225] : memref<8192x2048xf32, #tpu.memory_space<hbm>> -> memref<16x2048xf32, #tpu.memory_space<hbm>>
      %dma_wait3A_227 = arith.constant 0 : i32
      %dma_wait3A_228 = tpu.memref_slice %arg2[%add3A_224, %dma_wait3A_227] : memref<8192x2048xf32, #tpu.memory_space<hbm>> -> memref<16x2048xf32, #tpu.memory_space<hbm>>
      tpu.wait_dma2 semaphore(%arg8 : memref<!tpu.dma_semaphore, #tpu.memory_space<semaphore_mem>>) src(%dma_wait3A_228 : memref<16x2048xf32, #tpu.memory_space<hbm>>) dst(%arg4 : memref<16x2048xf32, #tpu.memory_space<vmem>>)
      %sub3A = arith.constant 1 : i32
      %sub3A_229 = arith.subi %add3A_221, %sub3A : i32
      %mul3A_230 = arith.constant 16 : i32
      %mul3A_231 = arith.muli %sub3A_229, %mul3A_230 : i32
      %add3A_232 = arith.addi %mul3A_2, %mul3A_231 : i32
      %add3A_233 = arith.constant 0 : i32
      %add3A_234 = arith.addi %add3A_232, %add3A_233 : i32
      %dma_wait3A_235 = arith.constant 0 : i32
      %dma_wait3A_236 = tpu.memref_slice %arg3[%add3A_234, %dma_wait3A_235] : memref<8192x2048xf32, #tpu.memory_space<hbm>> -> memref<8x2048xf32, #tpu.memory_space<hbm>>
      %dma_wait3A_237 = arith.constant 0 : i32
      %dma_wait3A_238 = tpu.memref_slice %arg3[%add3A_234, %dma_wait3A_237] : memref<8192x2048xf32, #tpu.memory_space<hbm>> -> memref<8x2048xf32, #tpu.memory_space<hbm>>
      tpu.wait_dma2 semaphore(%arg10 : memref<!tpu.dma_semaphore, #tpu.memory_space<semaphore_mem>>) src(%arg6 : memref<8x2048xf32, #tpu.memory_space<vmem>>) dst(%dma_wait3A_238 : memref<8x2048xf32, #tpu.memory_space<hbm>>)
      %parallel_loop3A_239 = arith.constant 0 : i32
      %parallel_loop3A_240 = arith.constant 128 : i32
      %parallel_loop3A_241 = arith.constant 1 : i32
      scf.for %parallel_loop3A_349 = %parallel_loop3A_239 to %parallel_loop3A_240 step %parallel_loop3A_241  : i32 {
        %parallel_loop3A_350 = arith.constant 16 : i32
        %parallel_loop3A_351 = arith.divsi %parallel_loop3A_349, %parallel_loop3A_350 : i32
        %parallel_loop3A_352 = arith.constant 0 : i32
        %parallel_loop3A_353 = arith.cmpi sgt, %parallel_loop3A_349, %parallel_loop3A_352 : i32
        %parallel_loop3A_354 = arith.extui %parallel_loop3A_353 : i1 to i32
        %parallel_loop3A_355 = arith.constant 0 : i32
        %parallel_loop3A_356 = arith.cmpi slt, %parallel_loop3A_349, %parallel_loop3A_355 : i32
        %parallel_loop3A_357 = arith.extui %parallel_loop3A_356 : i1 to i32
        %parallel_loop3A_358 = arith.subi %parallel_loop3A_354, %parallel_loop3A_357 : i32
        %parallel_loop3A_359 = arith.constant 0 : i32
        %parallel_loop3A_360 = arith.cmpi sgt, %parallel_loop3A_350, %parallel_loop3A_359 : i32
        %parallel_loop3A_361 = arith.extui %parallel_loop3A_360 : i1 to i32
        %parallel_loop3A_362 = arith.constant 0 : i32
        %parallel_loop3A_363 = arith.cmpi slt, %parallel_loop3A_350, %parallel_loop3A_362 : i32
        %parallel_loop3A_364 = arith.extui %parallel_loop3A_363 : i1 to i32
        %parallel_loop3A_365 = arith.subi %parallel_loop3A_361, %parallel_loop3A_364 : i32
        %parallel_loop3A_366 = arith.cmpi ne, %parallel_loop3A_358, %parallel_loop3A_365 : i32
        %parallel_loop3A_367 = arith.remsi %parallel_loop3A_349, %parallel_loop3A_350 : i32
        %parallel_loop3A_368 = arith.constant 0 : i32
        %parallel_loop3A_369 = arith.cmpi ne, %parallel_loop3A_367, %parallel_loop3A_368 : i32
        %parallel_loop3A_370 = arith.andi %parallel_loop3A_366, %parallel_loop3A_369 : i1
        %parallel_loop3A_371 = arith.constant 1 : i32
        %parallel_loop3A_372 = arith.subi %parallel_loop3A_351, %parallel_loop3A_371 : i32
        %parallel_loop3A_373 = arith.select %parallel_loop3A_370, %parallel_loop3A_372, %parallel_loop3A_351 : i32
        %parallel_loop3A_374 = arith.constant 16 : i32
        %parallel_loop3A_375 = arith.constant 0 : i32
        %parallel_loop3A_376 = arith.cmpi eq, %parallel_loop3A_374, %parallel_loop3A_375 : i32
        %parallel_loop3A_377 = arith.constant 1 : i32
        %parallel_loop3A_378 = arith.select %parallel_loop3A_376, %parallel_loop3A_377, %parallel_loop3A_374 : i32
        %parallel_loop3A_379 = arith.remsi %parallel_loop3A_349, %parallel_loop3A_378 : i32
        %parallel_loop3A_380 = arith.constant 0 : i32
        %parallel_loop3A_381 = arith.cmpi ne, %parallel_loop3A_379, %parallel_loop3A_380 : i32
        %parallel_loop3A_382 = arith.constant 0 : i32
        %parallel_loop3A_383 = arith.cmpi slt, %parallel_loop3A_379, %parallel_loop3A_382 : i32
        %parallel_loop3A_384 = arith.constant 0 : i32
        %parallel_loop3A_385 = arith.cmpi slt, %parallel_loop3A_378, %parallel_loop3A_384 : i32
        %parallel_loop3A_386 = arith.xori %parallel_loop3A_383, %parallel_loop3A_385 : i1
        %parallel_loop3A_387 = arith.andi %parallel_loop3A_386, %parallel_loop3A_381 : i1
        %parallel_loop3A_388 = arith.addi %parallel_loop3A_379, %parallel_loop3A_378 : i32
        %parallel_loop3A_389 = arith.select %parallel_loop3A_387, %parallel_loop3A_388, %parallel_loop3A_379 : i32
        %parallel_loop3A_390 = arith.constant 128 : i32
        %parallel_loop3A_391 = arith.muli %parallel_loop3A_389, %parallel_loop3A_390 : i32
        %parallel_loop3A_392 = arith.constant 0 : i32
        %parallel_loop3A_393 = arith.addi %parallel_loop3A_391, %parallel_loop3A_392 : i32
        %parallel_loop3A_394 = arith.constant 0 : i32
        %parallel_loop3A_395 = arith.addi %parallel_loop3A_394, %parallel_loop3A_373 : i32
        %parallel_loop3A_396 = arith.index_cast %parallel_loop3A_395 : i32 to index
        %parallel_loop3A_397 = arith.index_cast %parallel_loop3A_393 : i32 to index
        %parallel_loop3A_398 = tpu.vector_load %arg4[%parallel_loop3A_396, %parallel_loop3A_397] {strides = array<i32>} : memref<16x2048xf32, #tpu.memory_space<vmem>>, vector<1x16xf32>,
        %parallel_loop3A_399 = vector.shape_cast %parallel_loop3A_398 : vector<1x16xf32> to vector<16xf32>
        %parallel_loop3A_400 = vector.broadcast %scan3A : f32 to vector<16xf32>
        %parallel_loop3A_401 = arith.mulf %parallel_loop3A_399, %parallel_loop3A_400 : vector<16xf32>
        %parallel_loop3A_402 = arith.index_cast %parallel_loop3A_373 : i32 to index
        %parallel_loop3A_403 = arith.index_cast %parallel_loop3A_393 : i32 to index
        %parallel_loop3A_404 = tpu.vector_load %arg6[%parallel_loop3A_402, %parallel_loop3A_403] {strides = array<i32>} : memref<8x2048xf32, #tpu.memory_space<vmem>>, vector<1x16xf32>,
        %parallel_loop3A_405 = vector.shape_cast %parallel_loop3A_404 : vector<1x16xf32> to vector<16xf32>
        %parallel_loop3A_406 = vector.shape_cast %parallel_loop3A_401 : vector<16xf32> to vector<1x16xf32>
        tpu.vector_store %arg6[%parallel_loop3A_402, %parallel_loop3A_403], %parallel_loop3A_406 {strides = array<i32>} : memref<8x2048xf32, #tpu.memory_space<vmem>>, vector<1x16xf32>,
        %parallel_loop3A_407 = arith.constant 16 : i32
        %parallel_loop3A_408 = arith.addi %parallel_loop3A_391, %parallel_loop3A_407 : i32
        %parallel_loop3A_409 = arith.constant 0 : i32
        %parallel_loop3A_410 = arith.addi %parallel_loop3A_409, %parallel_loop3A_373 : i32
        %parallel_loop3A_411 = arith.index_cast %parallel_loop3A_410 : i32 to index
        %parallel_loop3A_412 = arith.index_cast %parallel_loop3A_408 : i32 to index
        %parallel_loop3A_413 = tpu.vector_load %arg4[%parallel_loop3A_411, %parallel_loop3A_412] {strides = array<i32>} : memref<16x2048xf32, #tpu.memory_space<vmem>>, vector<1x16xf32>,
        %parallel_loop3A_414 = vector.shape_cast %parallel_loop3A_413 : vector<1x16xf32> to vector<16xf32>
        %parallel_loop3A_415 = vector.broadcast %scan3A : f32 to vector<16xf32>
        %parallel_loop3A_416 = arith.mulf %parallel_loop3A_414, %parallel_loop3A_415 : vector<16xf32>
        %parallel_loop3A_417 = arith.index_cast %parallel_loop3A_373 : i32 to index
        %parallel_loop3A_418 = arith.index_cast %parallel_loop3A_408 : i32 to index
        %parallel_loop3A_419 = tpu.vector_load %arg6[%parallel_loop3A_417, %parallel_loop3A_418] {strides = array<i32>} : memref<8x2048xf32, #tpu.memory_space<vmem>>, vector<1x16xf32>,
        %parallel_loop3A_420 = vector.shape_cast %parallel_loop3A_419 : vector<1x16xf32> to vector<16xf32>
        %parallel_loop3A_421 = vector.shape_cast %parallel_loop3A_416 : vector<16xf32> to vector<1x16xf32>
        tpu.vector_store %arg6[%parallel_loop3A_417, %parallel_loop3A_418], %parallel_loop3A_421 {strides = array<i32>} : memref<8x2048xf32, #tpu.memory_space<vmem>>, vector<1x16xf32>,
        %parallel_loop3A_422 = arith.constant 32 : i32
        %parallel_loop3A_423 = arith.addi %parallel_loop3A_391, %parallel_loop3A_422 : i32
        %parallel_loop3A_424 = arith.constant 0 : i32
        %parallel_loop3A_425 = arith.addi %parallel_loop3A_424, %parallel_loop3A_373 : i32
        %parallel_loop3A_426 = arith.index_cast %parallel_loop3A_425 : i32 to index
        %parallel_loop3A_427 = arith.index_cast %parallel_loop3A_423 : i32 to index
        %parallel_loop3A_428 = tpu.vector_load %arg4[%parallel_loop3A_426, %parallel_loop3A_427] {strides = array<i32>} : memref<16x2048xf32, #tpu.memory_space<vmem>>, vector<1x16xf32>,
        %parallel_loop3A_429 = vector.shape_cast %parallel_loop3A_428 : vector<1x16xf32> to vector<16xf32>
        %parallel_loop3A_430 = vector.broadcast %scan3A : f32 to vector<16xf32>
        %parallel_loop3A_431 = arith.mulf %parallel_loop3A_429, %parallel_loop3A_430 : vector<16xf32>
        %parallel_loop3A_432 = arith.index_cast %parallel_loop3A_373 : i32 to index
        %parallel_loop3A_433 = arith.index_cast %parallel_loop3A_423 : i32 to index
        %parallel_loop3A_434 = tpu.vector_load %arg6[%parallel_loop3A_432, %parallel_loop3A_433] {strides = array<i32>} : memref<8x2048xf32, #tpu.memory_space<vmem>>, vector<1x16xf32>,
        %parallel_loop3A_435 = vector.shape_cast %parallel_loop3A_434 : vector<1x16xf32> to vector<16xf32>
        %parallel_loop3A_436 = vector.shape_cast %parallel_loop3A_431 : vector<16xf32> to vector<1x16xf32>
        tpu.vector_store %arg6[%parallel_loop3A_432, %parallel_loop3A_433], %parallel_loop3A_436 {strides = array<i32>} : memref<8x2048xf32, #tpu.memory_space<vmem>>, vector<1x16xf32>,
        %parallel_loop3A_437 = arith.constant 48 : i32
        %parallel_loop3A_438 = arith.addi %parallel_loop3A_391, %parallel_loop3A_437 : i32
        %parallel_loop3A_439 = arith.constant 0 : i32
        %parallel_loop3A_440 = arith.addi %parallel_loop3A_439, %parallel_loop3A_373 : i32
        %parallel_loop3A_441 = arith.index_cast %parallel_loop3A_440 : i32 to index
        %parallel_loop3A_442 = arith.index_cast %parallel_loop3A_438 : i32 to index
        %parallel_loop3A_443 = tpu.vector_load %arg4[%parallel_loop3A_441, %parallel_loop3A_442] {strides = array<i32>} : memref<16x2048xf32, #tpu.memory_space<vmem>>, vector<1x16xf32>,
        %parallel_loop3A_444 = vector.shape_cast %parallel_loop3A_443 : vector<1x16xf32> to vector<16xf32>
        %parallel_loop3A_445 = vector.broadcast %scan3A : f32 to vector<16xf32>
        %parallel_loop3A_446 = arith.mulf %parallel_loop3A_444, %parallel_loop3A_445 : vector<16xf32>
        %parallel_loop3A_447 = arith.index_cast %parallel_loop3A_373 : i32 to index
        %parallel_loop3A_448 = arith.index_cast %parallel_loop3A_438 : i32 to index
        %parallel_loop3A_449 = tpu.vector_load %arg6[%parallel_loop3A_447, %parallel_loop3A_448] {strides = array<i32>} : memref<8x2048xf32, #tpu.memory_space<vmem>>, vector<1x16xf32>,
        %parallel_loop3A_450 = vector.shape_cast %parallel_loop3A_449 : vector<1x16xf32> to vector<16xf32>
        %parallel_loop3A_451 = vector.shape_cast %parallel_loop3A_446 : vector<16xf32> to vector<1x16xf32>
        tpu.vector_store %arg6[%parallel_loop3A_447, %parallel_loop3A_448], %parallel_loop3A_451 {strides = array<i32>} : memref<8x2048xf32, #tpu.memory_space<vmem>>, vector<1x16xf32>,
        %parallel_loop3A_452 = arith.constant 64 : i32
        %parallel_loop3A_453 = arith.addi %parallel_loop3A_391, %parallel_loop3A_452 : i32
        %parallel_loop3A_454 = arith.constant 0 : i32
        %parallel_loop3A_455 = arith.addi %parallel_loop3A_454, %parallel_loop3A_373 : i32
        %parallel_loop3A_456 = arith.index_cast %parallel_loop3A_455 : i32 to index
        %parallel_loop3A_457 = arith.index_cast %parallel_loop3A_453 : i32 to index
        %parallel_loop3A_458 = tpu.vector_load %arg4[%parallel_loop3A_456, %parallel_loop3A_457] {strides = array<i32>} : memref<16x2048xf32, #tpu.memory_space<vmem>>, vector<1x16xf32>,
        %parallel_loop3A_459 = vector.shape_cast %parallel_loop3A_458 : vector<1x16xf32> to vector<16xf32>
        %parallel_loop3A_460 = vector.broadcast %scan3A : f32 to vector<16xf32>
        %parallel_loop3A_461 = arith.mulf %parallel_loop3A_459, %parallel_loop3A_460 : vector<16xf32>
        %parallel_loop3A_462 = arith.index_cast %parallel_loop3A_373 : i32 to index
        %parallel_loop3A_463 = arith.index_cast %parallel_loop3A_453 : i32 to index
        %parallel_loop3A_464 = tpu.vector_load %arg6[%parallel_loop3A_462, %parallel_loop3A_463] {strides = array<i32>} : memref<8x2048xf32, #tpu.memory_space<vmem>>, vector<1x16xf32>,
        %parallel_loop3A_465 = vector.shape_cast %parallel_loop3A_464 : vector<1x16xf32> to vector<16xf32>
        %parallel_loop3A_466 = vector.shape_cast %parallel_loop3A_461 : vector<16xf32> to vector<1x16xf32>
        tpu.vector_store %arg6[%parallel_loop3A_462, %parallel_loop3A_463], %parallel_loop3A_466 {strides = array<i32>} : memref<8x2048xf32, #tpu.memory_space<vmem>>, vector<1x16xf32>,
        %parallel_loop3A_467 = arith.constant 80 : i32
        %parallel_loop3A_468 = arith.addi %parallel_loop3A_391, %parallel_loop3A_467 : i32
        %parallel_loop3A_469 = arith.constant 0 : i32
        %parallel_loop3A_470 = arith.addi %parallel_loop3A_469, %parallel_loop3A_373 : i32
        %parallel_loop3A_471 = arith.index_cast %parallel_loop3A_470 : i32 to index
        %parallel_loop3A_472 = arith.index_cast %parallel_loop3A_468 : i32 to index
        %parallel_loop3A_473 = tpu.vector_load %arg4[%parallel_loop3A_471, %parallel_loop3A_472] {strides = array<i32>} : memref<16x2048xf32, #tpu.memory_space<vmem>>, vector<1x16xf32>,
        %parallel_loop3A_474 = vector.shape_cast %parallel_loop3A_473 : vector<1x16xf32> to vector<16xf32>
        %parallel_loop3A_475 = vector.broadcast %scan3A : f32 to vector<16xf32>
        %parallel_loop3A_476 = arith.mulf %parallel_loop3A_474, %parallel_loop3A_475 : vector<16xf32>
        %parallel_loop3A_477 = arith.index_cast %parallel_loop3A_373 : i32 to index
        %parallel_loop3A_478 = arith.index_cast %parallel_loop3A_468 : i32 to index
        %parallel_loop3A_479 = tpu.vector_load %arg6[%parallel_loop3A_477, %parallel_loop3A_478] {strides = array<i32>} : memref<8x2048xf32, #tpu.memory_space<vmem>>, vector<1x16xf32>,
        %parallel_loop3A_480 = vector.shape_cast %parallel_loop3A_479 : vector<1x16xf32> to vector<16xf32>
        %parallel_loop3A_481 = vector.shape_cast %parallel_loop3A_476 : vector<16xf32> to vector<1x16xf32>
        tpu.vector_store %arg6[%parallel_loop3A_477, %parallel_loop3A_478], %parallel_loop3A_481 {strides = array<i32>} : memref<8x2048xf32, #tpu.memory_space<vmem>>, vector<1x16xf32>,
        %parallel_loop3A_482 = arith.constant 96 : i32
        %parallel_loop3A_483 = arith.addi %parallel_loop3A_391, %parallel_loop3A_482 : i32
        %parallel_loop3A_484 = arith.constant 0 : i32
        %parallel_loop3A_485 = arith.addi %parallel_loop3A_484, %parallel_loop3A_373 : i32
        %parallel_loop3A_486 = arith.index_cast %parallel_loop3A_485 : i32 to index
        %parallel_loop3A_487 = arith.index_cast %parallel_loop3A_483 : i32 to index
        %parallel_loop3A_488 = tpu.vector_load %arg4[%parallel_loop3A_486, %parallel_loop3A_487] {strides = array<i32>} : memref<16x2048xf32, #tpu.memory_space<vmem>>, vector<1x16xf32>,
        %parallel_loop3A_489 = vector.shape_cast %parallel_loop3A_488 : vector<1x16xf32> to vector<16xf32>
        %parallel_loop3A_490 = vector.broadcast %scan3A : f32 to vector<16xf32>
        %parallel_loop3A_491 = arith.mulf %parallel_loop3A_489, %parallel_loop3A_490 : vector<16xf32>
        %parallel_loop3A_492 = arith.index_cast %parallel_loop3A_373 : i32 to index
        %parallel_loop3A_493 = arith.index_cast %parallel_loop3A_483 : i32 to index
        %parallel_loop3A_494 = tpu.vector_load %arg6[%parallel_loop3A_492, %parallel_loop3A_493] {strides = array<i32>} : memref<8x2048xf32, #tpu.memory_space<vmem>>, vector<1x16xf32>,
        %parallel_loop3A_495 = vector.shape_cast %parallel_loop3A_494 : vector<1x16xf32> to vector<16xf32>
        %parallel_loop3A_496 = vector.shape_cast %parallel_loop3A_491 : vector<16xf32> to vector<1x16xf32>
        tpu.vector_store %arg6[%parallel_loop3A_492, %parallel_loop3A_493], %parallel_loop3A_496 {strides = array<i32>} : memref<8x2048xf32, #tpu.memory_space<vmem>>, vector<1x16xf32>,
        %parallel_loop3A_497 = arith.constant 112 : i32
        %parallel_loop3A_498 = arith.addi %parallel_loop3A_391, %parallel_loop3A_497 : i32
        %parallel_loop3A_499 = arith.constant 0 : i32
        %parallel_loop3A_500 = arith.addi %parallel_loop3A_499, %parallel_loop3A_373 : i32
        %parallel_loop3A_501 = arith.index_cast %parallel_loop3A_500 : i32 to index
        %parallel_loop3A_502 = arith.index_cast %parallel_loop3A_498 : i32 to index
        %parallel_loop3A_503 = tpu.vector_load %arg4[%parallel_loop3A_501, %parallel_loop3A_502] {strides = array<i32>} : memref<16x2048xf32, #tpu.memory_space<vmem>>, vector<1x16xf32>,
        %parallel_loop3A_504 = vector.shape_cast %parallel_loop3A_503 : vector<1x16xf32> to vector<16xf32>
        %parallel_loop3A_505 = vector.broadcast %scan3A : f32 to vector<16xf32>
        %parallel_loop3A_506 = arith.mulf %parallel_loop3A_504, %parallel_loop3A_505 : vector<16xf32>
        %parallel_loop3A_507 = arith.index_cast %parallel_loop3A_373 : i32 to index
        %parallel_loop3A_508 = arith.index_cast %parallel_loop3A_498 : i32 to index
        %parallel_loop3A_509 = tpu.vector_load %arg6[%parallel_loop3A_507, %parallel_loop3A_508] {strides = array<i32>} : memref<8x2048xf32, #tpu.memory_space<vmem>>, vector<1x16xf32>,
        %parallel_loop3A_510 = vector.shape_cast %parallel_loop3A_509 : vector<1x16xf32> to vector<16xf32>
        %parallel_loop3A_511 = vector.shape_cast %parallel_loop3A_506 : vector<16xf32> to vector<1x16xf32>
        tpu.vector_store %arg6[%parallel_loop3A_507, %parallel_loop3A_508], %parallel_loop3A_511 {strides = array<i32>} : memref<8x2048xf32, #tpu.memory_space<vmem>>, vector<1x16xf32>,
      } {sc.loop_unroll_factor = 1 : i64, sc.parallel_access}
      %mul3A_242 = arith.constant 16 : i32
      %mul3A_243 = arith.muli %add3A_221, %mul3A_242 : i32
      %add3A_244 = arith.addi %mul3A_2, %mul3A_243 : i32
      %add3A_245 = arith.constant 0 : i32
      %add3A_246 = arith.addi %add3A_244, %add3A_245 : i32
      %dma_start3A_247 = arith.constant 0 : i32
      %dma_start3A_248 = tpu.memref_slice %arg3[%add3A_246, %dma_start3A_247] : memref<8192x2048xf32, #tpu.memory_space<hbm>> -> memref<8x2048xf32, #tpu.memory_space<hbm>>
      %dma_start3A_249 = arith.constant 0 : i32
      %dma_start3A_250 = tpu.memref_slice %arg3[%add3A_246, %dma_start3A_249] : memref<8192x2048xf32, #tpu.memory_space<hbm>> -> memref<8x2048xf32, #tpu.memory_space<hbm>>
      tpu.enqueue_dma source(%arg6 : memref<8x2048xf32, #tpu.memory_space<vmem>>) target(%dma_start3A_250 : memref<8x2048xf32, #tpu.memory_space<hbm>>) target_semaphore(%arg10 : memref<!tpu.dma_semaphore, #tpu.memory_space<semaphore_mem>>)
      %sub3A_251 = arith.constant 1 : i32
      %sub3A_252 = arith.subi %add3A_221, %sub3A_251 : i32
      %mul3A_253 = arith.constant 16 : i32
      %mul3A_254 = arith.muli %sub3A_252, %mul3A_253 : i32
      %add3A_255 = arith.addi %mul3A_2, %mul3A_254 : i32
      %add3A_256 = arith.constant 8 : i32
      %add3A_257 = arith.addi %add3A_255, %add3A_256 : i32
      %dma_wait3A_258 = arith.constant 0 : i32
      %dma_wait3A_259 = tpu.memref_slice %arg3[%add3A_257, %dma_wait3A_258] : memref<8192x2048xf32, #tpu.memory_space<hbm>> -> memref<8x2048xf32, #tpu.memory_space<hbm>>
      %dma_wait3A_260 = arith.constant 0 : i32
      %dma_wait3A_261 = tpu.memref_slice %arg3[%add3A_257, %dma_wait3A_260] : memref<8192x2048xf32, #tpu.memory_space<hbm>> -> memref<8x2048xf32, #tpu.memory_space<hbm>>
      tpu.wait_dma2 semaphore(%arg11 : memref<!tpu.dma_semaphore, #tpu.memory_space<semaphore_mem>>) src(%arg7 : memref<8x2048xf32, #tpu.memory_space<vmem>>) dst(%dma_wait3A_261 : memref<8x2048xf32, #tpu.memory_space<hbm>>)
      %parallel_loop3A_262 = arith.constant 0 : i32
      %parallel_loop3A_263 = arith.constant 128 : i32
      %parallel_loop3A_264 = arith.constant 1 : i32
      scf.for %parallel_loop3A_349 = %parallel_loop3A_262 to %parallel_loop3A_263 step %parallel_loop3A_264  : i32 {
        %parallel_loop3A_350 = arith.constant 16 : i32
        %parallel_loop3A_351 = arith.divsi %parallel_loop3A_349, %parallel_loop3A_350 : i32
        %parallel_loop3A_352 = arith.constant 0 : i32
        %parallel_loop3A_353 = arith.cmpi sgt, %parallel_loop3A_349, %parallel_loop3A_352 : i32
        %parallel_loop3A_354 = arith.extui %parallel_loop3A_353 : i1 to i32
        %parallel_loop3A_355 = arith.constant 0 : i32
        %parallel_loop3A_356 = arith.cmpi slt, %parallel_loop3A_349, %parallel_loop3A_355 : i32
        %parallel_loop3A_357 = arith.extui %parallel_loop3A_356 : i1 to i32
        %parallel_loop3A_358 = arith.subi %parallel_loop3A_354, %parallel_loop3A_357 : i32
        %parallel_loop3A_359 = arith.constant 0 : i32
        %parallel_loop3A_360 = arith.cmpi sgt, %parallel_loop3A_350, %parallel_loop3A_359 : i32
        %parallel_loop3A_361 = arith.extui %parallel_loop3A_360 : i1 to i32
        %parallel_loop3A_362 = arith.constant 0 : i32
        %parallel_loop3A_363 = arith.cmpi slt, %parallel_loop3A_350, %parallel_loop3A_362 : i32
        %parallel_loop3A_364 = arith.extui %parallel_loop3A_363 : i1 to i32
        %parallel_loop3A_365 = arith.subi %parallel_loop3A_361, %parallel_loop3A_364 : i32
        %parallel_loop3A_366 = arith.cmpi ne, %parallel_loop3A_358, %parallel_loop3A_365 : i32
        %parallel_loop3A_367 = arith.remsi %parallel_loop3A_349, %parallel_loop3A_350 : i32
        %parallel_loop3A_368 = arith.constant 0 : i32
        %parallel_loop3A_369 = arith.cmpi ne, %parallel_loop3A_367, %parallel_loop3A_368 : i32
        %parallel_loop3A_370 = arith.andi %parallel_loop3A_366, %parallel_loop3A_369 : i1
        %parallel_loop3A_371 = arith.constant 1 : i32
        %parallel_loop3A_372 = arith.subi %parallel_loop3A_351, %parallel_loop3A_371 : i32
        %parallel_loop3A_373 = arith.select %parallel_loop3A_370, %parallel_loop3A_372, %parallel_loop3A_351 : i32
        %parallel_loop3A_374 = arith.constant 16 : i32
        %parallel_loop3A_375 = arith.constant 0 : i32
        %parallel_loop3A_376 = arith.cmpi eq, %parallel_loop3A_374, %parallel_loop3A_375 : i32
        %parallel_loop3A_377 = arith.constant 1 : i32
        %parallel_loop3A_378 = arith.select %parallel_loop3A_376, %parallel_loop3A_377, %parallel_loop3A_374 : i32
        %parallel_loop3A_379 = arith.remsi %parallel_loop3A_349, %parallel_loop3A_378 : i32
        %parallel_loop3A_380 = arith.constant 0 : i32
        %parallel_loop3A_381 = arith.cmpi ne, %parallel_loop3A_379, %parallel_loop3A_380 : i32
        %parallel_loop3A_382 = arith.constant 0 : i32
        %parallel_loop3A_383 = arith.cmpi slt, %parallel_loop3A_379, %parallel_loop3A_382 : i32
        %parallel_loop3A_384 = arith.constant 0 : i32
        %parallel_loop3A_385 = arith.cmpi slt, %parallel_loop3A_378, %parallel_loop3A_384 : i32
        %parallel_loop3A_386 = arith.xori %parallel_loop3A_383, %parallel_loop3A_385 : i1
        %parallel_loop3A_387 = arith.andi %parallel_loop3A_386, %parallel_loop3A_381 : i1
        %parallel_loop3A_388 = arith.addi %parallel_loop3A_379, %parallel_loop3A_378 : i32
        %parallel_loop3A_389 = arith.select %parallel_loop3A_387, %parallel_loop3A_388, %parallel_loop3A_379 : i32
        %parallel_loop3A_390 = arith.constant 128 : i32
        %parallel_loop3A_391 = arith.muli %parallel_loop3A_389, %parallel_loop3A_390 : i32
        %parallel_loop3A_392 = arith.constant 0 : i32
        %parallel_loop3A_393 = arith.addi %parallel_loop3A_391, %parallel_loop3A_392 : i32
        %parallel_loop3A_394 = arith.constant 8 : i32
        %parallel_loop3A_395 = arith.addi %parallel_loop3A_394, %parallel_loop3A_373 : i32
        %parallel_loop3A_396 = arith.index_cast %parallel_loop3A_395 : i32 to index
        %parallel_loop3A_397 = arith.index_cast %parallel_loop3A_393 : i32 to index
        %parallel_loop3A_398 = tpu.vector_load %arg4[%parallel_loop3A_396, %parallel_loop3A_397] {strides = array<i32>} : memref<16x2048xf32, #tpu.memory_space<vmem>>, vector<1x16xf32>,
        %parallel_loop3A_399 = vector.shape_cast %parallel_loop3A_398 : vector<1x16xf32> to vector<16xf32>
        %parallel_loop3A_400 = vector.broadcast %scan3A : f32 to vector<16xf32>
        %parallel_loop3A_401 = arith.mulf %parallel_loop3A_399, %parallel_loop3A_400 : vector<16xf32>
        %parallel_loop3A_402 = arith.index_cast %parallel_loop3A_373 : i32 to index
        %parallel_loop3A_403 = arith.index_cast %parallel_loop3A_393 : i32 to index
        %parallel_loop3A_404 = tpu.vector_load %arg7[%parallel_loop3A_402, %parallel_loop3A_403] {strides = array<i32>} : memref<8x2048xf32, #tpu.memory_space<vmem>>, vector<1x16xf32>,
        %parallel_loop3A_405 = vector.shape_cast %parallel_loop3A_404 : vector<1x16xf32> to vector<16xf32>
        %parallel_loop3A_406 = vector.shape_cast %parallel_loop3A_401 : vector<16xf32> to vector<1x16xf32>
        tpu.vector_store %arg7[%parallel_loop3A_402, %parallel_loop3A_403], %parallel_loop3A_406 {strides = array<i32>} : memref<8x2048xf32, #tpu.memory_space<vmem>>, vector<1x16xf32>,
        %parallel_loop3A_407 = arith.constant 16 : i32
        %parallel_loop3A_408 = arith.addi %parallel_loop3A_391, %parallel_loop3A_407 : i32
        %parallel_loop3A_409 = arith.constant 8 : i32
        %parallel_loop3A_410 = arith.addi %parallel_loop3A_409, %parallel_loop3A_373 : i32
        %parallel_loop3A_411 = arith.index_cast %parallel_loop3A_410 : i32 to index
        %parallel_loop3A_412 = arith.index_cast %parallel_loop3A_408 : i32 to index
        %parallel_loop3A_413 = tpu.vector_load %arg4[%parallel_loop3A_411, %parallel_loop3A_412] {strides = array<i32>} : memref<16x2048xf32, #tpu.memory_space<vmem>>, vector<1x16xf32>,
        %parallel_loop3A_414 = vector.shape_cast %parallel_loop3A_413 : vector<1x16xf32> to vector<16xf32>
        %parallel_loop3A_415 = vector.broadcast %scan3A : f32 to vector<16xf32>
        %parallel_loop3A_416 = arith.mulf %parallel_loop3A_414, %parallel_loop3A_415 : vector<16xf32>
        %parallel_loop3A_417 = arith.index_cast %parallel_loop3A_373 : i32 to index
        %parallel_loop3A_418 = arith.index_cast %parallel_loop3A_408 : i32 to index
        %parallel_loop3A_419 = tpu.vector_load %arg7[%parallel_loop3A_417, %parallel_loop3A_418] {strides = array<i32>} : memref<8x2048xf32, #tpu.memory_space<vmem>>, vector<1x16xf32>,
        %parallel_loop3A_420 = vector.shape_cast %parallel_loop3A_419 : vector<1x16xf32> to vector<16xf32>
        %parallel_loop3A_421 = vector.shape_cast %parallel_loop3A_416 : vector<16xf32> to vector<1x16xf32>
        tpu.vector_store %arg7[%parallel_loop3A_417, %parallel_loop3A_418], %parallel_loop3A_421 {strides = array<i32>} : memref<8x2048xf32, #tpu.memory_space<vmem>>, vector<1x16xf32>,
        %parallel_loop3A_422 = arith.constant 32 : i32
        %parallel_loop3A_423 = arith.addi %parallel_loop3A_391, %parallel_loop3A_422 : i32
        %parallel_loop3A_424 = arith.constant 8 : i32
        %parallel_loop3A_425 = arith.addi %parallel_loop3A_424, %parallel_loop3A_373 : i32
        %parallel_loop3A_426 = arith.index_cast %parallel_loop3A_425 : i32 to index
        %parallel_loop3A_427 = arith.index_cast %parallel_loop3A_423 : i32 to index
        %parallel_loop3A_428 = tpu.vector_load %arg4[%parallel_loop3A_426, %parallel_loop3A_427] {strides = array<i32>} : memref<16x2048xf32, #tpu.memory_space<vmem>>, vector<1x16xf32>,
        %parallel_loop3A_429 = vector.shape_cast %parallel_loop3A_428 : vector<1x16xf32> to vector<16xf32>
        %parallel_loop3A_430 = vector.broadcast %scan3A : f32 to vector<16xf32>
        %parallel_loop3A_431 = arith.mulf %parallel_loop3A_429, %parallel_loop3A_430 : vector<16xf32>
        %parallel_loop3A_432 = arith.index_cast %parallel_loop3A_373 : i32 to index
        %parallel_loop3A_433 = arith.index_cast %parallel_loop3A_423 : i32 to index
        %parallel_loop3A_434 = tpu.vector_load %arg7[%parallel_loop3A_432, %parallel_loop3A_433] {strides = array<i32>} : memref<8x2048xf32, #tpu.memory_space<vmem>>, vector<1x16xf32>,
        %parallel_loop3A_435 = vector.shape_cast %parallel_loop3A_434 : vector<1x16xf32> to vector<16xf32>
        %parallel_loop3A_436 = vector.shape_cast %parallel_loop3A_431 : vector<16xf32> to vector<1x16xf32>
        tpu.vector_store %arg7[%parallel_loop3A_432, %parallel_loop3A_433], %parallel_loop3A_436 {strides = array<i32>} : memref<8x2048xf32, #tpu.memory_space<vmem>>, vector<1x16xf32>,
        %parallel_loop3A_437 = arith.constant 48 : i32
        %parallel_loop3A_438 = arith.addi %parallel_loop3A_391, %parallel_loop3A_437 : i32
        %parallel_loop3A_439 = arith.constant 8 : i32
        %parallel_loop3A_440 = arith.addi %parallel_loop3A_439, %parallel_loop3A_373 : i32
        %parallel_loop3A_441 = arith.index_cast %parallel_loop3A_440 : i32 to index
        %parallel_loop3A_442 = arith.index_cast %parallel_loop3A_438 : i32 to index
        %parallel_loop3A_443 = tpu.vector_load %arg4[%parallel_loop3A_441, %parallel_loop3A_442] {strides = array<i32>} : memref<16x2048xf32, #tpu.memory_space<vmem>>, vector<1x16xf32>,
        %parallel_loop3A_444 = vector.shape_cast %parallel_loop3A_443 : vector<1x16xf32> to vector<16xf32>
        %parallel_loop3A_445 = vector.broadcast %scan3A : f32 to vector<16xf32>
        %parallel_loop3A_446 = arith.mulf %parallel_loop3A_444, %parallel_loop3A_445 : vector<16xf32>
        %parallel_loop3A_447 = arith.index_cast %parallel_loop3A_373 : i32 to index
        %parallel_loop3A_448 = arith.index_cast %parallel_loop3A_438 : i32 to index
        %parallel_loop3A_449 = tpu.vector_load %arg7[%parallel_loop3A_447, %parallel_loop3A_448] {strides = array<i32>} : memref<8x2048xf32, #tpu.memory_space<vmem>>, vector<1x16xf32>,
        %parallel_loop3A_450 = vector.shape_cast %parallel_loop3A_449 : vector<1x16xf32> to vector<16xf32>
        %parallel_loop3A_451 = vector.shape_cast %parallel_loop3A_446 : vector<16xf32> to vector<1x16xf32>
        tpu.vector_store %arg7[%parallel_loop3A_447, %parallel_loop3A_448], %parallel_loop3A_451 {strides = array<i32>} : memref<8x2048xf32, #tpu.memory_space<vmem>>, vector<1x16xf32>,
        %parallel_loop3A_452 = arith.constant 64 : i32
        %parallel_loop3A_453 = arith.addi %parallel_loop3A_391, %parallel_loop3A_452 : i32
        %parallel_loop3A_454 = arith.constant 8 : i32
        %parallel_loop3A_455 = arith.addi %parallel_loop3A_454, %parallel_loop3A_373 : i32
        %parallel_loop3A_456 = arith.index_cast %parallel_loop3A_455 : i32 to index
        %parallel_loop3A_457 = arith.index_cast %parallel_loop3A_453 : i32 to index
        %parallel_loop3A_458 = tpu.vector_load %arg4[%parallel_loop3A_456, %parallel_loop3A_457] {strides = array<i32>} : memref<16x2048xf32, #tpu.memory_space<vmem>>, vector<1x16xf32>,
        %parallel_loop3A_459 = vector.shape_cast %parallel_loop3A_458 : vector<1x16xf32> to vector<16xf32>
        %parallel_loop3A_460 = vector.broadcast %scan3A : f32 to vector<16xf32>
        %parallel_loop3A_461 = arith.mulf %parallel_loop3A_459, %parallel_loop3A_460 : vector<16xf32>
        %parallel_loop3A_462 = arith.index_cast %parallel_loop3A_373 : i32 to index
        %parallel_loop3A_463 = arith.index_cast %parallel_loop3A_453 : i32 to index
        %parallel_loop3A_464 = tpu.vector_load %arg7[%parallel_loop3A_462, %parallel_loop3A_463] {strides = array<i32>} : memref<8x2048xf32, #tpu.memory_space<vmem>>, vector<1x16xf32>,
        %parallel_loop3A_465 = vector.shape_cast %parallel_loop3A_464 : vector<1x16xf32> to vector<16xf32>
        %parallel_loop3A_466 = vector.shape_cast %parallel_loop3A_461 : vector<16xf32> to vector<1x16xf32>
        tpu.vector_store %arg7[%parallel_loop3A_462, %parallel_loop3A_463], %parallel_loop3A_466 {strides = array<i32>} : memref<8x2048xf32, #tpu.memory_space<vmem>>, vector<1x16xf32>,
        %parallel_loop3A_467 = arith.constant 80 : i32
        %parallel_loop3A_468 = arith.addi %parallel_loop3A_391, %parallel_loop3A_467 : i32
        %parallel_loop3A_469 = arith.constant 8 : i32
        %parallel_loop3A_470 = arith.addi %parallel_loop3A_469, %parallel_loop3A_373 : i32
        %parallel_loop3A_471 = arith.index_cast %parallel_loop3A_470 : i32 to index
        %parallel_loop3A_472 = arith.index_cast %parallel_loop3A_468 : i32 to index
        %parallel_loop3A_473 = tpu.vector_load %arg4[%parallel_loop3A_471, %parallel_loop3A_472] {strides = array<i32>} : memref<16x2048xf32, #tpu.memory_space<vmem>>, vector<1x16xf32>,
        %parallel_loop3A_474 = vector.shape_cast %parallel_loop3A_473 : vector<1x16xf32> to vector<16xf32>
        %parallel_loop3A_475 = vector.broadcast %scan3A : f32 to vector<16xf32>
        %parallel_loop3A_476 = arith.mulf %parallel_loop3A_474, %parallel_loop3A_475 : vector<16xf32>
        %parallel_loop3A_477 = arith.index_cast %parallel_loop3A_373 : i32 to index
        %parallel_loop3A_478 = arith.index_cast %parallel_loop3A_468 : i32 to index
        %parallel_loop3A_479 = tpu.vector_load %arg7[%parallel_loop3A_477, %parallel_loop3A_478] {strides = array<i32>} : memref<8x2048xf32, #tpu.memory_space<vmem>>, vector<1x16xf32>,
        %parallel_loop3A_480 = vector.shape_cast %parallel_loop3A_479 : vector<1x16xf32> to vector<16xf32>
        %parallel_loop3A_481 = vector.shape_cast %parallel_loop3A_476 : vector<16xf32> to vector<1x16xf32>
        tpu.vector_store %arg7[%parallel_loop3A_477, %parallel_loop3A_478], %parallel_loop3A_481 {strides = array<i32>} : memref<8x2048xf32, #tpu.memory_space<vmem>>, vector<1x16xf32>,
        %parallel_loop3A_482 = arith.constant 96 : i32
        %parallel_loop3A_483 = arith.addi %parallel_loop3A_391, %parallel_loop3A_482 : i32
        %parallel_loop3A_484 = arith.constant 8 : i32
        %parallel_loop3A_485 = arith.addi %parallel_loop3A_484, %parallel_loop3A_373 : i32
        %parallel_loop3A_486 = arith.index_cast %parallel_loop3A_485 : i32 to index
        %parallel_loop3A_487 = arith.index_cast %parallel_loop3A_483 : i32 to index
        %parallel_loop3A_488 = tpu.vector_load %arg4[%parallel_loop3A_486, %parallel_loop3A_487] {strides = array<i32>} : memref<16x2048xf32, #tpu.memory_space<vmem>>, vector<1x16xf32>,
        %parallel_loop3A_489 = vector.shape_cast %parallel_loop3A_488 : vector<1x16xf32> to vector<16xf32>
        %parallel_loop3A_490 = vector.broadcast %scan3A : f32 to vector<16xf32>
        %parallel_loop3A_491 = arith.mulf %parallel_loop3A_489, %parallel_loop3A_490 : vector<16xf32>
        %parallel_loop3A_492 = arith.index_cast %parallel_loop3A_373 : i32 to index
        %parallel_loop3A_493 = arith.index_cast %parallel_loop3A_483 : i32 to index
        %parallel_loop3A_494 = tpu.vector_load %arg7[%parallel_loop3A_492, %parallel_loop3A_493] {strides = array<i32>} : memref<8x2048xf32, #tpu.memory_space<vmem>>, vector<1x16xf32>,
        %parallel_loop3A_495 = vector.shape_cast %parallel_loop3A_494 : vector<1x16xf32> to vector<16xf32>
        %parallel_loop3A_496 = vector.shape_cast %parallel_loop3A_491 : vector<16xf32> to vector<1x16xf32>
        tpu.vector_store %arg7[%parallel_loop3A_492, %parallel_loop3A_493], %parallel_loop3A_496 {strides = array<i32>} : memref<8x2048xf32, #tpu.memory_space<vmem>>, vector<1x16xf32>,
        %parallel_loop3A_497 = arith.constant 112 : i32
        %parallel_loop3A_498 = arith.addi %parallel_loop3A_391, %parallel_loop3A_497 : i32
        %parallel_loop3A_499 = arith.constant 8 : i32
        %parallel_loop3A_500 = arith.addi %parallel_loop3A_499, %parallel_loop3A_373 : i32
        %parallel_loop3A_501 = arith.index_cast %parallel_loop3A_500 : i32 to index
        %parallel_loop3A_502 = arith.index_cast %parallel_loop3A_498 : i32 to index
        %parallel_loop3A_503 = tpu.vector_load %arg4[%parallel_loop3A_501, %parallel_loop3A_502] {strides = array<i32>} : memref<16x2048xf32, #tpu.memory_space<vmem>>, vector<1x16xf32>,
        %parallel_loop3A_504 = vector.shape_cast %parallel_loop3A_503 : vector<1x16xf32> to vector<16xf32>
        %parallel_loop3A_505 = vector.broadcast %scan3A : f32 to vector<16xf32>
        %parallel_loop3A_506 = arith.mulf %parallel_loop3A_504, %parallel_loop3A_505 : vector<16xf32>
        %parallel_loop3A_507 = arith.index_cast %parallel_loop3A_373 : i32 to index
        %parallel_loop3A_508 = arith.index_cast %parallel_loop3A_498 : i32 to index
        %parallel_loop3A_509 = tpu.vector_load %arg7[%parallel_loop3A_507, %parallel_loop3A_508] {strides = array<i32>} : memref<8x2048xf32, #tpu.memory_space<vmem>>, vector<1x16xf32>,
        %parallel_loop3A_510 = vector.shape_cast %parallel_loop3A_509 : vector<1x16xf32> to vector<16xf32>
        %parallel_loop3A_511 = vector.shape_cast %parallel_loop3A_506 : vector<16xf32> to vector<1x16xf32>
        tpu.vector_store %arg7[%parallel_loop3A_507, %parallel_loop3A_508], %parallel_loop3A_511 {strides = array<i32>} : memref<8x2048xf32, #tpu.memory_space<vmem>>, vector<1x16xf32>,
      } {sc.loop_unroll_factor = 1 : i64, sc.parallel_access}
      %mul3A_265 = arith.constant 16 : i32
      %mul3A_266 = arith.muli %add3A_221, %mul3A_265 : i32
      %add3A_267 = arith.addi %mul3A_2, %mul3A_266 : i32
      %add3A_268 = arith.constant 8 : i32
      %add3A_269 = arith.addi %add3A_267, %add3A_268 : i32
      %dma_start3A_270 = arith.constant 0 : i32
      %dma_start3A_271 = tpu.memref_slice %arg3[%add3A_269, %dma_start3A_270] : memref<8192x2048xf32, #tpu.memory_space<hbm>> -> memref<8x2048xf32, #tpu.memory_space<hbm>>
      %dma_start3A_272 = arith.constant 0 : i32
      %dma_start3A_273 = tpu.memref_slice %arg3[%add3A_269, %dma_start3A_272] : memref<8192x2048xf32, #tpu.memory_space<hbm>> -> memref<8x2048xf32, #tpu.memory_space<hbm>>
      tpu.enqueue_dma source(%arg7 : memref<8x2048xf32, #tpu.memory_space<vmem>>) target(%dma_start3A_273 : memref<8x2048xf32, #tpu.memory_space<hbm>>) target_semaphore(%arg11 : memref<!tpu.dma_semaphore, #tpu.memory_space<semaphore_mem>>)
      %add3A_274 = arith.constant 2 : i32
      %add3A_275 = arith.addi %add3A_221, %add3A_274 : i32
      %mul3A_276 = arith.constant 16 : i32
      %mul3A_277 = arith.muli %add3A_275, %mul3A_276 : i32
      %add3A_278 = arith.addi %mul3A_2, %mul3A_277 : i32
      %dma_start3A_279 = arith.constant 0 : i32
      %dma_start3A_280 = tpu.memref_slice %arg2[%add3A_278, %dma_start3A_279] : memref<8192x2048xf32, #tpu.memory_space<hbm>> -> memref<16x2048xf32, #tpu.memory_space<hbm>>
      %dma_start3A_281 = arith.constant 0 : i32
      %dma_start3A_282 = tpu.memref_slice %arg2[%add3A_278, %dma_start3A_281] : memref<8192x2048xf32, #tpu.memory_space<hbm>> -> memref<16x2048xf32, #tpu.memory_space<hbm>>
      tpu.enqueue_dma source(%dma_start3A_282 : memref<16x2048xf32, #tpu.memory_space<hbm>>) target(%arg4 : memref<16x2048xf32, #tpu.memory_space<vmem>>) target_semaphore(%arg8 : memref<!tpu.dma_semaphore, #tpu.memory_space<semaphore_mem>>)
      %mul3A_283 = arith.constant 2 : i32
      %mul3A_284 = arith.muli %mul3A_283, %add3A_217 : i32
      %add3A_285 = arith.constant 1 : i32
      %add3A_286 = arith.addi %mul3A_284, %add3A_285 : i32
      %mul3A_287 = arith.constant 16 : i32
      %mul3A_288 = arith.muli %add3A_286, %mul3A_287 : i32
      %add3A_289 = arith.addi %mul3A_2, %mul3A_288 : i32
      %dma_wait3A_290 = arith.constant 0 : i32
      %dma_wait3A_291 = tpu.memref_slice %arg2[%add3A_289, %dma_wait3A_290] : memref<8192x2048xf32, #tpu.memory_space<hbm>> -> memref<16x2048xf32, #tpu.memory_space<hbm>>
      %dma_wait3A_292 = arith.constant 0 : i32
      %dma_wait3A_293 = tpu.memref_slice %arg2[%add3A_289, %dma_wait3A_292] : memref<8192x2048xf32, #tpu.memory_space<hbm>> -> memref<16x2048xf32, #tpu.memory_space<hbm>>
      tpu.wait_dma2 semaphore(%arg9 : memref<!tpu.dma_semaphore, #tpu.memory_space<semaphore_mem>>) src(%dma_wait3A_293 : memref<16x2048xf32, #tpu.memory_space<hbm>>) dst(%arg5 : memref<16x2048xf32, #tpu.memory_space<vmem>>)
      %sub3A_294 = arith.constant 1 : i32
      %sub3A_295 = arith.subi %add3A_286, %sub3A_294 : i32
      %mul3A_296 = arith.constant 16 : i32
      %mul3A_297 = arith.muli %sub3A_295, %mul3A_296 : i32
      %add3A_298 = arith.addi %mul3A_2, %mul3A_297 : i32
      %add3A_299 = arith.constant 0 : i32
      %add3A_300 = arith.addi %add3A_298, %add3A_299 : i32
      %dma_wait3A_301 = arith.constant 0 : i32
      %dma_wait3A_302 = tpu.memref_slice %arg3[%add3A_300, %dma_wait3A_301] : memref<8192x2048xf32, #tpu.memory_space<hbm>> -> memref<8x2048xf32, #tpu.memory_space<hbm>>
      %dma_wait3A_303 = arith.constant 0 : i32
      %dma_wait3A_304 = tpu.memref_slice %arg3[%add3A_300, %dma_wait3A_303] : memref<8192x2048xf32, #tpu.memory_space<hbm>> -> memref<8x2048xf32, #tpu.memory_space<hbm>>
      tpu.wait_dma2 semaphore(%arg10 : memref<!tpu.dma_semaphore, #tpu.memory_space<semaphore_mem>>) src(%arg6 : memref<8x2048xf32, #tpu.memory_space<vmem>>) dst(%dma_wait3A_304 : memref<8x2048xf32, #tpu.memory_space<hbm>>)
      %parallel_loop3A_305 = arith.constant 0 : i32
      %parallel_loop3A_306 = arith.constant 128 : i32
      %parallel_loop3A_307 = arith.constant 1 : i32
      scf.for %parallel_loop3A_349 = %parallel_loop3A_305 to %parallel_loop3A_306 step %parallel_loop3A_307  : i32 {
        %parallel_loop3A_350 = arith.constant 16 : i32
        %parallel_loop3A_351 = arith.divsi %parallel_loop3A_349, %parallel_loop3A_350 : i32
        %parallel_loop3A_352 = arith.constant 0 : i32
        %parallel_loop3A_353 = arith.cmpi sgt, %parallel_loop3A_349, %parallel_loop3A_352 : i32
        %parallel_loop3A_354 = arith.extui %parallel_loop3A_353 : i1 to i32
        %parallel_loop3A_355 = arith.constant 0 : i32
        %parallel_loop3A_356 = arith.cmpi slt, %parallel_loop3A_349, %parallel_loop3A_355 : i32
        %parallel_loop3A_357 = arith.extui %parallel_loop3A_356 : i1 to i32
        %parallel_loop3A_358 = arith.subi %parallel_loop3A_354, %parallel_loop3A_357 : i32
        %parallel_loop3A_359 = arith.constant 0 : i32
        %parallel_loop3A_360 = arith.cmpi sgt, %parallel_loop3A_350, %parallel_loop3A_359 : i32
        %parallel_loop3A_361 = arith.extui %parallel_loop3A_360 : i1 to i32
        %parallel_loop3A_362 = arith.constant 0 : i32
        %parallel_loop3A_363 = arith.cmpi slt, %parallel_loop3A_350, %parallel_loop3A_362 : i32
        %parallel_loop3A_364 = arith.extui %parallel_loop3A_363 : i1 to i32
        %parallel_loop3A_365 = arith.subi %parallel_loop3A_361, %parallel_loop3A_364 : i32
        %parallel_loop3A_366 = arith.cmpi ne, %parallel_loop3A_358, %parallel_loop3A_365 : i32
        %parallel_loop3A_367 = arith.remsi %parallel_loop3A_349, %parallel_loop3A_350 : i32
        %parallel_loop3A_368 = arith.constant 0 : i32
        %parallel_loop3A_369 = arith.cmpi ne, %parallel_loop3A_367, %parallel_loop3A_368 : i32
        %parallel_loop3A_370 = arith.andi %parallel_loop3A_366, %parallel_loop3A_369 : i1
        %parallel_loop3A_371 = arith.constant 1 : i32
        %parallel_loop3A_372 = arith.subi %parallel_loop3A_351, %parallel_loop3A_371 : i32
        %parallel_loop3A_373 = arith.select %parallel_loop3A_370, %parallel_loop3A_372, %parallel_loop3A_351 : i32
        %parallel_loop3A_374 = arith.constant 16 : i32
        %parallel_loop3A_375 = arith.constant 0 : i32
        %parallel_loop3A_376 = arith.cmpi eq, %parallel_loop3A_374, %parallel_loop3A_375 : i32
        %parallel_loop3A_377 = arith.constant 1 : i32
        %parallel_loop3A_378 = arith.select %parallel_loop3A_376, %parallel_loop3A_377, %parallel_loop3A_374 : i32
        %parallel_loop3A_379 = arith.remsi %parallel_loop3A_349, %parallel_loop3A_378 : i32
        %parallel_loop3A_380 = arith.constant 0 : i32
        %parallel_loop3A_381 = arith.cmpi ne, %parallel_loop3A_379, %parallel_loop3A_380 : i32
        %parallel_loop3A_382 = arith.constant 0 : i32
        %parallel_loop3A_383 = arith.cmpi slt, %parallel_loop3A_379, %parallel_loop3A_382 : i32
        %parallel_loop3A_384 = arith.constant 0 : i32
        %parallel_loop3A_385 = arith.cmpi slt, %parallel_loop3A_378, %parallel_loop3A_384 : i32
        %parallel_loop3A_386 = arith.xori %parallel_loop3A_383, %parallel_loop3A_385 : i1
        %parallel_loop3A_387 = arith.andi %parallel_loop3A_386, %parallel_loop3A_381 : i1
        %parallel_loop3A_388 = arith.addi %parallel_loop3A_379, %parallel_loop3A_378 : i32
        %parallel_loop3A_389 = arith.select %parallel_loop3A_387, %parallel_loop3A_388, %parallel_loop3A_379 : i32
        %parallel_loop3A_390 = arith.constant 128 : i32
        %parallel_loop3A_391 = arith.muli %parallel_loop3A_389, %parallel_loop3A_390 : i32
        %parallel_loop3A_392 = arith.constant 0 : i32
        %parallel_loop3A_393 = arith.addi %parallel_loop3A_391, %parallel_loop3A_392 : i32
        %parallel_loop3A_394 = arith.constant 0 : i32
        %parallel_loop3A_395 = arith.addi %parallel_loop3A_394, %parallel_loop3A_373 : i32
        %parallel_loop3A_396 = arith.index_cast %parallel_loop3A_395 : i32 to index
        %parallel_loop3A_397 = arith.index_cast %parallel_loop3A_393 : i32 to index
        %parallel_loop3A_398 = tpu.vector_load %arg5[%parallel_loop3A_396, %parallel_loop3A_397] {strides = array<i32>} : memref<16x2048xf32, #tpu.memory_space<vmem>>, vector<1x16xf32>,
        %parallel_loop3A_399 = vector.shape_cast %parallel_loop3A_398 : vector<1x16xf32> to vector<16xf32>
        %parallel_loop3A_400 = vector.broadcast %scan3A : f32 to vector<16xf32>
        %parallel_loop3A_401 = arith.mulf %parallel_loop3A_399, %parallel_loop3A_400 : vector<16xf32>
        %parallel_loop3A_402 = arith.index_cast %parallel_loop3A_373 : i32 to index
        %parallel_loop3A_403 = arith.index_cast %parallel_loop3A_393 : i32 to index
        %parallel_loop3A_404 = tpu.vector_load %arg6[%parallel_loop3A_402, %parallel_loop3A_403] {strides = array<i32>} : memref<8x2048xf32, #tpu.memory_space<vmem>>, vector<1x16xf32>,
        %parallel_loop3A_405 = vector.shape_cast %parallel_loop3A_404 : vector<1x16xf32> to vector<16xf32>
        %parallel_loop3A_406 = vector.shape_cast %parallel_loop3A_401 : vector<16xf32> to vector<1x16xf32>
        tpu.vector_store %arg6[%parallel_loop3A_402, %parallel_loop3A_403], %parallel_loop3A_406 {strides = array<i32>} : memref<8x2048xf32, #tpu.memory_space<vmem>>, vector<1x16xf32>,
        %parallel_loop3A_407 = arith.constant 16 : i32
        %parallel_loop3A_408 = arith.addi %parallel_loop3A_391, %parallel_loop3A_407 : i32
        %parallel_loop3A_409 = arith.constant 0 : i32
        %parallel_loop3A_410 = arith.addi %parallel_loop3A_409, %parallel_loop3A_373 : i32
        %parallel_loop3A_411 = arith.index_cast %parallel_loop3A_410 : i32 to index
        %parallel_loop3A_412 = arith.index_cast %parallel_loop3A_408 : i32 to index
        %parallel_loop3A_413 = tpu.vector_load %arg5[%parallel_loop3A_411, %parallel_loop3A_412] {strides = array<i32>} : memref<16x2048xf32, #tpu.memory_space<vmem>>, vector<1x16xf32>,
        %parallel_loop3A_414 = vector.shape_cast %parallel_loop3A_413 : vector<1x16xf32> to vector<16xf32>
        %parallel_loop3A_415 = vector.broadcast %scan3A : f32 to vector<16xf32>
        %parallel_loop3A_416 = arith.mulf %parallel_loop3A_414, %parallel_loop3A_415 : vector<16xf32>
        %parallel_loop3A_417 = arith.index_cast %parallel_loop3A_373 : i32 to index
        %parallel_loop3A_418 = arith.index_cast %parallel_loop3A_408 : i32 to index
        %parallel_loop3A_419 = tpu.vector_load %arg6[%parallel_loop3A_417, %parallel_loop3A_418] {strides = array<i32>} : memref<8x2048xf32, #tpu.memory_space<vmem>>, vector<1x16xf32>,
        %parallel_loop3A_420 = vector.shape_cast %parallel_loop3A_419 : vector<1x16xf32> to vector<16xf32>
        %parallel_loop3A_421 = vector.shape_cast %parallel_loop3A_416 : vector<16xf32> to vector<1x16xf32>
        tpu.vector_store %arg6[%parallel_loop3A_417, %parallel_loop3A_418], %parallel_loop3A_421 {strides = array<i32>} : memref<8x2048xf32, #tpu.memory_space<vmem>>, vector<1x16xf32>,
        %parallel_loop3A_422 = arith.constant 32 : i32
        %parallel_loop3A_423 = arith.addi %parallel_loop3A_391, %parallel_loop3A_422 : i32
        %parallel_loop3A_424 = arith.constant 0 : i32
        %parallel_loop3A_425 = arith.addi %parallel_loop3A_424, %parallel_loop3A_373 : i32
        %parallel_loop3A_426 = arith.index_cast %parallel_loop3A_425 : i32 to index
        %parallel_loop3A_427 = arith.index_cast %parallel_loop3A_423 : i32 to index
        %parallel_loop3A_428 = tpu.vector_load %arg5[%parallel_loop3A_426, %parallel_loop3A_427] {strides = array<i32>} : memref<16x2048xf32, #tpu.memory_space<vmem>>, vector<1x16xf32>,
        %parallel_loop3A_429 = vector.shape_cast %parallel_loop3A_428 : vector<1x16xf32> to vector<16xf32>
        %parallel_loop3A_430 = vector.broadcast %scan3A : f32 to vector<16xf32>
        %parallel_loop3A_431 = arith.mulf %parallel_loop3A_429, %parallel_loop3A_430 : vector<16xf32>
        %parallel_loop3A_432 = arith.index_cast %parallel_loop3A_373 : i32 to index
        %parallel_loop3A_433 = arith.index_cast %parallel_loop3A_423 : i32 to index
        %parallel_loop3A_434 = tpu.vector_load %arg6[%parallel_loop3A_432, %parallel_loop3A_433] {strides = array<i32>} : memref<8x2048xf32, #tpu.memory_space<vmem>>, vector<1x16xf32>,
        %parallel_loop3A_435 = vector.shape_cast %parallel_loop3A_434 : vector<1x16xf32> to vector<16xf32>
        %parallel_loop3A_436 = vector.shape_cast %parallel_loop3A_431 : vector<16xf32> to vector<1x16xf32>
        tpu.vector_store %arg6[%parallel_loop3A_432, %parallel_loop3A_433], %parallel_loop3A_436 {strides = array<i32>} : memref<8x2048xf32, #tpu.memory_space<vmem>>, vector<1x16xf32>,
        %parallel_loop3A_437 = arith.constant 48 : i32
        %parallel_loop3A_438 = arith.addi %parallel_loop3A_391, %parallel_loop3A_437 : i32
        %parallel_loop3A_439 = arith.constant 0 : i32
        %parallel_loop3A_440 = arith.addi %parallel_loop3A_439, %parallel_loop3A_373 : i32
        %parallel_loop3A_441 = arith.index_cast %parallel_loop3A_440 : i32 to index
        %parallel_loop3A_442 = arith.index_cast %parallel_loop3A_438 : i32 to index
        %parallel_loop3A_443 = tpu.vector_load %arg5[%parallel_loop3A_441, %parallel_loop3A_442] {strides = array<i32>} : memref<16x2048xf32, #tpu.memory_space<vmem>>, vector<1x16xf32>,
        %parallel_loop3A_444 = vector.shape_cast %parallel_loop3A_443 : vector<1x16xf32> to vector<16xf32>
        %parallel_loop3A_445 = vector.broadcast %scan3A : f32 to vector<16xf32>
        %parallel_loop3A_446 = arith.mulf %parallel_loop3A_444, %parallel_loop3A_445 : vector<16xf32>
        %parallel_loop3A_447 = arith.index_cast %parallel_loop3A_373 : i32 to index
        %parallel_loop3A_448 = arith.index_cast %parallel_loop3A_438 : i32 to index
        %parallel_loop3A_449 = tpu.vector_load %arg6[%parallel_loop3A_447, %parallel_loop3A_448] {strides = array<i32>} : memref<8x2048xf32, #tpu.memory_space<vmem>>, vector<1x16xf32>,
        %parallel_loop3A_450 = vector.shape_cast %parallel_loop3A_449 : vector<1x16xf32> to vector<16xf32>
        %parallel_loop3A_451 = vector.shape_cast %parallel_loop3A_446 : vector<16xf32> to vector<1x16xf32>
        tpu.vector_store %arg6[%parallel_loop3A_447, %parallel_loop3A_448], %parallel_loop3A_451 {strides = array<i32>} : memref<8x2048xf32, #tpu.memory_space<vmem>>, vector<1x16xf32>,
        %parallel_loop3A_452 = arith.constant 64 : i32
        %parallel_loop3A_453 = arith.addi %parallel_loop3A_391, %parallel_loop3A_452 : i32
        %parallel_loop3A_454 = arith.constant 0 : i32
        %parallel_loop3A_455 = arith.addi %parallel_loop3A_454, %parallel_loop3A_373 : i32
        %parallel_loop3A_456 = arith.index_cast %parallel_loop3A_455 : i32 to index
        %parallel_loop3A_457 = arith.index_cast %parallel_loop3A_453 : i32 to index
        %parallel_loop3A_458 = tpu.vector_load %arg5[%parallel_loop3A_456, %parallel_loop3A_457] {strides = array<i32>} : memref<16x2048xf32, #tpu.memory_space<vmem>>, vector<1x16xf32>,
        %parallel_loop3A_459 = vector.shape_cast %parallel_loop3A_458 : vector<1x16xf32> to vector<16xf32>
        %parallel_loop3A_460 = vector.broadcast %scan3A : f32 to vector<16xf32>
        %parallel_loop3A_461 = arith.mulf %parallel_loop3A_459, %parallel_loop3A_460 : vector<16xf32>
        %parallel_loop3A_462 = arith.index_cast %parallel_loop3A_373 : i32 to index
        %parallel_loop3A_463 = arith.index_cast %parallel_loop3A_453 : i32 to index
        %parallel_loop3A_464 = tpu.vector_load %arg6[%parallel_loop3A_462, %parallel_loop3A_463] {strides = array<i32>} : memref<8x2048xf32, #tpu.memory_space<vmem>>, vector<1x16xf32>,
        %parallel_loop3A_465 = vector.shape_cast %parallel_loop3A_464 : vector<1x16xf32> to vector<16xf32>
        %parallel_loop3A_466 = vector.shape_cast %parallel_loop3A_461 : vector<16xf32> to vector<1x16xf32>
        tpu.vector_store %arg6[%parallel_loop3A_462, %parallel_loop3A_463], %parallel_loop3A_466 {strides = array<i32>} : memref<8x2048xf32, #tpu.memory_space<vmem>>, vector<1x16xf32>,
        %parallel_loop3A_467 = arith.constant 80 : i32
        %parallel_loop3A_468 = arith.addi %parallel_loop3A_391, %parallel_loop3A_467 : i32
        %parallel_loop3A_469 = arith.constant 0 : i32
        %parallel_loop3A_470 = arith.addi %parallel_loop3A_469, %parallel_loop3A_373 : i32
        %parallel_loop3A_471 = arith.index_cast %parallel_loop3A_470 : i32 to index
        %parallel_loop3A_472 = arith.index_cast %parallel_loop3A_468 : i32 to index
        %parallel_loop3A_473 = tpu.vector_load %arg5[%parallel_loop3A_471, %parallel_loop3A_472] {strides = array<i32>} : memref<16x2048xf32, #tpu.memory_space<vmem>>, vector<1x16xf32>,
        %parallel_loop3A_474 = vector.shape_cast %parallel_loop3A_473 : vector<1x16xf32> to vector<16xf32>
        %parallel_loop3A_475 = vector.broadcast %scan3A : f32 to vector<16xf32>
        %parallel_loop3A_476 = arith.mulf %parallel_loop3A_474, %parallel_loop3A_475 : vector<16xf32>
        %parallel_loop3A_477 = arith.index_cast %parallel_loop3A_373 : i32 to index
        %parallel_loop3A_478 = arith.index_cast %parallel_loop3A_468 : i32 to index
        %parallel_loop3A_479 = tpu.vector_load %arg6[%parallel_loop3A_477, %parallel_loop3A_478] {strides = array<i32>} : memref<8x2048xf32, #tpu.memory_space<vmem>>, vector<1x16xf32>,
        %parallel_loop3A_480 = vector.shape_cast %parallel_loop3A_479 : vector<1x16xf32> to vector<16xf32>
        %parallel_loop3A_481 = vector.shape_cast %parallel_loop3A_476 : vector<16xf32> to vector<1x16xf32>
        tpu.vector_store %arg6[%parallel_loop3A_477, %parallel_loop3A_478], %parallel_loop3A_481 {strides = array<i32>} : memref<8x2048xf32, #tpu.memory_space<vmem>>, vector<1x16xf32>,
        %parallel_loop3A_482 = arith.constant 96 : i32
        %parallel_loop3A_483 = arith.addi %parallel_loop3A_391, %parallel_loop3A_482 : i32
        %parallel_loop3A_484 = arith.constant 0 : i32
        %parallel_loop3A_485 = arith.addi %parallel_loop3A_484, %parallel_loop3A_373 : i32
        %parallel_loop3A_486 = arith.index_cast %parallel_loop3A_485 : i32 to index
        %parallel_loop3A_487 = arith.index_cast %parallel_loop3A_483 : i32 to index
        %parallel_loop3A_488 = tpu.vector_load %arg5[%parallel_loop3A_486, %parallel_loop3A_487] {strides = array<i32>} : memref<16x2048xf32, #tpu.memory_space<vmem>>, vector<1x16xf32>,
        %parallel_loop3A_489 = vector.shape_cast %parallel_loop3A_488 : vector<1x16xf32> to vector<16xf32>
        %parallel_loop3A_490 = vector.broadcast %scan3A : f32 to vector<16xf32>
        %parallel_loop3A_491 = arith.mulf %parallel_loop3A_489, %parallel_loop3A_490 : vector<16xf32>
        %parallel_loop3A_492 = arith.index_cast %parallel_loop3A_373 : i32 to index
        %parallel_loop3A_493 = arith.index_cast %parallel_loop3A_483 : i32 to index
        %parallel_loop3A_494 = tpu.vector_load %arg6[%parallel_loop3A_492, %parallel_loop3A_493] {strides = array<i32>} : memref<8x2048xf32, #tpu.memory_space<vmem>>, vector<1x16xf32>,
        %parallel_loop3A_495 = vector.shape_cast %parallel_loop3A_494 : vector<1x16xf32> to vector<16xf32>
        %parallel_loop3A_496 = vector.shape_cast %parallel_loop3A_491 : vector<16xf32> to vector<1x16xf32>
        tpu.vector_store %arg6[%parallel_loop3A_492, %parallel_loop3A_493], %parallel_loop3A_496 {strides = array<i32>} : memref<8x2048xf32, #tpu.memory_space<vmem>>, vector<1x16xf32>,
        %parallel_loop3A_497 = arith.constant 112 : i32
        %parallel_loop3A_498 = arith.addi %parallel_loop3A_391, %parallel_loop3A_497 : i32
        %parallel_loop3A_499 = arith.constant 0 : i32
        %parallel_loop3A_500 = arith.addi %parallel_loop3A_499, %parallel_loop3A_373 : i32
        %parallel_loop3A_501 = arith.index_cast %parallel_loop3A_500 : i32 to index
        %parallel_loop3A_502 = arith.index_cast %parallel_loop3A_498 : i32 to index
        %parallel_loop3A_503 = tpu.vector_load %arg5[%parallel_loop3A_501, %parallel_loop3A_502] {strides = array<i32>} : memref<16x2048xf32, #tpu.memory_space<vmem>>, vector<1x16xf32>,
        %parallel_loop3A_504 = vector.shape_cast %parallel_loop3A_503 : vector<1x16xf32> to vector<16xf32>
        %parallel_loop3A_505 = vector.broadcast %scan3A : f32 to vector<16xf32>
        %parallel_loop3A_506 = arith.mulf %parallel_loop3A_504, %parallel_loop3A_505 : vector<16xf32>
        %parallel_loop3A_507 = arith.index_cast %parallel_loop3A_373 : i32 to index
        %parallel_loop3A_508 = arith.index_cast %parallel_loop3A_498 : i32 to index
        %parallel_loop3A_509 = tpu.vector_load %arg6[%parallel_loop3A_507, %parallel_loop3A_508] {strides = array<i32>} : memref<8x2048xf32, #tpu.memory_space<vmem>>, vector<1x16xf32>,
        %parallel_loop3A_510 = vector.shape_cast %parallel_loop3A_509 : vector<1x16xf32> to vector<16xf32>
        %parallel_loop3A_511 = vector.shape_cast %parallel_loop3A_506 : vector<16xf32> to vector<1x16xf32>
        tpu.vector_store %arg6[%parallel_loop3A_507, %parallel_loop3A_508], %parallel_loop3A_511 {strides = array<i32>} : memref<8x2048xf32, #tpu.memory_space<vmem>>, vector<1x16xf32>,
      } {sc.loop_unroll_factor = 1 : i64, sc.parallel_access}
      %mul3A_308 = arith.constant 16 : i32
      %mul3A_309 = arith.muli %add3A_286, %mul3A_308 : i32
      %add3A_310 = arith.addi %mul3A_2, %mul3A_309 : i32
      %add3A_311 = arith.constant 0 : i32
      %add3A_312 = arith.addi %add3A_310, %add3A_311 : i32
      %dma_start3A_313 = arith.constant 0 : i32
      %dma_start3A_314 = tpu.memref_slice %arg3[%add3A_312, %dma_start3A_313] : memref<8192x2048xf32, #tpu.memory_space<hbm>> -> memref<8x2048xf32, #tpu.memory_space<hbm>>
      %dma_start3A_315 = arith.constant 0 : i32
      %dma_start3A_316 = tpu.memref_slice %arg3[%add3A_312, %dma_start3A_315] : memref<8192x2048xf32, #tpu.memory_space<hbm>> -> memref<8x2048xf32, #tpu.memory_space<hbm>>
      tpu.enqueue_dma source(%arg6 : memref<8x2048xf32, #tpu.memory_space<vmem>>) target(%dma_start3A_316 : memref<8x2048xf32, #tpu.memory_space<hbm>>) target_semaphore(%arg10 : memref<!tpu.dma_semaphore, #tpu.memory_space<semaphore_mem>>)
      %sub3A_317 = arith.constant 1 : i32
      %sub3A_318 = arith.subi %add3A_286, %sub3A_317 : i32
      %mul3A_319 = arith.constant 16 : i32
      %mul3A_320 = arith.muli %sub3A_318, %mul3A_319 : i32
      %add3A_321 = arith.addi %mul3A_2, %mul3A_320 : i32
      %add3A_322 = arith.constant 8 : i32
      %add3A_323 = arith.addi %add3A_321, %add3A_322 : i32
      %dma_wait3A_324 = arith.constant 0 : i32
      %dma_wait3A_325 = tpu.memref_slice %arg3[%add3A_323, %dma_wait3A_324] : memref<8192x2048xf32, #tpu.memory_space<hbm>> -> memref<8x2048xf32, #tpu.memory_space<hbm>>
      %dma_wait3A_326 = arith.constant 0 : i32
      %dma_wait3A_327 = tpu.memref_slice %arg3[%add3A_323, %dma_wait3A_326] : memref<8192x2048xf32, #tpu.memory_space<hbm>> -> memref<8x2048xf32, #tpu.memory_space<hbm>>
      tpu.wait_dma2 semaphore(%arg11 : memref<!tpu.dma_semaphore, #tpu.memory_space<semaphore_mem>>) src(%arg7 : memref<8x2048xf32, #tpu.memory_space<vmem>>) dst(%dma_wait3A_327 : memref<8x2048xf32, #tpu.memory_space<hbm>>)
      %parallel_loop3A_328 = arith.constant 0 : i32
      %parallel_loop3A_329 = arith.constant 128 : i32
      %parallel_loop3A_330 = arith.constant 1 : i32
      scf.for %parallel_loop3A_349 = %parallel_loop3A_328 to %parallel_loop3A_329 step %parallel_loop3A_330  : i32 {
        %parallel_loop3A_350 = arith.constant 16 : i32
        %parallel_loop3A_351 = arith.divsi %parallel_loop3A_349, %parallel_loop3A_350 : i32
        %parallel_loop3A_352 = arith.constant 0 : i32
        %parallel_loop3A_353 = arith.cmpi sgt, %parallel_loop3A_349, %parallel_loop3A_352 : i32
        %parallel_loop3A_354 = arith.extui %parallel_loop3A_353 : i1 to i32
        %parallel_loop3A_355 = arith.constant 0 : i32
        %parallel_loop3A_356 = arith.cmpi slt, %parallel_loop3A_349, %parallel_loop3A_355 : i32
        %parallel_loop3A_357 = arith.extui %parallel_loop3A_356 : i1 to i32
        %parallel_loop3A_358 = arith.subi %parallel_loop3A_354, %parallel_loop3A_357 : i32
        %parallel_loop3A_359 = arith.constant 0 : i32
        %parallel_loop3A_360 = arith.cmpi sgt, %parallel_loop3A_350, %parallel_loop3A_359 : i32
        %parallel_loop3A_361 = arith.extui %parallel_loop3A_360 : i1 to i32
        %parallel_loop3A_362 = arith.constant 0 : i32
        %parallel_loop3A_363 = arith.cmpi slt, %parallel_loop3A_350, %parallel_loop3A_362 : i32
        %parallel_loop3A_364 = arith.extui %parallel_loop3A_363 : i1 to i32
        %parallel_loop3A_365 = arith.subi %parallel_loop3A_361, %parallel_loop3A_364 : i32
        %parallel_loop3A_366 = arith.cmpi ne, %parallel_loop3A_358, %parallel_loop3A_365 : i32
        %parallel_loop3A_367 = arith.remsi %parallel_loop3A_349, %parallel_loop3A_350 : i32
        %parallel_loop3A_368 = arith.constant 0 : i32
        %parallel_loop3A_369 = arith.cmpi ne, %parallel_loop3A_367, %parallel_loop3A_368 : i32
        %parallel_loop3A_370 = arith.andi %parallel_loop3A_366, %parallel_loop3A_369 : i1
        %parallel_loop3A_371 = arith.constant 1 : i32
        %parallel_loop3A_372 = arith.subi %parallel_loop3A_351, %parallel_loop3A_371 : i32
        %parallel_loop3A_373 = arith.select %parallel_loop3A_370, %parallel_loop3A_372, %parallel_loop3A_351 : i32
        %parallel_loop3A_374 = arith.constant 16 : i32
        %parallel_loop3A_375 = arith.constant 0 : i32
        %parallel_loop3A_376 = arith.cmpi eq, %parallel_loop3A_374, %parallel_loop3A_375 : i32
        %parallel_loop3A_377 = arith.constant 1 : i32
        %parallel_loop3A_378 = arith.select %parallel_loop3A_376, %parallel_loop3A_377, %parallel_loop3A_374 : i32
        %parallel_loop3A_379 = arith.remsi %parallel_loop3A_349, %parallel_loop3A_378 : i32
        %parallel_loop3A_380 = arith.constant 0 : i32
        %parallel_loop3A_381 = arith.cmpi ne, %parallel_loop3A_379, %parallel_loop3A_380 : i32
        %parallel_loop3A_382 = arith.constant 0 : i32
        %parallel_loop3A_383 = arith.cmpi slt, %parallel_loop3A_379, %parallel_loop3A_382 : i32
        %parallel_loop3A_384 = arith.constant 0 : i32
        %parallel_loop3A_385 = arith.cmpi slt, %parallel_loop3A_378, %parallel_loop3A_384 : i32
        %parallel_loop3A_386 = arith.xori %parallel_loop3A_383, %parallel_loop3A_385 : i1
        %parallel_loop3A_387 = arith.andi %parallel_loop3A_386, %parallel_loop3A_381 : i1
        %parallel_loop3A_388 = arith.addi %parallel_loop3A_379, %parallel_loop3A_378 : i32
        %parallel_loop3A_389 = arith.select %parallel_loop3A_387, %parallel_loop3A_388, %parallel_loop3A_379 : i32
        %parallel_loop3A_390 = arith.constant 128 : i32
        %parallel_loop3A_391 = arith.muli %parallel_loop3A_389, %parallel_loop3A_390 : i32
        %parallel_loop3A_392 = arith.constant 0 : i32
        %parallel_loop3A_393 = arith.addi %parallel_loop3A_391, %parallel_loop3A_392 : i32
        %parallel_loop3A_394 = arith.constant 8 : i32
        %parallel_loop3A_395 = arith.addi %parallel_loop3A_394, %parallel_loop3A_373 : i32
        %parallel_loop3A_396 = arith.index_cast %parallel_loop3A_395 : i32 to index
        %parallel_loop3A_397 = arith.index_cast %parallel_loop3A_393 : i32 to index
        %parallel_loop3A_398 = tpu.vector_load %arg5[%parallel_loop3A_396, %parallel_loop3A_397] {strides = array<i32>} : memref<16x2048xf32, #tpu.memory_space<vmem>>, vector<1x16xf32>,
        %parallel_loop3A_399 = vector.shape_cast %parallel_loop3A_398 : vector<1x16xf32> to vector<16xf32>
        %parallel_loop3A_400 = vector.broadcast %scan3A : f32 to vector<16xf32>
        %parallel_loop3A_401 = arith.mulf %parallel_loop3A_399, %parallel_loop3A_400 : vector<16xf32>
        %parallel_loop3A_402 = arith.index_cast %parallel_loop3A_373 : i32 to index
        %parallel_loop3A_403 = arith.index_cast %parallel_loop3A_393 : i32 to index
        %parallel_loop3A_404 = tpu.vector_load %arg7[%parallel_loop3A_402, %parallel_loop3A_403] {strides = array<i32>} : memref<8x2048xf32, #tpu.memory_space<vmem>>, vector<1x16xf32>,
        %parallel_loop3A_405 = vector.shape_cast %parallel_loop3A_404 : vector<1x16xf32> to vector<16xf32>
        %parallel_loop3A_406 = vector.shape_cast %parallel_loop3A_401 : vector<16xf32> to vector<1x16xf32>
        tpu.vector_store %arg7[%parallel_loop3A_402, %parallel_loop3A_403], %parallel_loop3A_406 {strides = array<i32>} : memref<8x2048xf32, #tpu.memory_space<vmem>>, vector<1x16xf32>,
        %parallel_loop3A_407 = arith.constant 16 : i32
        %parallel_loop3A_408 = arith.addi %parallel_loop3A_391, %parallel_loop3A_407 : i32
        %parallel_loop3A_409 = arith.constant 8 : i32
        %parallel_loop3A_410 = arith.addi %parallel_loop3A_409, %parallel_loop3A_373 : i32
        %parallel_loop3A_411 = arith.index_cast %parallel_loop3A_410 : i32 to index
        %parallel_loop3A_412 = arith.index_cast %parallel_loop3A_408 : i32 to index
        %parallel_loop3A_413 = tpu.vector_load %arg5[%parallel_loop3A_411, %parallel_loop3A_412] {strides = array<i32>} : memref<16x2048xf32, #tpu.memory_space<vmem>>, vector<1x16xf32>,
        %parallel_loop3A_414 = vector.shape_cast %parallel_loop3A_413 : vector<1x16xf32> to vector<16xf32>
        %parallel_loop3A_415 = vector.broadcast %scan3A : f32 to vector<16xf32>
        %parallel_loop3A_416 = arith.mulf %parallel_loop3A_414, %parallel_loop3A_415 : vector<16xf32>
        %parallel_loop3A_417 = arith.index_cast %parallel_loop3A_373 : i32 to index
        %parallel_loop3A_418 = arith.index_cast %parallel_loop3A_408 : i32 to index
        %parallel_loop3A_419 = tpu.vector_load %arg7[%parallel_loop3A_417, %parallel_loop3A_418] {strides = array<i32>} : memref<8x2048xf32, #tpu.memory_space<vmem>>, vector<1x16xf32>,
        %parallel_loop3A_420 = vector.shape_cast %parallel_loop3A_419 : vector<1x16xf32> to vector<16xf32>
        %parallel_loop3A_421 = vector.shape_cast %parallel_loop3A_416 : vector<16xf32> to vector<1x16xf32>
        tpu.vector_store %arg7[%parallel_loop3A_417, %parallel_loop3A_418], %parallel_loop3A_421 {strides = array<i32>} : memref<8x2048xf32, #tpu.memory_space<vmem>>, vector<1x16xf32>,
        %parallel_loop3A_422 = arith.constant 32 : i32
        %parallel_loop3A_423 = arith.addi %parallel_loop3A_391, %parallel_loop3A_422 : i32
        %parallel_loop3A_424 = arith.constant 8 : i32
        %parallel_loop3A_425 = arith.addi %parallel_loop3A_424, %parallel_loop3A_373 : i32
        %parallel_loop3A_426 = arith.index_cast %parallel_loop3A_425 : i32 to index
        %parallel_loop3A_427 = arith.index_cast %parallel_loop3A_423 : i32 to index
        %parallel_loop3A_428 = tpu.vector_load %arg5[%parallel_loop3A_426, %parallel_loop3A_427] {strides = array<i32>} : memref<16x2048xf32, #tpu.memory_space<vmem>>, vector<1x16xf32>,
        %parallel_loop3A_429 = vector.shape_cast %parallel_loop3A_428 : vector<1x16xf32> to vector<16xf32>
        %parallel_loop3A_430 = vector.broadcast %scan3A : f32 to vector<16xf32>
        %parallel_loop3A_431 = arith.mulf %parallel_loop3A_429, %parallel_loop3A_430 : vector<16xf32>
        %parallel_loop3A_432 = arith.index_cast %parallel_loop3A_373 : i32 to index
        %parallel_loop3A_433 = arith.index_cast %parallel_loop3A_423 : i32 to index
        %parallel_loop3A_434 = tpu.vector_load %arg7[%parallel_loop3A_432, %parallel_loop3A_433] {strides = array<i32>} : memref<8x2048xf32, #tpu.memory_space<vmem>>, vector<1x16xf32>,
        %parallel_loop3A_435 = vector.shape_cast %parallel_loop3A_434 : vector<1x16xf32> to vector<16xf32>
        %parallel_loop3A_436 = vector.shape_cast %parallel_loop3A_431 : vector<16xf32> to vector<1x16xf32>
        tpu.vector_store %arg7[%parallel_loop3A_432, %parallel_loop3A_433], %parallel_loop3A_436 {strides = array<i32>} : memref<8x2048xf32, #tpu.memory_space<vmem>>, vector<1x16xf32>,
        %parallel_loop3A_437 = arith.constant 48 : i32
        %parallel_loop3A_438 = arith.addi %parallel_loop3A_391, %parallel_loop3A_437 : i32
        %parallel_loop3A_439 = arith.constant 8 : i32
        %parallel_loop3A_440 = arith.addi %parallel_loop3A_439, %parallel_loop3A_373 : i32
        %parallel_loop3A_441 = arith.index_cast %parallel_loop3A_440 : i32 to index
        %parallel_loop3A_442 = arith.index_cast %parallel_loop3A_438 : i32 to index
        %parallel_loop3A_443 = tpu.vector_load %arg5[%parallel_loop3A_441, %parallel_loop3A_442] {strides = array<i32>} : memref<16x2048xf32, #tpu.memory_space<vmem>>, vector<1x16xf32>,
        %parallel_loop3A_444 = vector.shape_cast %parallel_loop3A_443 : vector<1x16xf32> to vector<16xf32>
        %parallel_loop3A_445 = vector.broadcast %scan3A : f32 to vector<16xf32>
        %parallel_loop3A_446 = arith.mulf %parallel_loop3A_444, %parallel_loop3A_445 : vector<16xf32>
        %parallel_loop3A_447 = arith.index_cast %parallel_loop3A_373 : i32 to index
        %parallel_loop3A_448 = arith.index_cast %parallel_loop3A_438 : i32 to index
        %parallel_loop3A_449 = tpu.vector_load %arg7[%parallel_loop3A_447, %parallel_loop3A_448] {strides = array<i32>} : memref<8x2048xf32, #tpu.memory_space<vmem>>, vector<1x16xf32>,
        %parallel_loop3A_450 = vector.shape_cast %parallel_loop3A_449 : vector<1x16xf32> to vector<16xf32>
        %parallel_loop3A_451 = vector.shape_cast %parallel_loop3A_446 : vector<16xf32> to vector<1x16xf32>
        tpu.vector_store %arg7[%parallel_loop3A_447, %parallel_loop3A_448], %parallel_loop3A_451 {strides = array<i32>} : memref<8x2048xf32, #tpu.memory_space<vmem>>, vector<1x16xf32>,
        %parallel_loop3A_452 = arith.constant 64 : i32
        %parallel_loop3A_453 = arith.addi %parallel_loop3A_391, %parallel_loop3A_452 : i32
        %parallel_loop3A_454 = arith.constant 8 : i32
        %parallel_loop3A_455 = arith.addi %parallel_loop3A_454, %parallel_loop3A_373 : i32
        %parallel_loop3A_456 = arith.index_cast %parallel_loop3A_455 : i32 to index
        %parallel_loop3A_457 = arith.index_cast %parallel_loop3A_453 : i32 to index
        %parallel_loop3A_458 = tpu.vector_load %arg5[%parallel_loop3A_456, %parallel_loop3A_457] {strides = array<i32>} : memref<16x2048xf32, #tpu.memory_space<vmem>>, vector<1x16xf32>,
        %parallel_loop3A_459 = vector.shape_cast %parallel_loop3A_458 : vector<1x16xf32> to vector<16xf32>
        %parallel_loop3A_460 = vector.broadcast %scan3A : f32 to vector<16xf32>
        %parallel_loop3A_461 = arith.mulf %parallel_loop3A_459, %parallel_loop3A_460 : vector<16xf32>
        %parallel_loop3A_462 = arith.index_cast %parallel_loop3A_373 : i32 to index
        %parallel_loop3A_463 = arith.index_cast %parallel_loop3A_453 : i32 to index
        %parallel_loop3A_464 = tpu.vector_load %arg7[%parallel_loop3A_462, %parallel_loop3A_463] {strides = array<i32>} : memref<8x2048xf32, #tpu.memory_space<vmem>>, vector<1x16xf32>,
        %parallel_loop3A_465 = vector.shape_cast %parallel_loop3A_464 : vector<1x16xf32> to vector<16xf32>
        %parallel_loop3A_466 = vector.shape_cast %parallel_loop3A_461 : vector<16xf32> to vector<1x16xf32>
        tpu.vector_store %arg7[%parallel_loop3A_462, %parallel_loop3A_463], %parallel_loop3A_466 {strides = array<i32>} : memref<8x2048xf32, #tpu.memory_space<vmem>>, vector<1x16xf32>,
        %parallel_loop3A_467 = arith.constant 80 : i32
        %parallel_loop3A_468 = arith.addi %parallel_loop3A_391, %parallel_loop3A_467 : i32
        %parallel_loop3A_469 = arith.constant 8 : i32
        %parallel_loop3A_470 = arith.addi %parallel_loop3A_469, %parallel_loop3A_373 : i32
        %parallel_loop3A_471 = arith.index_cast %parallel_loop3A_470 : i32 to index
        %parallel_loop3A_472 = arith.index_cast %parallel_loop3A_468 : i32 to index
        %parallel_loop3A_473 = tpu.vector_load %arg5[%parallel_loop3A_471, %parallel_loop3A_472] {strides = array<i32>} : memref<16x2048xf32, #tpu.memory_space<vmem>>, vector<1x16xf32>,
        %parallel_loop3A_474 = vector.shape_cast %parallel_loop3A_473 : vector<1x16xf32> to vector<16xf32>
        %parallel_loop3A_475 = vector.broadcast %scan3A : f32 to vector<16xf32>
        %parallel_loop3A_476 = arith.mulf %parallel_loop3A_474, %parallel_loop3A_475 : vector<16xf32>
        %parallel_loop3A_477 = arith.index_cast %parallel_loop3A_373 : i32 to index
        %parallel_loop3A_478 = arith.index_cast %parallel_loop3A_468 : i32 to index
        %parallel_loop3A_479 = tpu.vector_load %arg7[%parallel_loop3A_477, %parallel_loop3A_478] {strides = array<i32>} : memref<8x2048xf32, #tpu.memory_space<vmem>>, vector<1x16xf32>,
        %parallel_loop3A_480 = vector.shape_cast %parallel_loop3A_479 : vector<1x16xf32> to vector<16xf32>
        %parallel_loop3A_481 = vector.shape_cast %parallel_loop3A_476 : vector<16xf32> to vector<1x16xf32>
        tpu.vector_store %arg7[%parallel_loop3A_477, %parallel_loop3A_478], %parallel_loop3A_481 {strides = array<i32>} : memref<8x2048xf32, #tpu.memory_space<vmem>>, vector<1x16xf32>,
        %parallel_loop3A_482 = arith.constant 96 : i32
        %parallel_loop3A_483 = arith.addi %parallel_loop3A_391, %parallel_loop3A_482 : i32
        %parallel_loop3A_484 = arith.constant 8 : i32
        %parallel_loop3A_485 = arith.addi %parallel_loop3A_484, %parallel_loop3A_373 : i32
        %parallel_loop3A_486 = arith.index_cast %parallel_loop3A_485 : i32 to index
        %parallel_loop3A_487 = arith.index_cast %parallel_loop3A_483 : i32 to index
        %parallel_loop3A_488 = tpu.vector_load %arg5[%parallel_loop3A_486, %parallel_loop3A_487] {strides = array<i32>} : memref<16x2048xf32, #tpu.memory_space<vmem>>, vector<1x16xf32>,
        %parallel_loop3A_489 = vector.shape_cast %parallel_loop3A_488 : vector<1x16xf32> to vector<16xf32>
        %parallel_loop3A_490 = vector.broadcast %scan3A : f32 to vector<16xf32>
        %parallel_loop3A_491 = arith.mulf %parallel_loop3A_489, %parallel_loop3A_490 : vector<16xf32>
        %parallel_loop3A_492 = arith.index_cast %parallel_loop3A_373 : i32 to index
        %parallel_loop3A_493 = arith.index_cast %parallel_loop3A_483 : i32 to index
        %parallel_loop3A_494 = tpu.vector_load %arg7[%parallel_loop3A_492, %parallel_loop3A_493] {strides = array<i32>} : memref<8x2048xf32, #tpu.memory_space<vmem>>, vector<1x16xf32>,
        %parallel_loop3A_495 = vector.shape_cast %parallel_loop3A_494 : vector<1x16xf32> to vector<16xf32>
        %parallel_loop3A_496 = vector.shape_cast %parallel_loop3A_491 : vector<16xf32> to vector<1x16xf32>
        tpu.vector_store %arg7[%parallel_loop3A_492, %parallel_loop3A_493], %parallel_loop3A_496 {strides = array<i32>} : memref<8x2048xf32, #tpu.memory_space<vmem>>, vector<1x16xf32>,
        %parallel_loop3A_497 = arith.constant 112 : i32
        %parallel_loop3A_498 = arith.addi %parallel_loop3A_391, %parallel_loop3A_497 : i32
        %parallel_loop3A_499 = arith.constant 8 : i32
        %parallel_loop3A_500 = arith.addi %parallel_loop3A_499, %parallel_loop3A_373 : i32
        %parallel_loop3A_501 = arith.index_cast %parallel_loop3A_500 : i32 to index
        %parallel_loop3A_502 = arith.index_cast %parallel_loop3A_498 : i32 to index
        %parallel_loop3A_503 = tpu.vector_load %arg5[%parallel_loop3A_501, %parallel_loop3A_502] {strides = array<i32>} : memref<16x2048xf32, #tpu.memory_space<vmem>>, vector<1x16xf32>,
        %parallel_loop3A_504 = vector.shape_cast %parallel_loop3A_503 : vector<1x16xf32> to vector<16xf32>
        %parallel_loop3A_505 = vector.broadcast %scan3A : f32 to vector<16xf32>
        %parallel_loop3A_506 = arith.mulf %parallel_loop3A_504, %parallel_loop3A_505 : vector<16xf32>
        %parallel_loop3A_507 = arith.index_cast %parallel_loop3A_373 : i32 to index
        %parallel_loop3A_508 = arith.index_cast %parallel_loop3A_498 : i32 to index
        %parallel_loop3A_509 = tpu.vector_load %arg7[%parallel_loop3A_507, %parallel_loop3A_508] {strides = array<i32>} : memref<8x2048xf32, #tpu.memory_space<vmem>>, vector<1x16xf32>,
        %parallel_loop3A_510 = vector.shape_cast %parallel_loop3A_509 : vector<1x16xf32> to vector<16xf32>
        %parallel_loop3A_511 = vector.shape_cast %parallel_loop3A_506 : vector<16xf32> to vector<1x16xf32>
        tpu.vector_store %arg7[%parallel_loop3A_507, %parallel_loop3A_508], %parallel_loop3A_511 {strides = array<i32>} : memref<8x2048xf32, #tpu.memory_space<vmem>>, vector<1x16xf32>,
      } {sc.loop_unroll_factor = 1 : i64, sc.parallel_access}
      %mul3A_331 = arith.constant 16 : i32
      %mul3A_332 = arith.muli %add3A_286, %mul3A_331 : i32
      %add3A_333 = arith.addi %mul3A_2, %mul3A_332 : i32
      %add3A_334 = arith.constant 8 : i32
      %add3A_335 = arith.addi %add3A_333, %add3A_334 : i32
      %dma_start3A_336 = arith.constant 0 : i32
      %dma_start3A_337 = tpu.memref_slice %arg3[%add3A_335, %dma_start3A_336] : memref<8192x2048xf32, #tpu.memory_space<hbm>> -> memref<8x2048xf32, #tpu.memory_space<hbm>>
      %dma_start3A_338 = arith.constant 0 : i32
      %dma_start3A_339 = tpu.memref_slice %arg3[%add3A_335, %dma_start3A_338] : memref<8192x2048xf32, #tpu.memory_space<hbm>> -> memref<8x2048xf32, #tpu.memory_space<hbm>>
      tpu.enqueue_dma source(%arg7 : memref<8x2048xf32, #tpu.memory_space<vmem>>) target(%dma_start3A_339 : memref<8x2048xf32, #tpu.memory_space<hbm>>) target_semaphore(%arg11 : memref<!tpu.dma_semaphore, #tpu.memory_space<semaphore_mem>>)
      %add3A_340 = arith.constant 2 : i32
      %add3A_341 = arith.addi %add3A_286, %add3A_340 : i32
      %mul3A_342 = arith.constant 16 : i32
      %mul3A_343 = arith.muli %add3A_341, %mul3A_342 : i32
      %add3A_344 = arith.addi %mul3A_2, %mul3A_343 : i32
      %dma_start3A_345 = arith.constant 0 : i32
      %dma_start3A_346 = tpu.memref_slice %arg2[%add3A_344, %dma_start3A_345] : memref<8192x2048xf32, #tpu.memory_space<hbm>> -> memref<16x2048xf32, #tpu.memory_space<hbm>>
      %dma_start3A_347 = arith.constant 0 : i32
      %dma_start3A_348 = tpu.memref_slice %arg2[%add3A_344, %dma_start3A_347] : memref<8192x2048xf32, #tpu.memory_space<hbm>> -> memref<16x2048xf32, #tpu.memory_space<hbm>>
      tpu.enqueue_dma source(%dma_start3A_348 : memref<16x2048xf32, #tpu.memory_space<hbm>>) target(%arg5 : memref<16x2048xf32, #tpu.memory_space<vmem>>) target_semaphore(%arg9 : memref<!tpu.dma_semaphore, #tpu.memory_space<semaphore_mem>>)
    }
    %scan3A_104 = arith.constant 6 : i32
    %add3A_105 = arith.constant 224 : i32
    %add3A_106 = arith.addi %mul3A_2, %add3A_105 : i32
    %dma_wait3A_107 = arith.constant 0 : i32
    %dma_wait3A_108 = tpu.memref_slice %arg2[%add3A_106, %dma_wait3A_107] : memref<8192x2048xf32, #tpu.memory_space<hbm>> -> memref<16x2048xf32, #tpu.memory_space<hbm>>
    %dma_wait3A_109 = arith.constant 0 : i32
    %dma_wait3A_110 = tpu.memref_slice %arg2[%add3A_106, %dma_wait3A_109] : memref<8192x2048xf32, #tpu.memory_space<hbm>> -> memref<16x2048xf32, #tpu.memory_space<hbm>>
    tpu.wait_dma2 semaphore(%arg8 : memref<!tpu.dma_semaphore, #tpu.memory_space<semaphore_mem>>) src(%dma_wait3A_110 : memref<16x2048xf32, #tpu.memory_space<hbm>>) dst(%arg4 : memref<16x2048xf32, #tpu.memory_space<vmem>>)
    %add3A_111 = arith.constant 208 : i32
    %add3A_112 = arith.addi %mul3A_2, %add3A_111 : i32
    %add3A_113 = arith.constant 0 : i32
    %add3A_114 = arith.addi %add3A_112, %add3A_113 : i32
    %dma_wait3A_115 = arith.constant 0 : i32
    %dma_wait3A_116 = tpu.memref_slice %arg3[%add3A_114, %dma_wait3A_115] : memref<8192x2048xf32, #tpu.memory_space<hbm>> -> memref<8x2048xf32, #tpu.memory_space<hbm>>
    %dma_wait3A_117 = arith.constant 0 : i32
    %dma_wait3A_118 = tpu.memref_slice %arg3[%add3A_114, %dma_wait3A_117] : memref<8192x2048xf32, #tpu.memory_space<hbm>> -> memref<8x2048xf32, #tpu.memory_space<hbm>>
    tpu.wait_dma2 semaphore(%arg10 : memref<!tpu.dma_semaphore, #tpu.memory_space<semaphore_mem>>) src(%arg6 : memref<8x2048xf32, #tpu.memory_space<vmem>>) dst(%dma_wait3A_118 : memref<8x2048xf32, #tpu.memory_space<hbm>>)
    %parallel_loop3A_119 = arith.constant 0 : i32
    %parallel_loop3A_120 = arith.constant 128 : i32
    %parallel_loop3A_121 = arith.constant 1 : i32
    %parallel_loop3A_122 = arith.constant 0.0220970865 : f32
    scf.for %parallel_loop3A_213 = %parallel_loop3A_119 to %parallel_loop3A_120 step %parallel_loop3A_121  : i32 {
      %parallel_loop3A_214 = arith.constant 16 : i32
      %parallel_loop3A_215 = arith.divsi %parallel_loop3A_213, %parallel_loop3A_214 : i32
      %parallel_loop3A_216 = arith.constant 0 : i32
      %parallel_loop3A_217 = arith.cmpi sgt, %parallel_loop3A_213, %parallel_loop3A_216 : i32
      %parallel_loop3A_218 = arith.extui %parallel_loop3A_217 : i1 to i32
      %parallel_loop3A_219 = arith.constant 0 : i32
      %parallel_loop3A_220 = arith.cmpi slt, %parallel_loop3A_213, %parallel_loop3A_219 : i32
      %parallel_loop3A_221 = arith.extui %parallel_loop3A_220 : i1 to i32
      %parallel_loop3A_222 = arith.subi %parallel_loop3A_218, %parallel_loop3A_221 : i32
      %parallel_loop3A_223 = arith.constant 0 : i32
      %parallel_loop3A_224 = arith.cmpi sgt, %parallel_loop3A_214, %parallel_loop3A_223 : i32
      %parallel_loop3A_225 = arith.extui %parallel_loop3A_224 : i1 to i32
      %parallel_loop3A_226 = arith.constant 0 : i32
      %parallel_loop3A_227 = arith.cmpi slt, %parallel_loop3A_214, %parallel_loop3A_226 : i32
      %parallel_loop3A_228 = arith.extui %parallel_loop3A_227 : i1 to i32
      %parallel_loop3A_229 = arith.subi %parallel_loop3A_225, %parallel_loop3A_228 : i32
      %parallel_loop3A_230 = arith.cmpi ne, %parallel_loop3A_222, %parallel_loop3A_229 : i32
      %parallel_loop3A_231 = arith.remsi %parallel_loop3A_213, %parallel_loop3A_214 : i32
      %parallel_loop3A_232 = arith.constant 0 : i32
      %parallel_loop3A_233 = arith.cmpi ne, %parallel_loop3A_231, %parallel_loop3A_232 : i32
      %parallel_loop3A_234 = arith.andi %parallel_loop3A_230, %parallel_loop3A_233 : i1
      %parallel_loop3A_235 = arith.constant 1 : i32
      %parallel_loop3A_236 = arith.subi %parallel_loop3A_215, %parallel_loop3A_235 : i32
      %parallel_loop3A_237 = arith.select %parallel_loop3A_234, %parallel_loop3A_236, %parallel_loop3A_215 : i32
      %parallel_loop3A_238 = arith.constant 16 : i32
      %parallel_loop3A_239 = arith.constant 0 : i32
      %parallel_loop3A_240 = arith.cmpi eq, %parallel_loop3A_238, %parallel_loop3A_239 : i32
      %parallel_loop3A_241 = arith.constant 1 : i32
      %parallel_loop3A_242 = arith.select %parallel_loop3A_240, %parallel_loop3A_241, %parallel_loop3A_238 : i32
      %parallel_loop3A_243 = arith.remsi %parallel_loop3A_213, %parallel_loop3A_242 : i32
      %parallel_loop3A_244 = arith.constant 0 : i32
      %parallel_loop3A_245 = arith.cmpi ne, %parallel_loop3A_243, %parallel_loop3A_244 : i32
      %parallel_loop3A_246 = arith.constant 0 : i32
      %parallel_loop3A_247 = arith.cmpi slt, %parallel_loop3A_243, %parallel_loop3A_246 : i32
      %parallel_loop3A_248 = arith.constant 0 : i32
      %parallel_loop3A_249 = arith.cmpi slt, %parallel_loop3A_242, %parallel_loop3A_248 : i32
      %parallel_loop3A_250 = arith.xori %parallel_loop3A_247, %parallel_loop3A_249 : i1
      %parallel_loop3A_251 = arith.andi %parallel_loop3A_250, %parallel_loop3A_245 : i1
      %parallel_loop3A_252 = arith.addi %parallel_loop3A_243, %parallel_loop3A_242 : i32
      %parallel_loop3A_253 = arith.select %parallel_loop3A_251, %parallel_loop3A_252, %parallel_loop3A_243 : i32
      %parallel_loop3A_254 = arith.constant 128 : i32
      %parallel_loop3A_255 = arith.muli %parallel_loop3A_253, %parallel_loop3A_254 : i32
      %parallel_loop3A_256 = arith.constant 0 : i32
      %parallel_loop3A_257 = arith.addi %parallel_loop3A_255, %parallel_loop3A_256 : i32
      %parallel_loop3A_258 = arith.constant 0 : i32
      %parallel_loop3A_259 = arith.addi %parallel_loop3A_258, %parallel_loop3A_237 : i32
      %parallel_loop3A_260 = arith.index_cast %parallel_loop3A_259 : i32 to index
      %parallel_loop3A_261 = arith.index_cast %parallel_loop3A_257 : i32 to index
      %parallel_loop3A_262 = tpu.vector_load %arg4[%parallel_loop3A_260, %parallel_loop3A_261] {strides = array<i32>} : memref<16x2048xf32, #tpu.memory_space<vmem>>, vector<1x16xf32>,
      %parallel_loop3A_263 = vector.shape_cast %parallel_loop3A_262 : vector<1x16xf32> to vector<16xf32>
      %parallel_loop3A_264 = vector.broadcast %parallel_loop3A_122 : f32 to vector<16xf32>
      %parallel_loop3A_265 = arith.mulf %parallel_loop3A_263, %parallel_loop3A_264 : vector<16xf32>
      %parallel_loop3A_266 = arith.index_cast %parallel_loop3A_237 : i32 to index
      %parallel_loop3A_267 = arith.index_cast %parallel_loop3A_257 : i32 to index
      %parallel_loop3A_268 = tpu.vector_load %arg6[%parallel_loop3A_266, %parallel_loop3A_267] {strides = array<i32>} : memref<8x2048xf32, #tpu.memory_space<vmem>>, vector<1x16xf32>,
      %parallel_loop3A_269 = vector.shape_cast %parallel_loop3A_268 : vector<1x16xf32> to vector<16xf32>
      %parallel_loop3A_270 = vector.shape_cast %parallel_loop3A_265 : vector<16xf32> to vector<1x16xf32>
      tpu.vector_store %arg6[%parallel_loop3A_266, %parallel_loop3A_267], %parallel_loop3A_270 {strides = array<i32>} : memref<8x2048xf32, #tpu.memory_space<vmem>>, vector<1x16xf32>,
      %parallel_loop3A_271 = arith.constant 16 : i32
      %parallel_loop3A_272 = arith.addi %parallel_loop3A_255, %parallel_loop3A_271 : i32
      %parallel_loop3A_273 = arith.constant 0 : i32
      %parallel_loop3A_274 = arith.addi %parallel_loop3A_273, %parallel_loop3A_237 : i32
      %parallel_loop3A_275 = arith.index_cast %parallel_loop3A_274 : i32 to index
      %parallel_loop3A_276 = arith.index_cast %parallel_loop3A_272 : i32 to index
      %parallel_loop3A_277 = tpu.vector_load %arg4[%parallel_loop3A_275, %parallel_loop3A_276] {strides = array<i32>} : memref<16x2048xf32, #tpu.memory_space<vmem>>, vector<1x16xf32>,
      %parallel_loop3A_278 = vector.shape_cast %parallel_loop3A_277 : vector<1x16xf32> to vector<16xf32>
      %parallel_loop3A_279 = vector.broadcast %parallel_loop3A_122 : f32 to vector<16xf32>
      %parallel_loop3A_280 = arith.mulf %parallel_loop3A_278, %parallel_loop3A_279 : vector<16xf32>
      %parallel_loop3A_281 = arith.index_cast %parallel_loop3A_237 : i32 to index
      %parallel_loop3A_282 = arith.index_cast %parallel_loop3A_272 : i32 to index
      %parallel_loop3A_283 = tpu.vector_load %arg6[%parallel_loop3A_281, %parallel_loop3A_282] {strides = array<i32>} : memref<8x2048xf32, #tpu.memory_space<vmem>>, vector<1x16xf32>,
      %parallel_loop3A_284 = vector.shape_cast %parallel_loop3A_283 : vector<1x16xf32> to vector<16xf32>
      %parallel_loop3A_285 = vector.shape_cast %parallel_loop3A_280 : vector<16xf32> to vector<1x16xf32>
      tpu.vector_store %arg6[%parallel_loop3A_281, %parallel_loop3A_282], %parallel_loop3A_285 {strides = array<i32>} : memref<8x2048xf32, #tpu.memory_space<vmem>>, vector<1x16xf32>,
      %parallel_loop3A_286 = arith.constant 32 : i32
      %parallel_loop3A_287 = arith.addi %parallel_loop3A_255, %parallel_loop3A_286 : i32
      %parallel_loop3A_288 = arith.constant 0 : i32
      %parallel_loop3A_289 = arith.addi %parallel_loop3A_288, %parallel_loop3A_237 : i32
      %parallel_loop3A_290 = arith.index_cast %parallel_loop3A_289 : i32 to index
      %parallel_loop3A_291 = arith.index_cast %parallel_loop3A_287 : i32 to index
      %parallel_loop3A_292 = tpu.vector_load %arg4[%parallel_loop3A_290, %parallel_loop3A_291] {strides = array<i32>} : memref<16x2048xf32, #tpu.memory_space<vmem>>, vector<1x16xf32>,
      %parallel_loop3A_293 = vector.shape_cast %parallel_loop3A_292 : vector<1x16xf32> to vector<16xf32>
      %parallel_loop3A_294 = vector.broadcast %parallel_loop3A_122 : f32 to vector<16xf32>
      %parallel_loop3A_295 = arith.mulf %parallel_loop3A_293, %parallel_loop3A_294 : vector<16xf32>
      %parallel_loop3A_296 = arith.index_cast %parallel_loop3A_237 : i32 to index
      %parallel_loop3A_297 = arith.index_cast %parallel_loop3A_287 : i32 to index
      %parallel_loop3A_298 = tpu.vector_load %arg6[%parallel_loop3A_296, %parallel_loop3A_297] {strides = array<i32>} : memref<8x2048xf32, #tpu.memory_space<vmem>>, vector<1x16xf32>,
      %parallel_loop3A_299 = vector.shape_cast %parallel_loop3A_298 : vector<1x16xf32> to vector<16xf32>
      %parallel_loop3A_300 = vector.shape_cast %parallel_loop3A_295 : vector<16xf32> to vector<1x16xf32>
      tpu.vector_store %arg6[%parallel_loop3A_296, %parallel_loop3A_297], %parallel_loop3A_300 {strides = array<i32>} : memref<8x2048xf32, #tpu.memory_space<vmem>>, vector<1x16xf32>,
      %parallel_loop3A_301 = arith.constant 48 : i32
      %parallel_loop3A_302 = arith.addi %parallel_loop3A_255, %parallel_loop3A_301 : i32
      %parallel_loop3A_303 = arith.constant 0 : i32
      %parallel_loop3A_304 = arith.addi %parallel_loop3A_303, %parallel_loop3A_237 : i32
      %parallel_loop3A_305 = arith.index_cast %parallel_loop3A_304 : i32 to index
      %parallel_loop3A_306 = arith.index_cast %parallel_loop3A_302 : i32 to index
      %parallel_loop3A_307 = tpu.vector_load %arg4[%parallel_loop3A_305, %parallel_loop3A_306] {strides = array<i32>} : memref<16x2048xf32, #tpu.memory_space<vmem>>, vector<1x16xf32>,
      %parallel_loop3A_308 = vector.shape_cast %parallel_loop3A_307 : vector<1x16xf32> to vector<16xf32>
      %parallel_loop3A_309 = vector.broadcast %parallel_loop3A_122 : f32 to vector<16xf32>
      %parallel_loop3A_310 = arith.mulf %parallel_loop3A_308, %parallel_loop3A_309 : vector<16xf32>
      %parallel_loop3A_311 = arith.index_cast %parallel_loop3A_237 : i32 to index
      %parallel_loop3A_312 = arith.index_cast %parallel_loop3A_302 : i32 to index
      %parallel_loop3A_313 = tpu.vector_load %arg6[%parallel_loop3A_311, %parallel_loop3A_312] {strides = array<i32>} : memref<8x2048xf32, #tpu.memory_space<vmem>>, vector<1x16xf32>,
      %parallel_loop3A_314 = vector.shape_cast %parallel_loop3A_313 : vector<1x16xf32> to vector<16xf32>
      %parallel_loop3A_315 = vector.shape_cast %parallel_loop3A_310 : vector<16xf32> to vector<1x16xf32>
      tpu.vector_store %arg6[%parallel_loop3A_311, %parallel_loop3A_312], %parallel_loop3A_315 {strides = array<i32>} : memref<8x2048xf32, #tpu.memory_space<vmem>>, vector<1x16xf32>,
      %parallel_loop3A_316 = arith.constant 64 : i32
      %parallel_loop3A_317 = arith.addi %parallel_loop3A_255, %parallel_loop3A_316 : i32
      %parallel_loop3A_318 = arith.constant 0 : i32
      %parallel_loop3A_319 = arith.addi %parallel_loop3A_318, %parallel_loop3A_237 : i32
      %parallel_loop3A_320 = arith.index_cast %parallel_loop3A_319 : i32 to index
      %parallel_loop3A_321 = arith.index_cast %parallel_loop3A_317 : i32 to index
      %parallel_loop3A_322 = tpu.vector_load %arg4[%parallel_loop3A_320, %parallel_loop3A_321] {strides = array<i32>} : memref<16x2048xf32, #tpu.memory_space<vmem>>, vector<1x16xf32>,
      %parallel_loop3A_323 = vector.shape_cast %parallel_loop3A_322 : vector<1x16xf32> to vector<16xf32>
      %parallel_loop3A_324 = vector.broadcast %parallel_loop3A_122 : f32 to vector<16xf32>
      %parallel_loop3A_325 = arith.mulf %parallel_loop3A_323, %parallel_loop3A_324 : vector<16xf32>
      %parallel_loop3A_326 = arith.index_cast %parallel_loop3A_237 : i32 to index
      %parallel_loop3A_327 = arith.index_cast %parallel_loop3A_317 : i32 to index
      %parallel_loop3A_328 = tpu.vector_load %arg6[%parallel_loop3A_326, %parallel_loop3A_327] {strides = array<i32>} : memref<8x2048xf32, #tpu.memory_space<vmem>>, vector<1x16xf32>,
      %parallel_loop3A_329 = vector.shape_cast %parallel_loop3A_328 : vector<1x16xf32> to vector<16xf32>
      %parallel_loop3A_330 = vector.shape_cast %parallel_loop3A_325 : vector<16xf32> to vector<1x16xf32>
      tpu.vector_store %arg6[%parallel_loop3A_326, %parallel_loop3A_327], %parallel_loop3A_330 {strides = array<i32>} : memref<8x2048xf32, #tpu.memory_space<vmem>>, vector<1x16xf32>,
      %parallel_loop3A_331 = arith.constant 80 : i32
      %parallel_loop3A_332 = arith.addi %parallel_loop3A_255, %parallel_loop3A_331 : i32
      %parallel_loop3A_333 = arith.constant 0 : i32
      %parallel_loop3A_334 = arith.addi %parallel_loop3A_333, %parallel_loop3A_237 : i32
      %parallel_loop3A_335 = arith.index_cast %parallel_loop3A_334 : i32 to index
      %parallel_loop3A_336 = arith.index_cast %parallel_loop3A_332 : i32 to index
      %parallel_loop3A_337 = tpu.vector_load %arg4[%parallel_loop3A_335, %parallel_loop3A_336] {strides = array<i32>} : memref<16x2048xf32, #tpu.memory_space<vmem>>, vector<1x16xf32>,
      %parallel_loop3A_338 = vector.shape_cast %parallel_loop3A_337 : vector<1x16xf32> to vector<16xf32>
      %parallel_loop3A_339 = vector.broadcast %parallel_loop3A_122 : f32 to vector<16xf32>
      %parallel_loop3A_340 = arith.mulf %parallel_loop3A_338, %parallel_loop3A_339 : vector<16xf32>
      %parallel_loop3A_341 = arith.index_cast %parallel_loop3A_237 : i32 to index
      %parallel_loop3A_342 = arith.index_cast %parallel_loop3A_332 : i32 to index
      %parallel_loop3A_343 = tpu.vector_load %arg6[%parallel_loop3A_341, %parallel_loop3A_342] {strides = array<i32>} : memref<8x2048xf32, #tpu.memory_space<vmem>>, vector<1x16xf32>,
      %parallel_loop3A_344 = vector.shape_cast %parallel_loop3A_343 : vector<1x16xf32> to vector<16xf32>
      %parallel_loop3A_345 = vector.shape_cast %parallel_loop3A_340 : vector<16xf32> to vector<1x16xf32>
      tpu.vector_store %arg6[%parallel_loop3A_341, %parallel_loop3A_342], %parallel_loop3A_345 {strides = array<i32>} : memref<8x2048xf32, #tpu.memory_space<vmem>>, vector<1x16xf32>,
      %parallel_loop3A_346 = arith.constant 96 : i32
      %parallel_loop3A_347 = arith.addi %parallel_loop3A_255, %parallel_loop3A_346 : i32
      %parallel_loop3A_348 = arith.constant 0 : i32
      %parallel_loop3A_349 = arith.addi %parallel_loop3A_348, %parallel_loop3A_237 : i32
      %parallel_loop3A_350 = arith.index_cast %parallel_loop3A_349 : i32 to index
      %parallel_loop3A_351 = arith.index_cast %parallel_loop3A_347 : i32 to index
      %parallel_loop3A_352 = tpu.vector_load %arg4[%parallel_loop3A_350, %parallel_loop3A_351] {strides = array<i32>} : memref<16x2048xf32, #tpu.memory_space<vmem>>, vector<1x16xf32>,
      %parallel_loop3A_353 = vector.shape_cast %parallel_loop3A_352 : vector<1x16xf32> to vector<16xf32>
      %parallel_loop3A_354 = vector.broadcast %parallel_loop3A_122 : f32 to vector<16xf32>
      %parallel_loop3A_355 = arith.mulf %parallel_loop3A_353, %parallel_loop3A_354 : vector<16xf32>
      %parallel_loop3A_356 = arith.index_cast %parallel_loop3A_237 : i32 to index
      %parallel_loop3A_357 = arith.index_cast %parallel_loop3A_347 : i32 to index
      %parallel_loop3A_358 = tpu.vector_load %arg6[%parallel_loop3A_356, %parallel_loop3A_357] {strides = array<i32>} : memref<8x2048xf32, #tpu.memory_space<vmem>>, vector<1x16xf32>,
      %parallel_loop3A_359 = vector.shape_cast %parallel_loop3A_358 : vector<1x16xf32> to vector<16xf32>
      %parallel_loop3A_360 = vector.shape_cast %parallel_loop3A_355 : vector<16xf32> to vector<1x16xf32>
      tpu.vector_store %arg6[%parallel_loop3A_356, %parallel_loop3A_357], %parallel_loop3A_360 {strides = array<i32>} : memref<8x2048xf32, #tpu.memory_space<vmem>>, vector<1x16xf32>,
      %parallel_loop3A_361 = arith.constant 112 : i32
      %parallel_loop3A_362 = arith.addi %parallel_loop3A_255, %parallel_loop3A_361 : i32
      %parallel_loop3A_363 = arith.constant 0 : i32
      %parallel_loop3A_364 = arith.addi %parallel_loop3A_363, %parallel_loop3A_237 : i32
      %parallel_loop3A_365 = arith.index_cast %parallel_loop3A_364 : i32 to index
      %parallel_loop3A_366 = arith.index_cast %parallel_loop3A_362 : i32 to index
      %parallel_loop3A_367 = tpu.vector_load %arg4[%parallel_loop3A_365, %parallel_loop3A_366] {strides = array<i32>} : memref<16x2048xf32, #tpu.memory_space<vmem>>, vector<1x16xf32>,
      %parallel_loop3A_368 = vector.shape_cast %parallel_loop3A_367 : vector<1x16xf32> to vector<16xf32>
      %parallel_loop3A_369 = vector.broadcast %parallel_loop3A_122 : f32 to vector<16xf32>
      %parallel_loop3A_370 = arith.mulf %parallel_loop3A_368, %parallel_loop3A_369 : vector<16xf32>
      %parallel_loop3A_371 = arith.index_cast %parallel_loop3A_237 : i32 to index
      %parallel_loop3A_372 = arith.index_cast %parallel_loop3A_362 : i32 to index
      %parallel_loop3A_373 = tpu.vector_load %arg6[%parallel_loop3A_371, %parallel_loop3A_372] {strides = array<i32>} : memref<8x2048xf32, #tpu.memory_space<vmem>>, vector<1x16xf32>,
      %parallel_loop3A_374 = vector.shape_cast %parallel_loop3A_373 : vector<1x16xf32> to vector<16xf32>
      %parallel_loop3A_375 = vector.shape_cast %parallel_loop3A_370 : vector<16xf32> to vector<1x16xf32>
      tpu.vector_store %arg6[%parallel_loop3A_371, %parallel_loop3A_372], %parallel_loop3A_375 {strides = array<i32>} : memref<8x2048xf32, #tpu.memory_space<vmem>>, vector<1x16xf32>,
    } {sc.loop_unroll_factor = 1 : i64, sc.parallel_access}
    %add3A_123 = arith.constant 224 : i32
    %add3A_124 = arith.addi %mul3A_2, %add3A_123 : i32
    %add3A_125 = arith.constant 0 : i32
    %add3A_126 = arith.addi %add3A_124, %add3A_125 : i32
    %dma_start3A_127 = arith.constant 0 : i32
    %dma_start3A_128 = tpu.memref_slice %arg3[%add3A_126, %dma_start3A_127] : memref<8192x2048xf32, #tpu.memory_space<hbm>> -> memref<8x2048xf32, #tpu.memory_space<hbm>>
    %dma_start3A_129 = arith.constant 0 : i32
    %dma_start3A_130 = tpu.memref_slice %arg3[%add3A_126, %dma_start3A_129] : memref<8192x2048xf32, #tpu.memory_space<hbm>> -> memref<8x2048xf32, #tpu.memory_space<hbm>>
    tpu.enqueue_dma source(%arg6 : memref<8x2048xf32, #tpu.memory_space<vmem>>) target(%dma_start3A_130 : memref<8x2048xf32, #tpu.memory_space<hbm>>) target_semaphore(%arg10 : memref<!tpu.dma_semaphore, #tpu.memory_space<semaphore_mem>>)
    %add3A_131 = arith.constant 208 : i32
    %add3A_132 = arith.addi %mul3A_2, %add3A_131 : i32
    %add3A_133 = arith.constant 8 : i32
    %add3A_134 = arith.addi %add3A_132, %add3A_133 : i32
    %dma_wait3A_135 = arith.constant 0 : i32
    %dma_wait3A_136 = tpu.memref_slice %arg3[%add3A_134, %dma_wait3A_135] : memref<8192x2048xf32, #tpu.memory_space<hbm>> -> memref<8x2048xf32, #tpu.memory_space<hbm>>
    %dma_wait3A_137 = arith.constant 0 : i32
    %dma_wait3A_138 = tpu.memref_slice %arg3[%add3A_134, %dma_wait3A_137] : memref<8192x2048xf32, #tpu.memory_space<hbm>> -> memref<8x2048xf32, #tpu.memory_space<hbm>>
    tpu.wait_dma2 semaphore(%arg11 : memref<!tpu.dma_semaphore, #tpu.memory_space<semaphore_mem>>) src(%arg7 : memref<8x2048xf32, #tpu.memory_space<vmem>>) dst(%dma_wait3A_138 : memref<8x2048xf32, #tpu.memory_space<hbm>>)
    %parallel_loop3A_139 = arith.constant 0 : i32
    %parallel_loop3A_140 = arith.constant 128 : i32
    %parallel_loop3A_141 = arith.constant 1 : i32
    %parallel_loop3A_142 = arith.constant 0.0220970865 : f32
    scf.for %parallel_loop3A_213 = %parallel_loop3A_139 to %parallel_loop3A_140 step %parallel_loop3A_141  : i32 {
      %parallel_loop3A_214 = arith.constant 16 : i32
      %parallel_loop3A_215 = arith.divsi %parallel_loop3A_213, %parallel_loop3A_214 : i32
      %parallel_loop3A_216 = arith.constant 0 : i32
      %parallel_loop3A_217 = arith.cmpi sgt, %parallel_loop3A_213, %parallel_loop3A_216 : i32
      %parallel_loop3A_218 = arith.extui %parallel_loop3A_217 : i1 to i32
      %parallel_loop3A_219 = arith.constant 0 : i32
      %parallel_loop3A_220 = arith.cmpi slt, %parallel_loop3A_213, %parallel_loop3A_219 : i32
      %parallel_loop3A_221 = arith.extui %parallel_loop3A_220 : i1 to i32
      %parallel_loop3A_222 = arith.subi %parallel_loop3A_218, %parallel_loop3A_221 : i32
      %parallel_loop3A_223 = arith.constant 0 : i32
      %parallel_loop3A_224 = arith.cmpi sgt, %parallel_loop3A_214, %parallel_loop3A_223 : i32
      %parallel_loop3A_225 = arith.extui %parallel_loop3A_224 : i1 to i32
      %parallel_loop3A_226 = arith.constant 0 : i32
      %parallel_loop3A_227 = arith.cmpi slt, %parallel_loop3A_214, %parallel_loop3A_226 : i32
      %parallel_loop3A_228 = arith.extui %parallel_loop3A_227 : i1 to i32
      %parallel_loop3A_229 = arith.subi %parallel_loop3A_225, %parallel_loop3A_228 : i32
      %parallel_loop3A_230 = arith.cmpi ne, %parallel_loop3A_222, %parallel_loop3A_229 : i32
      %parallel_loop3A_231 = arith.remsi %parallel_loop3A_213, %parallel_loop3A_214 : i32
      %parallel_loop3A_232 = arith.constant 0 : i32
      %parallel_loop3A_233 = arith.cmpi ne, %parallel_loop3A_231, %parallel_loop3A_232 : i32
      %parallel_loop3A_234 = arith.andi %parallel_loop3A_230, %parallel_loop3A_233 : i1
      %parallel_loop3A_235 = arith.constant 1 : i32
      %parallel_loop3A_236 = arith.subi %parallel_loop3A_215, %parallel_loop3A_235 : i32
      %parallel_loop3A_237 = arith.select %parallel_loop3A_234, %parallel_loop3A_236, %parallel_loop3A_215 : i32
      %parallel_loop3A_238 = arith.constant 16 : i32
      %parallel_loop3A_239 = arith.constant 0 : i32
      %parallel_loop3A_240 = arith.cmpi eq, %parallel_loop3A_238, %parallel_loop3A_239 : i32
      %parallel_loop3A_241 = arith.constant 1 : i32
      %parallel_loop3A_242 = arith.select %parallel_loop3A_240, %parallel_loop3A_241, %parallel_loop3A_238 : i32
      %parallel_loop3A_243 = arith.remsi %parallel_loop3A_213, %parallel_loop3A_242 : i32
      %parallel_loop3A_244 = arith.constant 0 : i32
      %parallel_loop3A_245 = arith.cmpi ne, %parallel_loop3A_243, %parallel_loop3A_244 : i32
      %parallel_loop3A_246 = arith.constant 0 : i32
      %parallel_loop3A_247 = arith.cmpi slt, %parallel_loop3A_243, %parallel_loop3A_246 : i32
      %parallel_loop3A_248 = arith.constant 0 : i32
      %parallel_loop3A_249 = arith.cmpi slt, %parallel_loop3A_242, %parallel_loop3A_248 : i32
      %parallel_loop3A_250 = arith.xori %parallel_loop3A_247, %parallel_loop3A_249 : i1
      %parallel_loop3A_251 = arith.andi %parallel_loop3A_250, %parallel_loop3A_245 : i1
      %parallel_loop3A_252 = arith.addi %parallel_loop3A_243, %parallel_loop3A_242 : i32
      %parallel_loop3A_253 = arith.select %parallel_loop3A_251, %parallel_loop3A_252, %parallel_loop3A_243 : i32
      %parallel_loop3A_254 = arith.constant 128 : i32
      %parallel_loop3A_255 = arith.muli %parallel_loop3A_253, %parallel_loop3A_254 : i32
      %parallel_loop3A_256 = arith.constant 0 : i32
      %parallel_loop3A_257 = arith.addi %parallel_loop3A_255, %parallel_loop3A_256 : i32
      %parallel_loop3A_258 = arith.constant 8 : i32
      %parallel_loop3A_259 = arith.addi %parallel_loop3A_258, %parallel_loop3A_237 : i32
      %parallel_loop3A_260 = arith.index_cast %parallel_loop3A_259 : i32 to index
      %parallel_loop3A_261 = arith.index_cast %parallel_loop3A_257 : i32 to index
      %parallel_loop3A_262 = tpu.vector_load %arg4[%parallel_loop3A_260, %parallel_loop3A_261] {strides = array<i32>} : memref<16x2048xf32, #tpu.memory_space<vmem>>, vector<1x16xf32>,
      %parallel_loop3A_263 = vector.shape_cast %parallel_loop3A_262 : vector<1x16xf32> to vector<16xf32>
      %parallel_loop3A_264 = vector.broadcast %parallel_loop3A_142 : f32 to vector<16xf32>
      %parallel_loop3A_265 = arith.mulf %parallel_loop3A_263, %parallel_loop3A_264 : vector<16xf32>
      %parallel_loop3A_266 = arith.index_cast %parallel_loop3A_237 : i32 to index
      %parallel_loop3A_267 = arith.index_cast %parallel_loop3A_257 : i32 to index
      %parallel_loop3A_268 = tpu.vector_load %arg7[%parallel_loop3A_266, %parallel_loop3A_267] {strides = array<i32>} : memref<8x2048xf32, #tpu.memory_space<vmem>>, vector<1x16xf32>,
      %parallel_loop3A_269 = vector.shape_cast %parallel_loop3A_268 : vector<1x16xf32> to vector<16xf32>
      %parallel_loop3A_270 = vector.shape_cast %parallel_loop3A_265 : vector<16xf32> to vector<1x16xf32>
      tpu.vector_store %arg7[%parallel_loop3A_266, %parallel_loop3A_267], %parallel_loop3A_270 {strides = array<i32>} : memref<8x2048xf32, #tpu.memory_space<vmem>>, vector<1x16xf32>,
      %parallel_loop3A_271 = arith.constant 16 : i32
      %parallel_loop3A_272 = arith.addi %parallel_loop3A_255, %parallel_loop3A_271 : i32
      %parallel_loop3A_273 = arith.constant 8 : i32
      %parallel_loop3A_274 = arith.addi %parallel_loop3A_273, %parallel_loop3A_237 : i32
      %parallel_loop3A_275 = arith.index_cast %parallel_loop3A_274 : i32 to index
      %parallel_loop3A_276 = arith.index_cast %parallel_loop3A_272 : i32 to index
      %parallel_loop3A_277 = tpu.vector_load %arg4[%parallel_loop3A_275, %parallel_loop3A_276] {strides = array<i32>} : memref<16x2048xf32, #tpu.memory_space<vmem>>, vector<1x16xf32>,
      %parallel_loop3A_278 = vector.shape_cast %parallel_loop3A_277 : vector<1x16xf32> to vector<16xf32>
      %parallel_loop3A_279 = vector.broadcast %parallel_loop3A_142 : f32 to vector<16xf32>
      %parallel_loop3A_280 = arith.mulf %parallel_loop3A_278, %parallel_loop3A_279 : vector<16xf32>
      %parallel_loop3A_281 = arith.index_cast %parallel_loop3A_237 : i32 to index
      %parallel_loop3A_282 = arith.index_cast %parallel_loop3A_272 : i32 to index
      %parallel_loop3A_283 = tpu.vector_load %arg7[%parallel_loop3A_281, %parallel_loop3A_282] {strides = array<i32>} : memref<8x2048xf32, #tpu.memory_space<vmem>>, vector<1x16xf32>,
      %parallel_loop3A_284 = vector.shape_cast %parallel_loop3A_283 : vector<1x16xf32> to vector<16xf32>
      %parallel_loop3A_285 = vector.shape_cast %parallel_loop3A_280 : vector<16xf32> to vector<1x16xf32>
      tpu.vector_store %arg7[%parallel_loop3A_281, %parallel_loop3A_282], %parallel_loop3A_285 {strides = array<i32>} : memref<8x2048xf32, #tpu.memory_space<vmem>>, vector<1x16xf32>,
      %parallel_loop3A_286 = arith.constant 32 : i32
      %parallel_loop3A_287 = arith.addi %parallel_loop3A_255, %parallel_loop3A_286 : i32
      %parallel_loop3A_288 = arith.constant 8 : i32
      %parallel_loop3A_289 = arith.addi %parallel_loop3A_288, %parallel_loop3A_237 : i32
      %parallel_loop3A_290 = arith.index_cast %parallel_loop3A_289 : i32 to index
      %parallel_loop3A_291 = arith.index_cast %parallel_loop3A_287 : i32 to index
      %parallel_loop3A_292 = tpu.vector_load %arg4[%parallel_loop3A_290, %parallel_loop3A_291] {strides = array<i32>} : memref<16x2048xf32, #tpu.memory_space<vmem>>, vector<1x16xf32>,
      %parallel_loop3A_293 = vector.shape_cast %parallel_loop3A_292 : vector<1x16xf32> to vector<16xf32>
      %parallel_loop3A_294 = vector.broadcast %parallel_loop3A_142 : f32 to vector<16xf32>
      %parallel_loop3A_295 = arith.mulf %parallel_loop3A_293, %parallel_loop3A_294 : vector<16xf32>
      %parallel_loop3A_296 = arith.index_cast %parallel_loop3A_237 : i32 to index
      %parallel_loop3A_297 = arith.index_cast %parallel_loop3A_287 : i32 to index
      %parallel_loop3A_298 = tpu.vector_load %arg7[%parallel_loop3A_296, %parallel_loop3A_297] {strides = array<i32>} : memref<8x2048xf32, #tpu.memory_space<vmem>>, vector<1x16xf32>,
      %parallel_loop3A_299 = vector.shape_cast %parallel_loop3A_298 : vector<1x16xf32> to vector<16xf32>
      %parallel_loop3A_300 = vector.shape_cast %parallel_loop3A_295 : vector<16xf32> to vector<1x16xf32>
      tpu.vector_store %arg7[%parallel_loop3A_296, %parallel_loop3A_297], %parallel_loop3A_300 {strides = array<i32>} : memref<8x2048xf32, #tpu.memory_space<vmem>>, vector<1x16xf32>,
      %parallel_loop3A_301 = arith.constant 48 : i32
      %parallel_loop3A_302 = arith.addi %parallel_loop3A_255, %parallel_loop3A_301 : i32
      %parallel_loop3A_303 = arith.constant 8 : i32
      %parallel_loop3A_304 = arith.addi %parallel_loop3A_303, %parallel_loop3A_237 : i32
      %parallel_loop3A_305 = arith.index_cast %parallel_loop3A_304 : i32 to index
      %parallel_loop3A_306 = arith.index_cast %parallel_loop3A_302 : i32 to index
      %parallel_loop3A_307 = tpu.vector_load %arg4[%parallel_loop3A_305, %parallel_loop3A_306] {strides = array<i32>} : memref<16x2048xf32, #tpu.memory_space<vmem>>, vector<1x16xf32>,
      %parallel_loop3A_308 = vector.shape_cast %parallel_loop3A_307 : vector<1x16xf32> to vector<16xf32>
      %parallel_loop3A_309 = vector.broadcast %parallel_loop3A_142 : f32 to vector<16xf32>
      %parallel_loop3A_310 = arith.mulf %parallel_loop3A_308, %parallel_loop3A_309 : vector<16xf32>
      %parallel_loop3A_311 = arith.index_cast %parallel_loop3A_237 : i32 to index
      %parallel_loop3A_312 = arith.index_cast %parallel_loop3A_302 : i32 to index
      %parallel_loop3A_313 = tpu.vector_load %arg7[%parallel_loop3A_311, %parallel_loop3A_312] {strides = array<i32>} : memref<8x2048xf32, #tpu.memory_space<vmem>>, vector<1x16xf32>,
      %parallel_loop3A_314 = vector.shape_cast %parallel_loop3A_313 : vector<1x16xf32> to vector<16xf32>
      %parallel_loop3A_315 = vector.shape_cast %parallel_loop3A_310 : vector<16xf32> to vector<1x16xf32>
      tpu.vector_store %arg7[%parallel_loop3A_311, %parallel_loop3A_312], %parallel_loop3A_315 {strides = array<i32>} : memref<8x2048xf32, #tpu.memory_space<vmem>>, vector<1x16xf32>,
      %parallel_loop3A_316 = arith.constant 64 : i32
      %parallel_loop3A_317 = arith.addi %parallel_loop3A_255, %parallel_loop3A_316 : i32
      %parallel_loop3A_318 = arith.constant 8 : i32
      %parallel_loop3A_319 = arith.addi %parallel_loop3A_318, %parallel_loop3A_237 : i32
      %parallel_loop3A_320 = arith.index_cast %parallel_loop3A_319 : i32 to index
      %parallel_loop3A_321 = arith.index_cast %parallel_loop3A_317 : i32 to index
      %parallel_loop3A_322 = tpu.vector_load %arg4[%parallel_loop3A_320, %parallel_loop3A_321] {strides = array<i32>} : memref<16x2048xf32, #tpu.memory_space<vmem>>, vector<1x16xf32>,
      %parallel_loop3A_323 = vector.shape_cast %parallel_loop3A_322 : vector<1x16xf32> to vector<16xf32>
      %parallel_loop3A_324 = vector.broadcast %parallel_loop3A_142 : f32 to vector<16xf32>
      %parallel_loop3A_325 = arith.mulf %parallel_loop3A_323, %parallel_loop3A_324 : vector<16xf32>
      %parallel_loop3A_326 = arith.index_cast %parallel_loop3A_237 : i32 to index
      %parallel_loop3A_327 = arith.index_cast %parallel_loop3A_317 : i32 to index
      %parallel_loop3A_328 = tpu.vector_load %arg7[%parallel_loop3A_326, %parallel_loop3A_327] {strides = array<i32>} : memref<8x2048xf32, #tpu.memory_space<vmem>>, vector<1x16xf32>,
      %parallel_loop3A_329 = vector.shape_cast %parallel_loop3A_328 : vector<1x16xf32> to vector<16xf32>
      %parallel_loop3A_330 = vector.shape_cast %parallel_loop3A_325 : vector<16xf32> to vector<1x16xf32>
      tpu.vector_store %arg7[%parallel_loop3A_326, %parallel_loop3A_327], %parallel_loop3A_330 {strides = array<i32>} : memref<8x2048xf32, #tpu.memory_space<vmem>>, vector<1x16xf32>,
      %parallel_loop3A_331 = arith.constant 80 : i32
      %parallel_loop3A_332 = arith.addi %parallel_loop3A_255, %parallel_loop3A_331 : i32
      %parallel_loop3A_333 = arith.constant 8 : i32
      %parallel_loop3A_334 = arith.addi %parallel_loop3A_333, %parallel_loop3A_237 : i32
      %parallel_loop3A_335 = arith.index_cast %parallel_loop3A_334 : i32 to index
      %parallel_loop3A_336 = arith.index_cast %parallel_loop3A_332 : i32 to index
      %parallel_loop3A_337 = tpu.vector_load %arg4[%parallel_loop3A_335, %parallel_loop3A_336] {strides = array<i32>} : memref<16x2048xf32, #tpu.memory_space<vmem>>, vector<1x16xf32>,
      %parallel_loop3A_338 = vector.shape_cast %parallel_loop3A_337 : vector<1x16xf32> to vector<16xf32>
      %parallel_loop3A_339 = vector.broadcast %parallel_loop3A_142 : f32 to vector<16xf32>
      %parallel_loop3A_340 = arith.mulf %parallel_loop3A_338, %parallel_loop3A_339 : vector<16xf32>
      %parallel_loop3A_341 = arith.index_cast %parallel_loop3A_237 : i32 to index
      %parallel_loop3A_342 = arith.index_cast %parallel_loop3A_332 : i32 to index
      %parallel_loop3A_343 = tpu.vector_load %arg7[%parallel_loop3A_341, %parallel_loop3A_342] {strides = array<i32>} : memref<8x2048xf32, #tpu.memory_space<vmem>>, vector<1x16xf32>,
      %parallel_loop3A_344 = vector.shape_cast %parallel_loop3A_343 : vector<1x16xf32> to vector<16xf32>
      %parallel_loop3A_345 = vector.shape_cast %parallel_loop3A_340 : vector<16xf32> to vector<1x16xf32>
      tpu.vector_store %arg7[%parallel_loop3A_341, %parallel_loop3A_342], %parallel_loop3A_345 {strides = array<i32>} : memref<8x2048xf32, #tpu.memory_space<vmem>>, vector<1x16xf32>,
      %parallel_loop3A_346 = arith.constant 96 : i32
      %parallel_loop3A_347 = arith.addi %parallel_loop3A_255, %parallel_loop3A_346 : i32
      %parallel_loop3A_348 = arith.constant 8 : i32
      %parallel_loop3A_349 = arith.addi %parallel_loop3A_348, %parallel_loop3A_237 : i32
      %parallel_loop3A_350 = arith.index_cast %parallel_loop3A_349 : i32 to index
      %parallel_loop3A_351 = arith.index_cast %parallel_loop3A_347 : i32 to index
      %parallel_loop3A_352 = tpu.vector_load %arg4[%parallel_loop3A_350, %parallel_loop3A_351] {strides = array<i32>} : memref<16x2048xf32, #tpu.memory_space<vmem>>, vector<1x16xf32>,
      %parallel_loop3A_353 = vector.shape_cast %parallel_loop3A_352 : vector<1x16xf32> to vector<16xf32>
      %parallel_loop3A_354 = vector.broadcast %parallel_loop3A_142 : f32 to vector<16xf32>
      %parallel_loop3A_355 = arith.mulf %parallel_loop3A_353, %parallel_loop3A_354 : vector<16xf32>
      %parallel_loop3A_356 = arith.index_cast %parallel_loop3A_237 : i32 to index
      %parallel_loop3A_357 = arith.index_cast %parallel_loop3A_347 : i32 to index
      %parallel_loop3A_358 = tpu.vector_load %arg7[%parallel_loop3A_356, %parallel_loop3A_357] {strides = array<i32>} : memref<8x2048xf32, #tpu.memory_space<vmem>>, vector<1x16xf32>,
      %parallel_loop3A_359 = vector.shape_cast %parallel_loop3A_358 : vector<1x16xf32> to vector<16xf32>
      %parallel_loop3A_360 = vector.shape_cast %parallel_loop3A_355 : vector<16xf32> to vector<1x16xf32>
      tpu.vector_store %arg7[%parallel_loop3A_356, %parallel_loop3A_357], %parallel_loop3A_360 {strides = array<i32>} : memref<8x2048xf32, #tpu.memory_space<vmem>>, vector<1x16xf32>,
      %parallel_loop3A_361 = arith.constant 112 : i32
      %parallel_loop3A_362 = arith.addi %parallel_loop3A_255, %parallel_loop3A_361 : i32
      %parallel_loop3A_363 = arith.constant 8 : i32
      %parallel_loop3A_364 = arith.addi %parallel_loop3A_363, %parallel_loop3A_237 : i32
      %parallel_loop3A_365 = arith.index_cast %parallel_loop3A_364 : i32 to index
      %parallel_loop3A_366 = arith.index_cast %parallel_loop3A_362 : i32 to index
      %parallel_loop3A_367 = tpu.vector_load %arg4[%parallel_loop3A_365, %parallel_loop3A_366] {strides = array<i32>} : memref<16x2048xf32, #tpu.memory_space<vmem>>, vector<1x16xf32>,
      %parallel_loop3A_368 = vector.shape_cast %parallel_loop3A_367 : vector<1x16xf32> to vector<16xf32>
      %parallel_loop3A_369 = vector.broadcast %parallel_loop3A_142 : f32 to vector<16xf32>
      %parallel_loop3A_370 = arith.mulf %parallel_loop3A_368, %parallel_loop3A_369 : vector<16xf32>
      %parallel_loop3A_371 = arith.index_cast %parallel_loop3A_237 : i32 to index
      %parallel_loop3A_372 = arith.index_cast %parallel_loop3A_362 : i32 to index
      %parallel_loop3A_373 = tpu.vector_load %arg7[%parallel_loop3A_371, %parallel_loop3A_372] {strides = array<i32>} : memref<8x2048xf32, #tpu.memory_space<vmem>>, vector<1x16xf32>,
      %parallel_loop3A_374 = vector.shape_cast %parallel_loop3A_373 : vector<1x16xf32> to vector<16xf32>
      %parallel_loop3A_375 = vector.shape_cast %parallel_loop3A_370 : vector<16xf32> to vector<1x16xf32>
      tpu.vector_store %arg7[%parallel_loop3A_371, %parallel_loop3A_372], %parallel_loop3A_375 {strides = array<i32>} : memref<8x2048xf32, #tpu.memory_space<vmem>>, vector<1x16xf32>,
    } {sc.loop_unroll_factor = 1 : i64, sc.parallel_access}
    %add3A_143 = arith.constant 224 : i32
    %add3A_144 = arith.addi %mul3A_2, %add3A_143 : i32
    %add3A_145 = arith.constant 8 : i32
    %add3A_146 = arith.addi %add3A_144, %add3A_145 : i32
    %dma_start3A_147 = arith.constant 0 : i32
    %dma_start3A_148 = tpu.memref_slice %arg3[%add3A_146, %dma_start3A_147] : memref<8192x2048xf32, #tpu.memory_space<hbm>> -> memref<8x2048xf32, #tpu.memory_space<hbm>>
    %dma_start3A_149 = arith.constant 0 : i32
    %dma_start3A_150 = tpu.memref_slice %arg3[%add3A_146, %dma_start3A_149] : memref<8192x2048xf32, #tpu.memory_space<hbm>> -> memref<8x2048xf32, #tpu.memory_space<hbm>>
    tpu.enqueue_dma source(%arg7 : memref<8x2048xf32, #tpu.memory_space<vmem>>) target(%dma_start3A_150 : memref<8x2048xf32, #tpu.memory_space<hbm>>) target_semaphore(%arg11 : memref<!tpu.dma_semaphore, #tpu.memory_space<semaphore_mem>>)
    %add3A_151 = arith.constant 240 : i32
    %add3A_152 = arith.addi %mul3A_2, %add3A_151 : i32
    %dma_wait3A_153 = arith.constant 0 : i32
    %dma_wait3A_154 = tpu.memref_slice %arg2[%add3A_152, %dma_wait3A_153] : memref<8192x2048xf32, #tpu.memory_space<hbm>> -> memref<16x2048xf32, #tpu.memory_space<hbm>>
    %dma_wait3A_155 = arith.constant 0 : i32
    %dma_wait3A_156 = tpu.memref_slice %arg2[%add3A_152, %dma_wait3A_155] : memref<8192x2048xf32, #tpu.memory_space<hbm>> -> memref<16x2048xf32, #tpu.memory_space<hbm>>
    tpu.wait_dma2 semaphore(%arg9 : memref<!tpu.dma_semaphore, #tpu.memory_space<semaphore_mem>>) src(%dma_wait3A_156 : memref<16x2048xf32, #tpu.memory_space<hbm>>) dst(%arg5 : memref<16x2048xf32, #tpu.memory_space<vmem>>)
    %add3A_157 = arith.constant 224 : i32
    %add3A_158 = arith.addi %mul3A_2, %add3A_157 : i32
    %add3A_159 = arith.constant 0 : i32
    %add3A_160 = arith.addi %add3A_158, %add3A_159 : i32
    %dma_wait3A_161 = arith.constant 0 : i32
    %dma_wait3A_162 = tpu.memref_slice %arg3[%add3A_160, %dma_wait3A_161] : memref<8192x2048xf32, #tpu.memory_space<hbm>> -> memref<8x2048xf32, #tpu.memory_space<hbm>>
    %dma_wait3A_163 = arith.constant 0 : i32
    %dma_wait3A_164 = tpu.memref_slice %arg3[%add3A_160, %dma_wait3A_163] : memref<8192x2048xf32, #tpu.memory_space<hbm>> -> memref<8x2048xf32, #tpu.memory_space<hbm>>
    tpu.wait_dma2 semaphore(%arg10 : memref<!tpu.dma_semaphore, #tpu.memory_space<semaphore_mem>>) src(%arg6 : memref<8x2048xf32, #tpu.memory_space<vmem>>) dst(%dma_wait3A_164 : memref<8x2048xf32, #tpu.memory_space<hbm>>)
    %parallel_loop3A_165 = arith.constant 0 : i32
    %parallel_loop3A_166 = arith.constant 128 : i32
    %parallel_loop3A_167 = arith.constant 1 : i32
    %parallel_loop3A_168 = arith.constant 0.0220970865 : f32
    scf.for %parallel_loop3A_213 = %parallel_loop3A_165 to %parallel_loop3A_166 step %parallel_loop3A_167  : i32 {
      %parallel_loop3A_214 = arith.constant 16 : i32
      %parallel_loop3A_215 = arith.divsi %parallel_loop3A_213, %parallel_loop3A_214 : i32
      %parallel_loop3A_216 = arith.constant 0 : i32
      %parallel_loop3A_217 = arith.cmpi sgt, %parallel_loop3A_213, %parallel_loop3A_216 : i32
      %parallel_loop3A_218 = arith.extui %parallel_loop3A_217 : i1 to i32
      %parallel_loop3A_219 = arith.constant 0 : i32
      %parallel_loop3A_220 = arith.cmpi slt, %parallel_loop3A_213, %parallel_loop3A_219 : i32
      %parallel_loop3A_221 = arith.extui %parallel_loop3A_220 : i1 to i32
      %parallel_loop3A_222 = arith.subi %parallel_loop3A_218, %parallel_loop3A_221 : i32
      %parallel_loop3A_223 = arith.constant 0 : i32
      %parallel_loop3A_224 = arith.cmpi sgt, %parallel_loop3A_214, %parallel_loop3A_223 : i32
      %parallel_loop3A_225 = arith.extui %parallel_loop3A_224 : i1 to i32
      %parallel_loop3A_226 = arith.constant 0 : i32
      %parallel_loop3A_227 = arith.cmpi slt, %parallel_loop3A_214, %parallel_loop3A_226 : i32
      %parallel_loop3A_228 = arith.extui %parallel_loop3A_227 : i1 to i32
      %parallel_loop3A_229 = arith.subi %parallel_loop3A_225, %parallel_loop3A_228 : i32
      %parallel_loop3A_230 = arith.cmpi ne, %parallel_loop3A_222, %parallel_loop3A_229 : i32
      %parallel_loop3A_231 = arith.remsi %parallel_loop3A_213, %parallel_loop3A_214 : i32
      %parallel_loop3A_232 = arith.constant 0 : i32
      %parallel_loop3A_233 = arith.cmpi ne, %parallel_loop3A_231, %parallel_loop3A_232 : i32
      %parallel_loop3A_234 = arith.andi %parallel_loop3A_230, %parallel_loop3A_233 : i1
      %parallel_loop3A_235 = arith.constant 1 : i32
      %parallel_loop3A_236 = arith.subi %parallel_loop3A_215, %parallel_loop3A_235 : i32
      %parallel_loop3A_237 = arith.select %parallel_loop3A_234, %parallel_loop3A_236, %parallel_loop3A_215 : i32
      %parallel_loop3A_238 = arith.constant 16 : i32
      %parallel_loop3A_239 = arith.constant 0 : i32
      %parallel_loop3A_240 = arith.cmpi eq, %parallel_loop3A_238, %parallel_loop3A_239 : i32
      %parallel_loop3A_241 = arith.constant 1 : i32
      %parallel_loop3A_242 = arith.select %parallel_loop3A_240, %parallel_loop3A_241, %parallel_loop3A_238 : i32
      %parallel_loop3A_243 = arith.remsi %parallel_loop3A_213, %parallel_loop3A_242 : i32
      %parallel_loop3A_244 = arith.constant 0 : i32
      %parallel_loop3A_245 = arith.cmpi ne, %parallel_loop3A_243, %parallel_loop3A_244 : i32
      %parallel_loop3A_246 = arith.constant 0 : i32
      %parallel_loop3A_247 = arith.cmpi slt, %parallel_loop3A_243, %parallel_loop3A_246 : i32
      %parallel_loop3A_248 = arith.constant 0 : i32
      %parallel_loop3A_249 = arith.cmpi slt, %parallel_loop3A_242, %parallel_loop3A_248 : i32
      %parallel_loop3A_250 = arith.xori %parallel_loop3A_247, %parallel_loop3A_249 : i1
      %parallel_loop3A_251 = arith.andi %parallel_loop3A_250, %parallel_loop3A_245 : i1
      %parallel_loop3A_252 = arith.addi %parallel_loop3A_243, %parallel_loop3A_242 : i32
      %parallel_loop3A_253 = arith.select %parallel_loop3A_251, %parallel_loop3A_252, %parallel_loop3A_243 : i32
      %parallel_loop3A_254 = arith.constant 128 : i32
      %parallel_loop3A_255 = arith.muli %parallel_loop3A_253, %parallel_loop3A_254 : i32
      %parallel_loop3A_256 = arith.constant 0 : i32
      %parallel_loop3A_257 = arith.addi %parallel_loop3A_255, %parallel_loop3A_256 : i32
      %parallel_loop3A_258 = arith.constant 0 : i32
      %parallel_loop3A_259 = arith.addi %parallel_loop3A_258, %parallel_loop3A_237 : i32
      %parallel_loop3A_260 = arith.index_cast %parallel_loop3A_259 : i32 to index
      %parallel_loop3A_261 = arith.index_cast %parallel_loop3A_257 : i32 to index
      %parallel_loop3A_262 = tpu.vector_load %arg5[%parallel_loop3A_260, %parallel_loop3A_261] {strides = array<i32>} : memref<16x2048xf32, #tpu.memory_space<vmem>>, vector<1x16xf32>,
      %parallel_loop3A_263 = vector.shape_cast %parallel_loop3A_262 : vector<1x16xf32> to vector<16xf32>
      %parallel_loop3A_264 = vector.broadcast %parallel_loop3A_168 : f32 to vector<16xf32>
      %parallel_loop3A_265 = arith.mulf %parallel_loop3A_263, %parallel_loop3A_264 : vector<16xf32>
      %parallel_loop3A_266 = arith.index_cast %parallel_loop3A_237 : i32 to index
      %parallel_loop3A_267 = arith.index_cast %parallel_loop3A_257 : i32 to index
      %parallel_loop3A_268 = tpu.vector_load %arg6[%parallel_loop3A_266, %parallel_loop3A_267] {strides = array<i32>} : memref<8x2048xf32, #tpu.memory_space<vmem>>, vector<1x16xf32>,
      %parallel_loop3A_269 = vector.shape_cast %parallel_loop3A_268 : vector<1x16xf32> to vector<16xf32>
      %parallel_loop3A_270 = vector.shape_cast %parallel_loop3A_265 : vector<16xf32> to vector<1x16xf32>
      tpu.vector_store %arg6[%parallel_loop3A_266, %parallel_loop3A_267], %parallel_loop3A_270 {strides = array<i32>} : memref<8x2048xf32, #tpu.memory_space<vmem>>, vector<1x16xf32>,
      %parallel_loop3A_271 = arith.constant 16 : i32
      %parallel_loop3A_272 = arith.addi %parallel_loop3A_255, %parallel_loop3A_271 : i32
      %parallel_loop3A_273 = arith.constant 0 : i32
      %parallel_loop3A_274 = arith.addi %parallel_loop3A_273, %parallel_loop3A_237 : i32
      %parallel_loop3A_275 = arith.index_cast %parallel_loop3A_274 : i32 to index
      %parallel_loop3A_276 = arith.index_cast %parallel_loop3A_272 : i32 to index
      %parallel_loop3A_277 = tpu.vector_load %arg5[%parallel_loop3A_275, %parallel_loop3A_276] {strides = array<i32>} : memref<16x2048xf32, #tpu.memory_space<vmem>>, vector<1x16xf32>,
      %parallel_loop3A_278 = vector.shape_cast %parallel_loop3A_277 : vector<1x16xf32> to vector<16xf32>
      %parallel_loop3A_279 = vector.broadcast %parallel_loop3A_168 : f32 to vector<16xf32>
      %parallel_loop3A_280 = arith.mulf %parallel_loop3A_278, %parallel_loop3A_279 : vector<16xf32>
      %parallel_loop3A_281 = arith.index_cast %parallel_loop3A_237 : i32 to index
      %parallel_loop3A_282 = arith.index_cast %parallel_loop3A_272 : i32 to index
      %parallel_loop3A_283 = tpu.vector_load %arg6[%parallel_loop3A_281, %parallel_loop3A_282] {strides = array<i32>} : memref<8x2048xf32, #tpu.memory_space<vmem>>, vector<1x16xf32>,
      %parallel_loop3A_284 = vector.shape_cast %parallel_loop3A_283 : vector<1x16xf32> to vector<16xf32>
      %parallel_loop3A_285 = vector.shape_cast %parallel_loop3A_280 : vector<16xf32> to vector<1x16xf32>
      tpu.vector_store %arg6[%parallel_loop3A_281, %parallel_loop3A_282], %parallel_loop3A_285 {strides = array<i32>} : memref<8x2048xf32, #tpu.memory_space<vmem>>, vector<1x16xf32>,
      %parallel_loop3A_286 = arith.constant 32 : i32
      %parallel_loop3A_287 = arith.addi %parallel_loop3A_255, %parallel_loop3A_286 : i32
      %parallel_loop3A_288 = arith.constant 0 : i32
      %parallel_loop3A_289 = arith.addi %parallel_loop3A_288, %parallel_loop3A_237 : i32
      %parallel_loop3A_290 = arith.index_cast %parallel_loop3A_289 : i32 to index
      %parallel_loop3A_291 = arith.index_cast %parallel_loop3A_287 : i32 to index
      %parallel_loop3A_292 = tpu.vector_load %arg5[%parallel_loop3A_290, %parallel_loop3A_291] {strides = array<i32>} : memref<16x2048xf32, #tpu.memory_space<vmem>>, vector<1x16xf32>,
      %parallel_loop3A_293 = vector.shape_cast %parallel_loop3A_292 : vector<1x16xf32> to vector<16xf32>
      %parallel_loop3A_294 = vector.broadcast %parallel_loop3A_168 : f32 to vector<16xf32>
      %parallel_loop3A_295 = arith.mulf %parallel_loop3A_293, %parallel_loop3A_294 : vector<16xf32>
      %parallel_loop3A_296 = arith.index_cast %parallel_loop3A_237 : i32 to index
      %parallel_loop3A_297 = arith.index_cast %parallel_loop3A_287 : i32 to index
      %parallel_loop3A_298 = tpu.vector_load %arg6[%parallel_loop3A_296, %parallel_loop3A_297] {strides = array<i32>} : memref<8x2048xf32, #tpu.memory_space<vmem>>, vector<1x16xf32>,
      %parallel_loop3A_299 = vector.shape_cast %parallel_loop3A_298 : vector<1x16xf32> to vector<16xf32>
      %parallel_loop3A_300 = vector.shape_cast %parallel_loop3A_295 : vector<16xf32> to vector<1x16xf32>
      tpu.vector_store %arg6[%parallel_loop3A_296, %parallel_loop3A_297], %parallel_loop3A_300 {strides = array<i32>} : memref<8x2048xf32, #tpu.memory_space<vmem>>, vector<1x16xf32>,
      %parallel_loop3A_301 = arith.constant 48 : i32
      %parallel_loop3A_302 = arith.addi %parallel_loop3A_255, %parallel_loop3A_301 : i32
      %parallel_loop3A_303 = arith.constant 0 : i32
      %parallel_loop3A_304 = arith.addi %parallel_loop3A_303, %parallel_loop3A_237 : i32
      %parallel_loop3A_305 = arith.index_cast %parallel_loop3A_304 : i32 to index
      %parallel_loop3A_306 = arith.index_cast %parallel_loop3A_302 : i32 to index
      %parallel_loop3A_307 = tpu.vector_load %arg5[%parallel_loop3A_305, %parallel_loop3A_306] {strides = array<i32>} : memref<16x2048xf32, #tpu.memory_space<vmem>>, vector<1x16xf32>,
      %parallel_loop3A_308 = vector.shape_cast %parallel_loop3A_307 : vector<1x16xf32> to vector<16xf32>
      %parallel_loop3A_309 = vector.broadcast %parallel_loop3A_168 : f32 to vector<16xf32>
      %parallel_loop3A_310 = arith.mulf %parallel_loop3A_308, %parallel_loop3A_309 : vector<16xf32>
      %parallel_loop3A_311 = arith.index_cast %parallel_loop3A_237 : i32 to index
      %parallel_loop3A_312 = arith.index_cast %parallel_loop3A_302 : i32 to index
      %parallel_loop3A_313 = tpu.vector_load %arg6[%parallel_loop3A_311, %parallel_loop3A_312] {strides = array<i32>} : memref<8x2048xf32, #tpu.memory_space<vmem>>, vector<1x16xf32>,
      %parallel_loop3A_314 = vector.shape_cast %parallel_loop3A_313 : vector<1x16xf32> to vector<16xf32>
      %parallel_loop3A_315 = vector.shape_cast %parallel_loop3A_310 : vector<16xf32> to vector<1x16xf32>
      tpu.vector_store %arg6[%parallel_loop3A_311, %parallel_loop3A_312], %parallel_loop3A_315 {strides = array<i32>} : memref<8x2048xf32, #tpu.memory_space<vmem>>, vector<1x16xf32>,
      %parallel_loop3A_316 = arith.constant 64 : i32
      %parallel_loop3A_317 = arith.addi %parallel_loop3A_255, %parallel_loop3A_316 : i32
      %parallel_loop3A_318 = arith.constant 0 : i32
      %parallel_loop3A_319 = arith.addi %parallel_loop3A_318, %parallel_loop3A_237 : i32
      %parallel_loop3A_320 = arith.index_cast %parallel_loop3A_319 : i32 to index
      %parallel_loop3A_321 = arith.index_cast %parallel_loop3A_317 : i32 to index
      %parallel_loop3A_322 = tpu.vector_load %arg5[%parallel_loop3A_320, %parallel_loop3A_321] {strides = array<i32>} : memref<16x2048xf32, #tpu.memory_space<vmem>>, vector<1x16xf32>,
      %parallel_loop3A_323 = vector.shape_cast %parallel_loop3A_322 : vector<1x16xf32> to vector<16xf32>
      %parallel_loop3A_324 = vector.broadcast %parallel_loop3A_168 : f32 to vector<16xf32>
      %parallel_loop3A_325 = arith.mulf %parallel_loop3A_323, %parallel_loop3A_324 : vector<16xf32>
      %parallel_loop3A_326 = arith.index_cast %parallel_loop3A_237 : i32 to index
      %parallel_loop3A_327 = arith.index_cast %parallel_loop3A_317 : i32 to index
      %parallel_loop3A_328 = tpu.vector_load %arg6[%parallel_loop3A_326, %parallel_loop3A_327] {strides = array<i32>} : memref<8x2048xf32, #tpu.memory_space<vmem>>, vector<1x16xf32>,
      %parallel_loop3A_329 = vector.shape_cast %parallel_loop3A_328 : vector<1x16xf32> to vector<16xf32>
      %parallel_loop3A_330 = vector.shape_cast %parallel_loop3A_325 : vector<16xf32> to vector<1x16xf32>
      tpu.vector_store %arg6[%parallel_loop3A_326, %parallel_loop3A_327], %parallel_loop3A_330 {strides = array<i32>} : memref<8x2048xf32, #tpu.memory_space<vmem>>, vector<1x16xf32>,
      %parallel_loop3A_331 = arith.constant 80 : i32
      %parallel_loop3A_332 = arith.addi %parallel_loop3A_255, %parallel_loop3A_331 : i32
      %parallel_loop3A_333 = arith.constant 0 : i32
      %parallel_loop3A_334 = arith.addi %parallel_loop3A_333, %parallel_loop3A_237 : i32
      %parallel_loop3A_335 = arith.index_cast %parallel_loop3A_334 : i32 to index
      %parallel_loop3A_336 = arith.index_cast %parallel_loop3A_332 : i32 to index
      %parallel_loop3A_337 = tpu.vector_load %arg5[%parallel_loop3A_335, %parallel_loop3A_336] {strides = array<i32>} : memref<16x2048xf32, #tpu.memory_space<vmem>>, vector<1x16xf32>,
      %parallel_loop3A_338 = vector.shape_cast %parallel_loop3A_337 : vector<1x16xf32> to vector<16xf32>
      %parallel_loop3A_339 = vector.broadcast %parallel_loop3A_168 : f32 to vector<16xf32>
      %parallel_loop3A_340 = arith.mulf %parallel_loop3A_338, %parallel_loop3A_339 : vector<16xf32>
      %parallel_loop3A_341 = arith.index_cast %parallel_loop3A_237 : i32 to index
      %parallel_loop3A_342 = arith.index_cast %parallel_loop3A_332 : i32 to index
      %parallel_loop3A_343 = tpu.vector_load %arg6[%parallel_loop3A_341, %parallel_loop3A_342] {strides = array<i32>} : memref<8x2048xf32, #tpu.memory_space<vmem>>, vector<1x16xf32>,
      %parallel_loop3A_344 = vector.shape_cast %parallel_loop3A_343 : vector<1x16xf32> to vector<16xf32>
      %parallel_loop3A_345 = vector.shape_cast %parallel_loop3A_340 : vector<16xf32> to vector<1x16xf32>
      tpu.vector_store %arg6[%parallel_loop3A_341, %parallel_loop3A_342], %parallel_loop3A_345 {strides = array<i32>} : memref<8x2048xf32, #tpu.memory_space<vmem>>, vector<1x16xf32>,
      %parallel_loop3A_346 = arith.constant 96 : i32
      %parallel_loop3A_347 = arith.addi %parallel_loop3A_255, %parallel_loop3A_346 : i32
      %parallel_loop3A_348 = arith.constant 0 : i32
      %parallel_loop3A_349 = arith.addi %parallel_loop3A_348, %parallel_loop3A_237 : i32
      %parallel_loop3A_350 = arith.index_cast %parallel_loop3A_349 : i32 to index
      %parallel_loop3A_351 = arith.index_cast %parallel_loop3A_347 : i32 to index
      %parallel_loop3A_352 = tpu.vector_load %arg5[%parallel_loop3A_350, %parallel_loop3A_351] {strides = array<i32>} : memref<16x2048xf32, #tpu.memory_space<vmem>>, vector<1x16xf32>,
      %parallel_loop3A_353 = vector.shape_cast %parallel_loop3A_352 : vector<1x16xf32> to vector<16xf32>
      %parallel_loop3A_354 = vector.broadcast %parallel_loop3A_168 : f32 to vector<16xf32>
      %parallel_loop3A_355 = arith.mulf %parallel_loop3A_353, %parallel_loop3A_354 : vector<16xf32>
      %parallel_loop3A_356 = arith.index_cast %parallel_loop3A_237 : i32 to index
      %parallel_loop3A_357 = arith.index_cast %parallel_loop3A_347 : i32 to index
      %parallel_loop3A_358 = tpu.vector_load %arg6[%parallel_loop3A_356, %parallel_loop3A_357] {strides = array<i32>} : memref<8x2048xf32, #tpu.memory_space<vmem>>, vector<1x16xf32>,
      %parallel_loop3A_359 = vector.shape_cast %parallel_loop3A_358 : vector<1x16xf32> to vector<16xf32>
      %parallel_loop3A_360 = vector.shape_cast %parallel_loop3A_355 : vector<16xf32> to vector<1x16xf32>
      tpu.vector_store %arg6[%parallel_loop3A_356, %parallel_loop3A_357], %parallel_loop3A_360 {strides = array<i32>} : memref<8x2048xf32, #tpu.memory_space<vmem>>, vector<1x16xf32>,
      %parallel_loop3A_361 = arith.constant 112 : i32
      %parallel_loop3A_362 = arith.addi %parallel_loop3A_255, %parallel_loop3A_361 : i32
      %parallel_loop3A_363 = arith.constant 0 : i32
      %parallel_loop3A_364 = arith.addi %parallel_loop3A_363, %parallel_loop3A_237 : i32
      %parallel_loop3A_365 = arith.index_cast %parallel_loop3A_364 : i32 to index
      %parallel_loop3A_366 = arith.index_cast %parallel_loop3A_362 : i32 to index
      %parallel_loop3A_367 = tpu.vector_load %arg5[%parallel_loop3A_365, %parallel_loop3A_366] {strides = array<i32>} : memref<16x2048xf32, #tpu.memory_space<vmem>>, vector<1x16xf32>,
      %parallel_loop3A_368 = vector.shape_cast %parallel_loop3A_367 : vector<1x16xf32> to vector<16xf32>
      %parallel_loop3A_369 = vector.broadcast %parallel_loop3A_168 : f32 to vector<16xf32>
      %parallel_loop3A_370 = arith.mulf %parallel_loop3A_368, %parallel_loop3A_369 : vector<16xf32>
      %parallel_loop3A_371 = arith.index_cast %parallel_loop3A_237 : i32 to index
      %parallel_loop3A_372 = arith.index_cast %parallel_loop3A_362 : i32 to index
      %parallel_loop3A_373 = tpu.vector_load %arg6[%parallel_loop3A_371, %parallel_loop3A_372] {strides = array<i32>} : memref<8x2048xf32, #tpu.memory_space<vmem>>, vector<1x16xf32>,
      %parallel_loop3A_374 = vector.shape_cast %parallel_loop3A_373 : vector<1x16xf32> to vector<16xf32>
      %parallel_loop3A_375 = vector.shape_cast %parallel_loop3A_370 : vector<16xf32> to vector<1x16xf32>
      tpu.vector_store %arg6[%parallel_loop3A_371, %parallel_loop3A_372], %parallel_loop3A_375 {strides = array<i32>} : memref<8x2048xf32, #tpu.memory_space<vmem>>, vector<1x16xf32>,
    } {sc.loop_unroll_factor = 1 : i64, sc.parallel_access}
    %add3A_169 = arith.constant 240 : i32
    %add3A_170 = arith.addi %mul3A_2, %add3A_169 : i32
    %add3A_171 = arith.constant 0 : i32
    %add3A_172 = arith.addi %add3A_170, %add3A_171 : i32
    %dma_start3A_173 = arith.constant 0 : i32
    %dma_start3A_174 = tpu.memref_slice %arg3[%add3A_172, %dma_start3A_173] : memref<8192x2048xf32, #tpu.memory_space<hbm>> -> memref<8x2048xf32, #tpu.memory_space<hbm>>
    %dma_start3A_175 = arith.constant 0 : i32
    %dma_start3A_176 = tpu.memref_slice %arg3[%add3A_172, %dma_start3A_175] : memref<8192x2048xf32, #tpu.memory_space<hbm>> -> memref<8x2048xf32, #tpu.memory_space<hbm>>
    tpu.enqueue_dma source(%arg6 : memref<8x2048xf32, #tpu.memory_space<vmem>>) target(%dma_start3A_176 : memref<8x2048xf32, #tpu.memory_space<hbm>>) target_semaphore(%arg10 : memref<!tpu.dma_semaphore, #tpu.memory_space<semaphore_mem>>)
    %add3A_177 = arith.constant 224 : i32
    %add3A_178 = arith.addi %mul3A_2, %add3A_177 : i32
    %add3A_179 = arith.constant 8 : i32
    %add3A_180 = arith.addi %add3A_178, %add3A_179 : i32
    %dma_wait3A_181 = arith.constant 0 : i32
    %dma_wait3A_182 = tpu.memref_slice %arg3[%add3A_180, %dma_wait3A_181] : memref<8192x2048xf32, #tpu.memory_space<hbm>> -> memref<8x2048xf32, #tpu.memory_space<hbm>>
    %dma_wait3A_183 = arith.constant 0 : i32
    %dma_wait3A_184 = tpu.memref_slice %arg3[%add3A_180, %dma_wait3A_183] : memref<8192x2048xf32, #tpu.memory_space<hbm>> -> memref<8x2048xf32, #tpu.memory_space<hbm>>
    tpu.wait_dma2 semaphore(%arg11 : memref<!tpu.dma_semaphore, #tpu.memory_space<semaphore_mem>>) src(%arg7 : memref<8x2048xf32, #tpu.memory_space<vmem>>) dst(%dma_wait3A_184 : memref<8x2048xf32, #tpu.memory_space<hbm>>)
    %parallel_loop3A_185 = arith.constant 0 : i32
    %parallel_loop3A_186 = arith.constant 128 : i32
    %parallel_loop3A_187 = arith.constant 1 : i32
    %parallel_loop3A_188 = arith.constant 0.0220970865 : f32
    scf.for %parallel_loop3A_213 = %parallel_loop3A_185 to %parallel_loop3A_186 step %parallel_loop3A_187  : i32 {
      %parallel_loop3A_214 = arith.constant 16 : i32
      %parallel_loop3A_215 = arith.divsi %parallel_loop3A_213, %parallel_loop3A_214 : i32
      %parallel_loop3A_216 = arith.constant 0 : i32
      %parallel_loop3A_217 = arith.cmpi sgt, %parallel_loop3A_213, %parallel_loop3A_216 : i32
      %parallel_loop3A_218 = arith.extui %parallel_loop3A_217 : i1 to i32
      %parallel_loop3A_219 = arith.constant 0 : i32
      %parallel_loop3A_220 = arith.cmpi slt, %parallel_loop3A_213, %parallel_loop3A_219 : i32
      %parallel_loop3A_221 = arith.extui %parallel_loop3A_220 : i1 to i32
      %parallel_loop3A_222 = arith.subi %parallel_loop3A_218, %parallel_loop3A_221 : i32
      %parallel_loop3A_223 = arith.constant 0 : i32
      %parallel_loop3A_224 = arith.cmpi sgt, %parallel_loop3A_214, %parallel_loop3A_223 : i32
      %parallel_loop3A_225 = arith.extui %parallel_loop3A_224 : i1 to i32
      %parallel_loop3A_226 = arith.constant 0 : i32
      %parallel_loop3A_227 = arith.cmpi slt, %parallel_loop3A_214, %parallel_loop3A_226 : i32
      %parallel_loop3A_228 = arith.extui %parallel_loop3A_227 : i1 to i32
      %parallel_loop3A_229 = arith.subi %parallel_loop3A_225, %parallel_loop3A_228 : i32
      %parallel_loop3A_230 = arith.cmpi ne, %parallel_loop3A_222, %parallel_loop3A_229 : i32
      %parallel_loop3A_231 = arith.remsi %parallel_loop3A_213, %parallel_loop3A_214 : i32
      %parallel_loop3A_232 = arith.constant 0 : i32
      %parallel_loop3A_233 = arith.cmpi ne, %parallel_loop3A_231, %parallel_loop3A_232 : i32
      %parallel_loop3A_234 = arith.andi %parallel_loop3A_230, %parallel_loop3A_233 : i1
      %parallel_loop3A_235 = arith.constant 1 : i32
      %parallel_loop3A_236 = arith.subi %parallel_loop3A_215, %parallel_loop3A_235 : i32
      %parallel_loop3A_237 = arith.select %parallel_loop3A_234, %parallel_loop3A_236, %parallel_loop3A_215 : i32
      %parallel_loop3A_238 = arith.constant 16 : i32
      %parallel_loop3A_239 = arith.constant 0 : i32
      %parallel_loop3A_240 = arith.cmpi eq, %parallel_loop3A_238, %parallel_loop3A_239 : i32
      %parallel_loop3A_241 = arith.constant 1 : i32
      %parallel_loop3A_242 = arith.select %parallel_loop3A_240, %parallel_loop3A_241, %parallel_loop3A_238 : i32
      %parallel_loop3A_243 = arith.remsi %parallel_loop3A_213, %parallel_loop3A_242 : i32
      %parallel_loop3A_244 = arith.constant 0 : i32
      %parallel_loop3A_245 = arith.cmpi ne, %parallel_loop3A_243, %parallel_loop3A_244 : i32
      %parallel_loop3A_246 = arith.constant 0 : i32
      %parallel_loop3A_247 = arith.cmpi slt, %parallel_loop3A_243, %parallel_loop3A_246 : i32
      %parallel_loop3A_248 = arith.constant 0 : i32
      %parallel_loop3A_249 = arith.cmpi slt, %parallel_loop3A_242, %parallel_loop3A_248 : i32
      %parallel_loop3A_250 = arith.xori %parallel_loop3A_247, %parallel_loop3A_249 : i1
      %parallel_loop3A_251 = arith.andi %parallel_loop3A_250, %parallel_loop3A_245 : i1
      %parallel_loop3A_252 = arith.addi %parallel_loop3A_243, %parallel_loop3A_242 : i32
      %parallel_loop3A_253 = arith.select %parallel_loop3A_251, %parallel_loop3A_252, %parallel_loop3A_243 : i32
      %parallel_loop3A_254 = arith.constant 128 : i32
      %parallel_loop3A_255 = arith.muli %parallel_loop3A_253, %parallel_loop3A_254 : i32
      %parallel_loop3A_256 = arith.constant 0 : i32
      %parallel_loop3A_257 = arith.addi %parallel_loop3A_255, %parallel_loop3A_256 : i32
      %parallel_loop3A_258 = arith.constant 8 : i32
      %parallel_loop3A_259 = arith.addi %parallel_loop3A_258, %parallel_loop3A_237 : i32
      %parallel_loop3A_260 = arith.index_cast %parallel_loop3A_259 : i32 to index
      %parallel_loop3A_261 = arith.index_cast %parallel_loop3A_257 : i32 to index
      %parallel_loop3A_262 = tpu.vector_load %arg5[%parallel_loop3A_260, %parallel_loop3A_261] {strides = array<i32>} : memref<16x2048xf32, #tpu.memory_space<vmem>>, vector<1x16xf32>,
      %parallel_loop3A_263 = vector.shape_cast %parallel_loop3A_262 : vector<1x16xf32> to vector<16xf32>
      %parallel_loop3A_264 = vector.broadcast %parallel_loop3A_188 : f32 to vector<16xf32>
      %parallel_loop3A_265 = arith.mulf %parallel_loop3A_263, %parallel_loop3A_264 : vector<16xf32>
      %parallel_loop3A_266 = arith.index_cast %parallel_loop3A_237 : i32 to index
      %parallel_loop3A_267 = arith.index_cast %parallel_loop3A_257 : i32 to index
      %parallel_loop3A_268 = tpu.vector_load %arg7[%parallel_loop3A_266, %parallel_loop3A_267] {strides = array<i32>} : memref<8x2048xf32, #tpu.memory_space<vmem>>, vector<1x16xf32>,
      %parallel_loop3A_269 = vector.shape_cast %parallel_loop3A_268 : vector<1x16xf32> to vector<16xf32>
      %parallel_loop3A_270 = vector.shape_cast %parallel_loop3A_265 : vector<16xf32> to vector<1x16xf32>
      tpu.vector_store %arg7[%parallel_loop3A_266, %parallel_loop3A_267], %parallel_loop3A_270 {strides = array<i32>} : memref<8x2048xf32, #tpu.memory_space<vmem>>, vector<1x16xf32>,
      %parallel_loop3A_271 = arith.constant 16 : i32
      %parallel_loop3A_272 = arith.addi %parallel_loop3A_255, %parallel_loop3A_271 : i32
      %parallel_loop3A_273 = arith.constant 8 : i32
      %parallel_loop3A_274 = arith.addi %parallel_loop3A_273, %parallel_loop3A_237 : i32
      %parallel_loop3A_275 = arith.index_cast %parallel_loop3A_274 : i32 to index
      %parallel_loop3A_276 = arith.index_cast %parallel_loop3A_272 : i32 to index
      %parallel_loop3A_277 = tpu.vector_load %arg5[%parallel_loop3A_275, %parallel_loop3A_276] {strides = array<i32>} : memref<16x2048xf32, #tpu.memory_space<vmem>>, vector<1x16xf32>,
      %parallel_loop3A_278 = vector.shape_cast %parallel_loop3A_277 : vector<1x16xf32> to vector<16xf32>
      %parallel_loop3A_279 = vector.broadcast %parallel_loop3A_188 : f32 to vector<16xf32>
      %parallel_loop3A_280 = arith.mulf %parallel_loop3A_278, %parallel_loop3A_279 : vector<16xf32>
      %parallel_loop3A_281 = arith.index_cast %parallel_loop3A_237 : i32 to index
      %parallel_loop3A_282 = arith.index_cast %parallel_loop3A_272 : i32 to index
      %parallel_loop3A_283 = tpu.vector_load %arg7[%parallel_loop3A_281, %parallel_loop3A_282] {strides = array<i32>} : memref<8x2048xf32, #tpu.memory_space<vmem>>, vector<1x16xf32>,
      %parallel_loop3A_284 = vector.shape_cast %parallel_loop3A_283 : vector<1x16xf32> to vector<16xf32>
      %parallel_loop3A_285 = vector.shape_cast %parallel_loop3A_280 : vector<16xf32> to vector<1x16xf32>
      tpu.vector_store %arg7[%parallel_loop3A_281, %parallel_loop3A_282], %parallel_loop3A_285 {strides = array<i32>} : memref<8x2048xf32, #tpu.memory_space<vmem>>, vector<1x16xf32>,
      %parallel_loop3A_286 = arith.constant 32 : i32
      %parallel_loop3A_287 = arith.addi %parallel_loop3A_255, %parallel_loop3A_286 : i32
      %parallel_loop3A_288 = arith.constant 8 : i32
      %parallel_loop3A_289 = arith.addi %parallel_loop3A_288, %parallel_loop3A_237 : i32
      %parallel_loop3A_290 = arith.index_cast %parallel_loop3A_289 : i32 to index
      %parallel_loop3A_291 = arith.index_cast %parallel_loop3A_287 : i32 to index
      %parallel_loop3A_292 = tpu.vector_load %arg5[%parallel_loop3A_290, %parallel_loop3A_291] {strides = array<i32>} : memref<16x2048xf32, #tpu.memory_space<vmem>>, vector<1x16xf32>,
      %parallel_loop3A_293 = vector.shape_cast %parallel_loop3A_292 : vector<1x16xf32> to vector<16xf32>
      %parallel_loop3A_294 = vector.broadcast %parallel_loop3A_188 : f32 to vector<16xf32>
      %parallel_loop3A_295 = arith.mulf %parallel_loop3A_293, %parallel_loop3A_294 : vector<16xf32>
      %parallel_loop3A_296 = arith.index_cast %parallel_loop3A_237 : i32 to index
      %parallel_loop3A_297 = arith.index_cast %parallel_loop3A_287 : i32 to index
      %parallel_loop3A_298 = tpu.vector_load %arg7[%parallel_loop3A_296, %parallel_loop3A_297] {strides = array<i32>} : memref<8x2048xf32, #tpu.memory_space<vmem>>, vector<1x16xf32>,
      %parallel_loop3A_299 = vector.shape_cast %parallel_loop3A_298 : vector<1x16xf32> to vector<16xf32>
      %parallel_loop3A_300 = vector.shape_cast %parallel_loop3A_295 : vector<16xf32> to vector<1x16xf32>
      tpu.vector_store %arg7[%parallel_loop3A_296, %parallel_loop3A_297], %parallel_loop3A_300 {strides = array<i32>} : memref<8x2048xf32, #tpu.memory_space<vmem>>, vector<1x16xf32>,
      %parallel_loop3A_301 = arith.constant 48 : i32
      %parallel_loop3A_302 = arith.addi %parallel_loop3A_255, %parallel_loop3A_301 : i32
      %parallel_loop3A_303 = arith.constant 8 : i32
      %parallel_loop3A_304 = arith.addi %parallel_loop3A_303, %parallel_loop3A_237 : i32
      %parallel_loop3A_305 = arith.index_cast %parallel_loop3A_304 : i32 to index
      %parallel_loop3A_306 = arith.index_cast %parallel_loop3A_302 : i32 to index
      %parallel_loop3A_307 = tpu.vector_load %arg5[%parallel_loop3A_305, %parallel_loop3A_306] {strides = array<i32>} : memref<16x2048xf32, #tpu.memory_space<vmem>>, vector<1x16xf32>,
      %parallel_loop3A_308 = vector.shape_cast %parallel_loop3A_307 : vector<1x16xf32> to vector<16xf32>
      %parallel_loop3A_309 = vector.broadcast %parallel_loop3A_188 : f32 to vector<16xf32>
      %parallel_loop3A_310 = arith.mulf %parallel_loop3A_308, %parallel_loop3A_309 : vector<16xf32>
      %parallel_loop3A_311 = arith.index_cast %parallel_loop3A_237 : i32 to index
      %parallel_loop3A_312 = arith.index_cast %parallel_loop3A_302 : i32 to index
      %parallel_loop3A_313 = tpu.vector_load %arg7[%parallel_loop3A_311, %parallel_loop3A_312] {strides = array<i32>} : memref<8x2048xf32, #tpu.memory_space<vmem>>, vector<1x16xf32>,
      %parallel_loop3A_314 = vector.shape_cast %parallel_loop3A_313 : vector<1x16xf32> to vector<16xf32>
      %parallel_loop3A_315 = vector.shape_cast %parallel_loop3A_310 : vector<16xf32> to vector<1x16xf32>
      tpu.vector_store %arg7[%parallel_loop3A_311, %parallel_loop3A_312], %parallel_loop3A_315 {strides = array<i32>} : memref<8x2048xf32, #tpu.memory_space<vmem>>, vector<1x16xf32>,
      %parallel_loop3A_316 = arith.constant 64 : i32
      %parallel_loop3A_317 = arith.addi %parallel_loop3A_255, %parallel_loop3A_316 : i32
      %parallel_loop3A_318 = arith.constant 8 : i32
      %parallel_loop3A_319 = arith.addi %parallel_loop3A_318, %parallel_loop3A_237 : i32
      %parallel_loop3A_320 = arith.index_cast %parallel_loop3A_319 : i32 to index
      %parallel_loop3A_321 = arith.index_cast %parallel_loop3A_317 : i32 to index
      %parallel_loop3A_322 = tpu.vector_load %arg5[%parallel_loop3A_320, %parallel_loop3A_321] {strides = array<i32>} : memref<16x2048xf32, #tpu.memory_space<vmem>>, vector<1x16xf32>,
      %parallel_loop3A_323 = vector.shape_cast %parallel_loop3A_322 : vector<1x16xf32> to vector<16xf32>
      %parallel_loop3A_324 = vector.broadcast %parallel_loop3A_188 : f32 to vector<16xf32>
      %parallel_loop3A_325 = arith.mulf %parallel_loop3A_323, %parallel_loop3A_324 : vector<16xf32>
      %parallel_loop3A_326 = arith.index_cast %parallel_loop3A_237 : i32 to index
      %parallel_loop3A_327 = arith.index_cast %parallel_loop3A_317 : i32 to index
      %parallel_loop3A_328 = tpu.vector_load %arg7[%parallel_loop3A_326, %parallel_loop3A_327] {strides = array<i32>} : memref<8x2048xf32, #tpu.memory_space<vmem>>, vector<1x16xf32>,
      %parallel_loop3A_329 = vector.shape_cast %parallel_loop3A_328 : vector<1x16xf32> to vector<16xf32>
      %parallel_loop3A_330 = vector.shape_cast %parallel_loop3A_325 : vector<16xf32> to vector<1x16xf32>
      tpu.vector_store %arg7[%parallel_loop3A_326, %parallel_loop3A_327], %parallel_loop3A_330 {strides = array<i32>} : memref<8x2048xf32, #tpu.memory_space<vmem>>, vector<1x16xf32>,
      %parallel_loop3A_331 = arith.constant 80 : i32
      %parallel_loop3A_332 = arith.addi %parallel_loop3A_255, %parallel_loop3A_331 : i32
      %parallel_loop3A_333 = arith.constant 8 : i32
      %parallel_loop3A_334 = arith.addi %parallel_loop3A_333, %parallel_loop3A_237 : i32
      %parallel_loop3A_335 = arith.index_cast %parallel_loop3A_334 : i32 to index
      %parallel_loop3A_336 = arith.index_cast %parallel_loop3A_332 : i32 to index
      %parallel_loop3A_337 = tpu.vector_load %arg5[%parallel_loop3A_335, %parallel_loop3A_336] {strides = array<i32>} : memref<16x2048xf32, #tpu.memory_space<vmem>>, vector<1x16xf32>,
      %parallel_loop3A_338 = vector.shape_cast %parallel_loop3A_337 : vector<1x16xf32> to vector<16xf32>
      %parallel_loop3A_339 = vector.broadcast %parallel_loop3A_188 : f32 to vector<16xf32>
      %parallel_loop3A_340 = arith.mulf %parallel_loop3A_338, %parallel_loop3A_339 : vector<16xf32>
      %parallel_loop3A_341 = arith.index_cast %parallel_loop3A_237 : i32 to index
      %parallel_loop3A_342 = arith.index_cast %parallel_loop3A_332 : i32 to index
      %parallel_loop3A_343 = tpu.vector_load %arg7[%parallel_loop3A_341, %parallel_loop3A_342] {strides = array<i32>} : memref<8x2048xf32, #tpu.memory_space<vmem>>, vector<1x16xf32>,
      %parallel_loop3A_344 = vector.shape_cast %parallel_loop3A_343 : vector<1x16xf32> to vector<16xf32>
      %parallel_loop3A_345 = vector.shape_cast %parallel_loop3A_340 : vector<16xf32> to vector<1x16xf32>
      tpu.vector_store %arg7[%parallel_loop3A_341, %parallel_loop3A_342], %parallel_loop3A_345 {strides = array<i32>} : memref<8x2048xf32, #tpu.memory_space<vmem>>, vector<1x16xf32>,
      %parallel_loop3A_346 = arith.constant 96 : i32
      %parallel_loop3A_347 = arith.addi %parallel_loop3A_255, %parallel_loop3A_346 : i32
      %parallel_loop3A_348 = arith.constant 8 : i32
      %parallel_loop3A_349 = arith.addi %parallel_loop3A_348, %parallel_loop3A_237 : i32
      %parallel_loop3A_350 = arith.index_cast %parallel_loop3A_349 : i32 to index
      %parallel_loop3A_351 = arith.index_cast %parallel_loop3A_347 : i32 to index
      %parallel_loop3A_352 = tpu.vector_load %arg5[%parallel_loop3A_350, %parallel_loop3A_351] {strides = array<i32>} : memref<16x2048xf32, #tpu.memory_space<vmem>>, vector<1x16xf32>,
      %parallel_loop3A_353 = vector.shape_cast %parallel_loop3A_352 : vector<1x16xf32> to vector<16xf32>
      %parallel_loop3A_354 = vector.broadcast %parallel_loop3A_188 : f32 to vector<16xf32>
      %parallel_loop3A_355 = arith.mulf %parallel_loop3A_353, %parallel_loop3A_354 : vector<16xf32>
      %parallel_loop3A_356 = arith.index_cast %parallel_loop3A_237 : i32 to index
      %parallel_loop3A_357 = arith.index_cast %parallel_loop3A_347 : i32 to index
      %parallel_loop3A_358 = tpu.vector_load %arg7[%parallel_loop3A_356, %parallel_loop3A_357] {strides = array<i32>} : memref<8x2048xf32, #tpu.memory_space<vmem>>, vector<1x16xf32>,
      %parallel_loop3A_359 = vector.shape_cast %parallel_loop3A_358 : vector<1x16xf32> to vector<16xf32>
      %parallel_loop3A_360 = vector.shape_cast %parallel_loop3A_355 : vector<16xf32> to vector<1x16xf32>
      tpu.vector_store %arg7[%parallel_loop3A_356, %parallel_loop3A_357], %parallel_loop3A_360 {strides = array<i32>} : memref<8x2048xf32, #tpu.memory_space<vmem>>, vector<1x16xf32>,
      %parallel_loop3A_361 = arith.constant 112 : i32
      %parallel_loop3A_362 = arith.addi %parallel_loop3A_255, %parallel_loop3A_361 : i32
      %parallel_loop3A_363 = arith.constant 8 : i32
      %parallel_loop3A_364 = arith.addi %parallel_loop3A_363, %parallel_loop3A_237 : i32
      %parallel_loop3A_365 = arith.index_cast %parallel_loop3A_364 : i32 to index
      %parallel_loop3A_366 = arith.index_cast %parallel_loop3A_362 : i32 to index
      %parallel_loop3A_367 = tpu.vector_load %arg5[%parallel_loop3A_365, %parallel_loop3A_366] {strides = array<i32>} : memref<16x2048xf32, #tpu.memory_space<vmem>>, vector<1x16xf32>,
      %parallel_loop3A_368 = vector.shape_cast %parallel_loop3A_367 : vector<1x16xf32> to vector<16xf32>
      %parallel_loop3A_369 = vector.broadcast %parallel_loop3A_188 : f32 to vector<16xf32>
      %parallel_loop3A_370 = arith.mulf %parallel_loop3A_368, %parallel_loop3A_369 : vector<16xf32>
      %parallel_loop3A_371 = arith.index_cast %parallel_loop3A_237 : i32 to index
      %parallel_loop3A_372 = arith.index_cast %parallel_loop3A_362 : i32 to index
      %parallel_loop3A_373 = tpu.vector_load %arg7[%parallel_loop3A_371, %parallel_loop3A_372] {strides = array<i32>} : memref<8x2048xf32, #tpu.memory_space<vmem>>, vector<1x16xf32>,
      %parallel_loop3A_374 = vector.shape_cast %parallel_loop3A_373 : vector<1x16xf32> to vector<16xf32>
      %parallel_loop3A_375 = vector.shape_cast %parallel_loop3A_370 : vector<16xf32> to vector<1x16xf32>
      tpu.vector_store %arg7[%parallel_loop3A_371, %parallel_loop3A_372], %parallel_loop3A_375 {strides = array<i32>} : memref<8x2048xf32, #tpu.memory_space<vmem>>, vector<1x16xf32>,
    } {sc.loop_unroll_factor = 1 : i64, sc.parallel_access}
    %add3A_189 = arith.constant 240 : i32
    %add3A_190 = arith.addi %mul3A_2, %add3A_189 : i32
    %add3A_191 = arith.constant 8 : i32
    %add3A_192 = arith.addi %add3A_190, %add3A_191 : i32
    %dma_start3A_193 = arith.constant 0 : i32
    %dma_start3A_194 = tpu.memref_slice %arg3[%add3A_192, %dma_start3A_193] : memref<8192x2048xf32, #tpu.memory_space<hbm>> -> memref<8x2048xf32, #tpu.memory_space<hbm>>
    %dma_start3A_195 = arith.constant 0 : i32
    %dma_start3A_196 = tpu.memref_slice %arg3[%add3A_192, %dma_start3A_195] : memref<8192x2048xf32, #tpu.memory_space<hbm>> -> memref<8x2048xf32, #tpu.memory_space<hbm>>
    tpu.enqueue_dma source(%arg7 : memref<8x2048xf32, #tpu.memory_space<vmem>>) target(%dma_start3A_196 : memref<8x2048xf32, #tpu.memory_space<hbm>>) target_semaphore(%arg11 : memref<!tpu.dma_semaphore, #tpu.memory_space<semaphore_mem>>)
    %add3A_197 = arith.constant 240 : i32
    %add3A_198 = arith.addi %mul3A_2, %add3A_197 : i32
    %add3A_199 = arith.constant 0 : i32
    %add3A_200 = arith.addi %add3A_198, %add3A_199 : i32
    %dma_wait3A_201 = arith.constant 0 : i32
    %dma_wait3A_202 = tpu.memref_slice %arg3[%add3A_200, %dma_wait3A_201] : memref<8192x2048xf32, #tpu.memory_space<hbm>> -> memref<8x2048xf32, #tpu.memory_space<hbm>>
    %dma_wait3A_203 = arith.constant 0 : i32
    %dma_wait3A_204 = tpu.memref_slice %arg3[%add3A_200, %dma_wait3A_203] : memref<8192x2048xf32, #tpu.memory_space<hbm>> -> memref<8x2048xf32, #tpu.memory_space<hbm>>
    tpu.wait_dma2 semaphore(%arg10 : memref<!tpu.dma_semaphore, #tpu.memory_space<semaphore_mem>>) src(%arg6 : memref<8x2048xf32, #tpu.memory_space<vmem>>) dst(%dma_wait3A_204 : memref<8x2048xf32, #tpu.memory_space<hbm>>)
    %add3A_205 = arith.constant 240 : i32
    %add3A_206 = arith.addi %mul3A_2, %add3A_205 : i32
    %add3A_207 = arith.constant 8 : i32
    %add3A_208 = arith.addi %add3A_206, %add3A_207 : i32
    %dma_wait3A_209 = arith.constant 0 : i32
    %dma_wait3A_210 = tpu.memref_slice %arg3[%add3A_208, %dma_wait3A_209] : memref<8192x2048xf32, #tpu.memory_space<hbm>> -> memref<8x2048xf32, #tpu.memory_space<hbm>>
    %dma_wait3A_211 = arith.constant 0 : i32
    %dma_wait3A_212 = tpu.memref_slice %arg3[%add3A_208, %dma_wait3A_211] : memref<8192x2048xf32, #tpu.memory_space<hbm>> -> memref<8x2048xf32, #tpu.memory_space<hbm>>
    tpu.wait_dma2 semaphore(%arg11 : memref<!tpu.dma_semaphore, #tpu.memory_space<semaphore_mem>>) src(%arg7 : memref<8x2048xf32, #tpu.memory_space<vmem>>) dst(%dma_wait3A_212 : memref<8x2048xf32, #tpu.memory_space<hbm>>)
    return
  }
}

</mosaic_0001>

<sc_bundles>
// kernel: kernel.3.cloned.1.call-start
scs
__scs_entry_jumppad:
0x0: {  	(pc) =	sbr.rel $0x88, $3  }
0x1: {  	(tag) =	ssettag $0x0;
	lr =	simm.s32 $0x1  }
0x2: {  	[smem:$0x3FA0] =	sst lr;
	_ =	strace $0xD0000000  }
0x3: {  	_ = 	snop  }
0x4: {  	_ = 	snop  }
0x5: {  	_ = 	snop  }
0x6: {  	_ = 	snop  }
0x7: {  	_ = 	snop  }
__scs_overlays_trampoline_lowered:
0x8: {  	[smem:$0x3FAF] =	sst s0  }
0x9: {  	[smem:$0x3FB0] =	sst s1  }
0xa: {  	[smem:$0x3FB1] =	sst s2  }
0xb: {  	[smem:$0x3FB2] =	sst s3  }
0xc: {  	[smem:$0x3FB3] =	sst s4  }
0xd: {  	[smem:$0x3FB4] =	sst s5  }
0xe: {  	[smem:$0x3FB5] =	sst s6  }
0xf: {  	[smem:$0x3FB6] =	sst s7  }
0x10: {  	[smem:$0x3FB7] =	sst s8  }
0x11: {  	[smem:$0x3FB8] =	sst s9;
	s0 =	simm.s32 @!p0 $0x0  }
0x12: {  	s1 =	sld [smem:$0x3F9E];
	s0 =	simm.s32 @p0 $0x1  }
0x13: {  	[smem:$0x3FB9] =	sst s0;
	s0 =	simm.s32 @!p1 $0x0  }
0x14: {  	s2 =	sld [smem:$0x3F9D];
	s0 =	simm.s32 @p1 $0x1  }
0x15: {  	[smem:$0x3FBA] =	sst s0;
	s0 =	simm.s32 @!p2 $0x0  }
0x16: {  	s3 =	sld [smem:$0x3FDB];
	s0 =	simm.s32 @p2 $0x1  }
0x17: {  	s4 =	simm.s32 $0x1BF5;
	[smem:$0x3FBC] =	sst s0  }
0x18: {  	s0 =	sld [smem:$0x3F9F];
	_ =	swait.ge [sflag:s4], $0x0  }
0x19: {  	s7 =	sld [smem:$0x3FA0]  }
0x1a: {  	s8 =	sadd.s32 $0xFFFFE003, lr  }
0x1b: {  	s9 =	sadd.s32 $0xFFFFFEF7, lr;
	s5 =	simm.s32 $0xFFFFFFFF;
	p2 =	slt.u32 s8, $0xFFFFF086  }
0x1c: {  	p1 =	slt.u32 s9, $0xF7A;
	s5 =	simm.s32 @!p2 $0x0  }
0x1d: {  	s5 =	simm.s32 @p1 $0x1;
	p0 =	seq.s32 s7, s2  }
0x1e: {  	s7 =	smul.u32 @!p0 $0xF7A, s2;
	p2 =	seq.s32 @!p0 s5, $0x0  }
0x1f: {  	s9 =	smul.u32 $0xF7A, s1;
	s8 =	simm.s32 @!p0 $0x1BF5;
	p2 =	por !p2, p0  }
0x20: {  	[sflag:s8] =	ssyncset.s32 @!p0 $0xFFFFF086;
	s6 =	sadd.s32 @!p0 s3, s7;
	s7 =	simm.s32 @!p0 $0x108  }
0x21: {  	s3 =	sadd.s32 s3, s9;
	s6 =	sadd.s32 @!p0 $0x88, s6;
	s7 =	simm.s32 @p2 $0x1082  }
0x22: {  	[simem:s7], [sflag:s8] =	dma.local @!p0 [hbm:s6], $0xF7A  }
0x23: {  	s9 =	sor.u32 $0xD0000000, s2;
	s6 =	simm.s32 $0x108;
	_ =	swait.ge @!p0 [sflag:s8], $0x0  }
0x24: {  	s3 =	sadd.s32 $0x88, s3;
	s6 =	simm.s32 @!p1 $0x1082;
	[sflag:s4] =	ssyncset.s32 $0xFFFFF086  }
0x25: {  	[simem:s6], [sflag:s4] =	dma.local [hbm:s3], $0xF7A  }
0x26: {  	[smem:$0x3FA0] =	sst s1;
	(tag) =	ssettag s2;
	_ =	strace s9  }
0x27: {  	s1 =	sld [smem:$0x3FB0]  }
0x28: {  	s2 =	sld [smem:$0x3FB1]  }
0x29: {  	s4 =	sld [smem:$0x3FB3]  }
0x2a: {  	p0 =	seq.s32 s5, $0x0;
	s5 =	sld [smem:$0x3FB4]  }
0x2b: {  	s6 =	sld [smem:$0x3FB5]  }
0x2c: {  	s7 =	sld [smem:$0x3FB6]  }
0x2d: {  	s3 =	simm.s32 $0x108;
	s8 =	sld [smem:$0x3FB7]  }
0x2e: {  	s3 =	simm.s32 @!p0 $0x1082;
	s9 =	sld [smem:$0x3FB8]  }
0x2f: {  	lr =	sadd.s32 s0, s3;
	s0 =	sld [smem:$0x3FAF]  }
0x30: {  	s3 =	sld [smem:$0x3FB2]  }
0x31: {  	[smem:$0x3FBB] =	sst s10  }
0x32: {  	s10 =	sld [smem:$0x3FB9];
	_ =	sdelay $0x3  }
0x33: {  	p0 =	seq.s32 s10, $0x1;
	s10 =	sld [smem:$0x3FBB];
	_ =	sdelay $0x3  }
0x34: {  	[smem:$0x3FBB] =	sst s10  }
0x35: {  	s10 =	sld [smem:$0x3FBA];
	_ =	sdelay $0x3  }
0x36: {  	p1 =	seq.s32 s10, $0x1;
	s10 =	sld [smem:$0x3FBB];
	_ =	sdelay $0x3  }
0x37: {  	[smem:$0x3FBB] =	sst s10  }
0x38: {  	s10 =	sld [smem:$0x3FBC]  }
0x39: {  	_ = 	snop;
	(pc) =	sbr.ind lr, $3  }
0x3a: {  	_ = 	snop  }
0x3b: {  	_ = 	snop  }
0x3c: {  	p2 =	seq.s32 s10, $0x1;
	s10 =	sld [smem:$0x3FBB]  }
0x3d: {  	_ =	shalt  }
0x3e: {  	_ =	shalt  }
0x3f: {  	_ =	shalt  }
0x40: {  	_ =	shalt  }
0x41: {  	_ =	shalt  }
0x42: {  	_ =	shalt  }
0x43: {  	_ =	shalt  }
0x44: {  	_ =	shalt  }
0x45: {  	_ =	shalt  }
0x46: {  	_ =	shalt  }
0x47: {  	_ =	shalt  }
0x48: {  	_ =	shalt  }
0x49: {  	_ =	shalt  }
0x4a: {  	_ =	shalt  }
0x4b: {  	_ =	shalt  }
0x4c: {  	_ =	shalt  }
0x4d: {  	_ =	shalt  }
0x4e: {  	_ =	shalt  }
0x4f: {  	_ =	shalt  }
0x50: {  	_ =	shalt  }
0x51: {  	_ =	shalt  }
0x52: {  	_ =	shalt  }
0x53: {  	_ =	shalt  }
0x54: {  	_ =	shalt  }
0x55: {  	_ =	shalt  }
0x56: {  	_ =	shalt  }
0x57: {  	_ =	shalt  }
0x58: {  	_ =	shalt  }
0x59: {  	_ =	shalt  }
0x5a: {  	_ =	shalt  }
0x5b: {  	_ =	shalt  }
0x5c: {  	_ =	shalt  }
0x5d: {  	_ =	shalt  }
0x5e: {  	_ =	shalt  }
0x5f: {  	_ =	shalt  }
0x60: {  	_ =	shalt  }
0x61: {  	_ =	shalt  }
0x62: {  	_ =	shalt  }
0x63: {  	_ =	shalt  }
0x64: {  	_ =	shalt  }
0x65: {  	_ =	shalt  }
0x66: {  	_ =	shalt  }
0x67: {  	_ =	shalt  }
0x68: {  	_ =	shalt  }
0x69: {  	_ =	shalt  }
0x6a: {  	_ =	shalt  }
0x6b: {  	_ =	shalt  }
0x6c: {  	_ =	shalt  }
0x6d: {  	_ =	shalt  }
0x6e: {  	_ =	shalt  }
0x6f: {  	_ =	shalt  }
0x70: {  	_ =	shalt  }
0x71: {  	_ =	shalt  }
0x72: {  	_ =	shalt  }
0x73: {  	_ =	shalt  }
0x74: {  	_ =	shalt  }
0x75: {  	_ =	shalt  }
0x76: {  	_ =	shalt  }
0x77: {  	_ =	shalt  }
0x78: {  	_ =	shalt  }
0x79: {  	_ =	shalt  }
0x7a: {  	_ =	shalt  }
0x7b: {  	_ =	shalt  }
0x7c: {  	_ =	shalt  }
0x7d: {  	_ =	shalt  }
0x7e: {  	_ =	shalt  }
0x7f: {  	_ =	shalt  }
0x80: {  	_ =	shalt  }
0x81: {  	_ =	shalt  }
0x82: {  	_ =	shalt  }
0x83: {  	_ =	shalt  }
0x84: {  	_ =	shalt  }
0x85: {  	_ =	shalt  }
0x86: {  	_ =	shalt  }
0x87: {  	_ =	shalt  }
.Lfunc_end0:
.L_simem_size_0:
called_computation_lowered:
.L_overlay_start_0:
0x88: {  	s2 =	sld [smem:$0x3FD9]  }
0x89: {  	s3 =	sld [smem:$0x3FFE];
	_ =	sdelay $0x1  }
0x8a: {  	s1 =	srdreg.scid  }
0x8b: {  	s0 =	sand.u32 $0x1, s1  }
0x8c: {  	s18 =	sshll.u32 s0, $0xA;
	s2 =	sadd.s32 s3, s2  }
0x8d: {  	s2 =	sadd.s32 s2, s18  }
0x8e: {  	[smem:$0x3FC7] =	sst s2  }
0x8f: {  	_ = 	snop  }
0x90: {  	s2 =	sld [smem:$0x3FC9]  }
0x91: {  	s19 =	sld [smem:$0x3FD0];
	(tm) =	ssettm $0x1  }
0x92: {  	s4 =	sld [smem:$0x3FFB];
	_ =	sdelay $0x3  }
0x93: {  	_ =	strace s4  }
0x94: {  	s4 =	sld [smem:$0x3FFC];
	_ =	sdelay $0x3  }
0x95: {  	_ =	strace s4  }
0x96: {  	s4 =	sld [smem:$0x3FFD];
	_ =	sdelay $0x3  }
0x97: {  	_ =	strace s4  }
0x98: {  	_ =	strace $0x8FFFFFFF  }
0x99: {  	s20 =	sld [smem:$0x3FDB];
	_ =	sdelay $0x1  }
0x9a: {  	s5 =	simm.s32 $_scs_section_size  }
0x9b: {  	s6 =	simm.s32 $_size__tile_overlayer_lowered;
	s7 =	simm.s32 $_tile_overlayer_lowered  }
0x9c: {  	s23 =	simm.s32 $0x1BFF;
	s22 =	sshll.u32 s7, $0x1;
	s4 =	sadd.s32 s5, s20  }
0x9d: {  	s8 =	simm.s32 $0x0;
	s21 =	sshll.u32 s6, $0x1;
	s6 =	sadd.s32 s22, s4  }
0x9e: {  	[timem:s8], [sflag:s23] =	dma.local [hbm:s6], s21  }
0x9f: {  	_ =	swait.ge [sflag:s23], s21  }
0xa0: {  	s5 =	ssub.s32 $0x0, s21;
	[sflag:s23] =	ssyncset.done $0x0  }
0xa1: {  	[sflag:s23] =	ssyncadd.s32 s5;
	_ =	sdelay $0x1  }
0xa2: {  	s24 =	simm.s32 $0x1B8B  }
0xa3: {  	_ =	swait.ge [sflag:s24], $0x1  }
0xa4: {  	[sflag:s24] =	ssyncset.done $0x0  }
0xa5: {  	s25 =	simm.s32 $0x1B8E;
	[sflag:s24] =	ssyncadd.s32 $0xFFFFFFFF  }
0xa6: {  	s26 =	simm.s32 $execute0_lowered;
	[smem:$0x3FD2] =	sst s25  }
0xa7: {  	s5 =	sshll.u32 s26, $0x1;
	_ =	strace $0x80000046;
	[dreg:$0x1] =	wrdreg $0xFFFFFFFF  }
0xa8: {  	s28 =	simm.s32 $_size_execute0_lowered;
	s4 =	sadd.s32 s4, s5;
	[dreg:$0x0] =	wrdreg $0x0  }
0xa9: {  	s5 =	sshll.u32 s28, $0x1;
	[dreg:$0x2] =	wrdreg s4  }
0xaa: {  	[dreg:$0x3] =	wrdreg s5  }
0xab: {  	[dreg:$0x4] =	wrdreg $0xC0  }
0xac: {  	_ =	task [dreg:s8], $0x5FFFF  }
0xad: {  	[dreg:$0x1] =	wrdreg $0xFFFFFFFF  }
0xae: {  	[dreg:$0x0] =	wrdreg $0x60  }
0xaf: {  	[dreg:$0x2] =	wrdreg s2  }
0xb0: {  	[dreg:$0x3] =	wrdreg s19  }
0xb1: {  	[dreg:$0x4] =	wrdreg $0x9  }
0xb2: {  	_ =	task.clear_ibuf [dreg:s8], $0x5FFFF;
	_ =	strace $0x90000046  }
0xb3: {  	s29 =	simm.s32 $0x9;
	_ =	strace $0x80000048  }
0xb4: {  	_ =	swait.ge [sflag:s29], $0x1  }
0xb5: {  	[sflag:s29] =	ssyncadd.s32 $0xFFFFFFFF  }
0xb6: {  	_ =	strace $0x90000048  }
0xb7: {  	_ =	sfence  }
0xb8: {  	s30 =	sld [smem:$0x0];
	_ =	sdelay $0x2  }
0xb9: {  	s31 =	sshll.u32 s1, $0xD;
	s1 =	sshrl.u32 s1, $0x2  }
0xba: {  	s3 =	sand.u32 $0x4000, s31;
	s1 =	sadd.s32 s1, s30  }
0xbb: {  	s0 =	sor.u32 s3, s0;
	s1 =	sshll.u32 s1, $0x11  }
0xbc: {  	s0 =	sor.u32 s1, s0  }
0xbd: {  	s0 =	sadd.s32 $0x8F2B, s0  }
0xbe: {  	[sflag:s0] =	ssyncadd.remote.s32 $0x1  }
0xbf: {  	_ =	sfence.sel $0xFFFF  }
0xc0: {  	[dreg:$0x0] =	wrdreg $0xFFFFFFFF;
	(pc) =	sbr.abs _section_cstart, $3  }
0xc1: {  	[dreg:$0x1] =	wrdreg $0xFFFFFFFF  }
0xc2: {  	_ =	task.clear_ibuf [dreg:s8], $0x2FFFF;
	_ =	strace $0x9FFFFFFF  }
0xc3: {  	(tm) =	ssettm $0x7FFFFFFF  }
tec
execute0_lowered:
.L_overlay_start_1:
0x0: {  	(tag) =	ssettag $0x1  }
0x1: {  	s2 =	rddreg [dreg:$0x0]  }
0x2: {  	s3 =	rddreg [dreg:$0x1]  }
0x3: {  	s0 =	srdreg.scid;
	s1 =	stileid.u32  }
0x4: {  	s4 =	simm.s32 $0x0;
	s28 =	simm.s32 $0x2;
	s0 =	sand.u32 $0x1, s0  }
0x5: {  	s29 =	simm.s32 $0x3;
	s1 =	sshll.u32 s1, $0x9;
	s5 =	sshll.u32 s0, $0x8  }
0x6: {  	s30 =	simm.s32 $0x4;
	s31 =	simm.s32 $0x0;
	s5 =	sor.u32 s5, s1  }
0x7: {  	[smem:$0x7FF] =	sst s4;
	s9 =	sadd.s32 $0x800, s3;
	s7 =	sshll.u32 s5, $0x8  }
0x8: {  	s0 =	ssub.s32 $0x2, s0;
	_ =	strace $0x80000047;
	s21 =	sor.u32 $0x1000, s7  }
0x9: {  	s20 =	sshrl.u32 s0, $0x1;
	s6 =	sadd.s32 s2, s7;
	s8 =	sadd.s32 s2, s21  }
0xa: {  	s0 =	ssub.s32 s0, s20;
	s22 =	sadd.s32 $0x2000, s6;
	[dreg:$0x3] =	wrdreg s8  }
0xb: {  	s15 =	sor.u32 $0x20, s5;
	s1 =	sadd.s32 s3, s21;
	[dreg:$0x5] =	wrdreg s22  }
0xc: {  	s16 =	sor.u32 $0x10, s5;
	s24 =	sadd.s32 $0x3000, s6;
	[dreg:$0x6] =	wrdreg s1  }
0xd: {  	s8 =	sadd.s32 s3, s7;
	s7 =	sadd.s32 s7, s9;
	[dreg:$0x8] =	wrdreg s24  }
0xe: {  	s17 =	sor.u32 $0x30, s5;
	[dreg:$0x4] =	wrdreg s7;
	s23 =	sadd.s32 $0x1800, s8  }
0xf: {  	s22 =	smax.u32 s0, $0x1;
	s25 =	sadd.s32 $0xE000, s8;
	[dreg:$0x7] =	wrdreg s23  }
0x10: {  	s24 =	simm.s32 $0x1;
	s26 =	sadd.s32 $0xE800, s8;
	[dreg:$0x9] =	wrdreg s25  }
0x11: {  	s20 =	sadd.s32 $0xF000, s8;
	s21 =	sadd.s32 $0xF800, s8;
	[dreg:$0xa] =	wrdreg s26  }
0x12: {  	s23 =	simm.s32 $0x8000;
	s25 =	simm.s32 $0x10000;
	s26 =	simm.s32 $0x14000  }
.LBB2_1:
0x13: {  	[tilespmem:s4], [sflag:$0x1] =	stream.linear.gather [hbm4b:s6+s4], $0x8000, $0x38;
	[tilespmem:$0x18000] =	vst v63  }
0x14: {  	s0 =	rddreg [dreg:$0x3]  }
0x15: {  	[tilespmem:s23], [sflag:$0x2] =	stream.linear.gather [hbm4b:s0+s4], $0x8000, $0x38;
	[tilespmem:$0x18000] =	vst v63  }
0x16: {  	_ =	swait.ge [sflag:s24], $0x8000  }
0x17: {  	s19 =	sand.u32 $0x3C00, s4;
	s1 =	sand.u32 $0x380, s4;
	[sflag:s24] =	ssyncset.done $0x0  }
0x18: {  	s0 =	sor.u32 s1, s19;
	[sflag:s24] =	ssyncadd.s32 $0xFFFF8000  }
0x19: {  	v3 =	vld [tilespmem:s0+$0x70]  }
0x1a: {  	v6 =	vld [tilespmem:s0+$0x0]  }
0x1b: {  	v4 =	vld [tilespmem:s0+$0x10]  }
0x1c: {  	v2 =	vld [tilespmem:s0+$0x20]  }
0x1d: {  	v1 =	vld [tilespmem:s0+$0x30]  }
0x1e: {  	s7 =	simm.s32 $0x8;
	s1 =	simm.s32 $0x400;
	v0 =	vld [tilespmem:s0+$0x40];
	v5 =	vmul.f32 $2.209708650e-02, v3  }
0x1f: {  	s11 =	sand.u32 $0x380, s7;
	s7 =	simm.s32 $0x10;
	s10 =	sand.u32 $0x3C00, s1;
	v6 =	vmul.f32 $2.209708650e-02, v6;
	v3 =	vld [tilespmem:s0+$0x50]  }
.LBB2_2:
0x20: {  	p0 =	sne.s32 s7, $0x3F8;
	v4 =	vmul.f32 $2.209708650e-02, v4;
	v7 =	vld [tilespmem:s0+$0x60];
	[tilespmem:s0+$0x10070] =	vst v5;
	s12 =	smov.u32 s0;
	s0 =	sor.u32 s11, s10  }
0x21: {  	v5 =	vld [tilespmem:s0+$0x70];
	[tilespmem:s12+$0x10000] =	vst v6;
	v2 =	vmul.f32 $2.209708650e-02, v2  }
0x22: {  	v6 =	vld [tilespmem:s0+$0x0];
	[tilespmem:s12+$0x10010] =	vst v4;
	v1 =	vmul.f32 $2.209708650e-02, v1  }
.Ltmp0:
0x23: {  	v4 =	vld [tilespmem:s0+$0x10];
	[tilespmem:s12+$0x10020] =	vst v2;
	v0 =	vmul.f32 $2.209708650e-02, v0;
	(pc) =	sbr.rel @p0 .LBB2_2-.Ltmp0, $4  }
0x24: {  	v2 =	vld [tilespmem:s0+$0x20];
	[tilespmem:s12+$0x10030] =	vst v1;
	v3 =	vmul.f32 $2.209708650e-02, v3  }
0x25: {  	v1 =	vld [tilespmem:s0+$0x30];
	[tilespmem:s12+$0x10040] =	vst v0;
	v7 =	vmul.f32 $2.209708650e-02, v7  }
0x26: {  	s1 =	sadd.s32 $0x400, s1;
	v0 =	vld [tilespmem:s0+$0x40];
	v5 =	vmul.f32 $2.209708650e-02, v5;
	[tilespmem:s12+$0x10050] =	vst v3  }
0x27: {  	s11 =	sand.u32 $0x380, s7;
	s7 =	sadd.s32 $0x8, s7;
	s10 =	sand.u32 $0x3C00, s1;
	v6 =	vmul.f32 $2.209708650e-02, v6;
	v3 =	vld [tilespmem:s0+$0x50];
	[tilespmem:s12+$0x10060] =	vst v7  }
0x28: {  	v7 =	vld [tilespmem:s0+$0x60];
	s1 =	sor.u32 s11, s10;
	v4 =	vmul.f32 $2.209708650e-02, v4;
	[tilespmem:s0+$0x10070] =	vst v5  }
0x29: {  	v5 =	vld [tilespmem:s1+$0x70];
	[tilespmem:s0+$0x10000] =	vst v6;
	v2 =	vmul.f32 $2.209708650e-02, v2  }
0x2a: {  	v6 =	vld [tilespmem:s1+$0x0];
	[tilespmem:s0+$0x10010] =	vst v4;
	v1 =	vmul.f32 $2.209708650e-02, v1  }
0x2b: {  	v4 =	vld [tilespmem:s1+$0x10];
	[tilespmem:s0+$0x10020] =	vst v2;
	v0 =	vmul.f32 $2.209708650e-02, v0  }
0x2c: {  	v2 =	vld [tilespmem:s1+$0x20];
	[tilespmem:s0+$0x10030] =	vst v1;
	v1 =	vmul.f32 $2.209708650e-02, v3  }
0x2d: {  	v3 =	vld [tilespmem:s1+$0x30];
	[tilespmem:s0+$0x10040] =	vst v0;
	v0 =	vmul.f32 $2.209708650e-02, v7  }
0x2e: {  	v7 =	vld [tilespmem:s1+$0x40];
	v5 =	vmul.f32 $2.209708650e-02, v5;
	[tilespmem:s0+$0x10050] =	vst v1  }
0x2f: {  	v1 =	vmul.f32 $2.209708650e-02, v6;
	v6 =	vld [tilespmem:s1+$0x50];
	[tilespmem:s0+$0x10060] =	vst v0  }
0x30: {  	v0 =	vmul.f32 $2.209708650e-02, v4;
	v4 =	vld [tilespmem:s1+$0x60];
	[tilespmem:s1+$0x10070] =	vst v5  }
0x31: {  	[tilespmem:s1+$0x10000] =	vst v1;
	v1 =	vmul.f32 $2.209708650e-02, v2  }
0x32: {  	[tilespmem:s1+$0x10010] =	vst v0;
	v0 =	vmul.f32 $2.209708650e-02, v3  }
0x33: {  	[tilespmem:s1+$0x10020] =	vst v1;
	v1 =	vmul.f32 $2.209708650e-02, v7  }
0x34: {  	[tilespmem:s1+$0x10030] =	vst v0;
	v0 =	vmul.f32 $2.209708650e-02, v6  }
0x35: {  	s18 =	simm.s32 $0x0;
	[tilespmem:s1+$0x10040] =	vst v1;
	v1 =	vmul.f32 $2.209708650e-02, v4  }
0x36: {  	s19 =	sand.u32 $0x3C00, s18;
	s0 =	sand.u32 $0x380, s18;
	[tilespmem:s1+$0x10050] =	vst v0  }
0x37: {  	s0 =	sor.u32 s0, s19;
	[tilespmem:s1+$0x10060] =	vst v1  }
0x38: {  	[hbm4b:s8+s18] =	stream.linear.scatter [tilespmem:s25], [sflag:$0x3], $0x4000, $0x38;
	[tilespmem:$0x18000] =	vst v63  }
0x39: {  	v3 =	vld [tilespmem:s0+$0x4070]  }
0x3a: {  	v6 =	vld [tilespmem:s0+$0x4000]  }
0x3b: {  	v4 =	vld [tilespmem:s0+$0x4010]  }
0x3c: {  	v2 =	vld [tilespmem:s0+$0x4020]  }
0x3d: {  	v1 =	vld [tilespmem:s0+$0x4030]  }
0x3e: {  	s7 =	simm.s32 $0x8;
	s1 =	simm.s32 $0x400;
	v0 =	vld [tilespmem:s0+$0x4040];
	v5 =	vmul.f32 $2.209708650e-02, v3  }
0x3f: {  	s11 =	sand.u32 $0x380, s7;
	s7 =	simm.s32 $0x10;
	s10 =	sand.u32 $0x3C00, s1;
	v6 =	vmul.f32 $2.209708650e-02, v6;
	v3 =	vld [tilespmem:s0+$0x4050]  }
.LBB2_4:
0x40: {  	p0 =	sne.s32 s7, $0x3F8;
	v4 =	vmul.f32 $2.209708650e-02, v4;
	v7 =	vld [tilespmem:s0+$0x4060];
	[tilespmem:s0+$0x14070] =	vst v5;
	s12 =	smov.u32 s0;
	s0 =	sor.u32 s11, s10  }
0x41: {  	v5 =	vld [tilespmem:s0+$0x4070];
	[tilespmem:s12+$0x14000] =	vst v6;
	v2 =	vmul.f32 $2.209708650e-02, v2  }
0x42: {  	v6 =	vld [tilespmem:s0+$0x4000];
	[tilespmem:s12+$0x14010] =	vst v4;
	v1 =	vmul.f32 $2.209708650e-02, v1  }
.Ltmp1:
0x43: {  	v4 =	vld [tilespmem:s0+$0x4010];
	[tilespmem:s12+$0x14020] =	vst v2;
	v0 =	vmul.f32 $2.209708650e-02, v0;
	(pc) =	sbr.rel @p0 .LBB2_4-.Ltmp1, $4  }
0x44: {  	v2 =	vld [tilespmem:s0+$0x4020];
	[tilespmem:s12+$0x14030] =	vst v1;
	v3 =	vmul.f32 $2.209708650e-02, v3  }
0x45: {  	v1 =	vld [tilespmem:s0+$0x4030];
	[tilespmem:s12+$0x14040] =	vst v0;
	v7 =	vmul.f32 $2.209708650e-02, v7  }
0x46: {  	s1 =	sadd.s32 $0x400, s1;
	v0 =	vld [tilespmem:s0+$0x4040];
	v5 =	vmul.f32 $2.209708650e-02, v5;
	[tilespmem:s12+$0x14050] =	vst v3  }
0x47: {  	s11 =	sand.u32 $0x380, s7;
	s7 =	sadd.s32 $0x8, s7;
	s10 =	sand.u32 $0x3C00, s1;
	v6 =	vmul.f32 $2.209708650e-02, v6;
	v3 =	vld [tilespmem:s0+$0x4050];
	[tilespmem:s12+$0x14060] =	vst v7  }
0x48: {  	v7 =	vld [tilespmem:s0+$0x4060];
	s1 =	sor.u32 s11, s10;
	v4 =	vmul.f32 $2.209708650e-02, v4;
	[tilespmem:s0+$0x14070] =	vst v5  }
0x49: {  	v5 =	vld [tilespmem:s1+$0x4070];
	[tilespmem:s0+$0x14000] =	vst v6;
	v2 =	vmul.f32 $2.209708650e-02, v2  }
0x4a: {  	v6 =	vld [tilespmem:s1+$0x4000];
	[tilespmem:s0+$0x14010] =	vst v4;
	v1 =	vmul.f32 $2.209708650e-02, v1  }
0x4b: {  	v4 =	vld [tilespmem:s1+$0x4010];
	[tilespmem:s0+$0x14020] =	vst v2;
	v0 =	vmul.f32 $2.209708650e-02, v0  }
0x4c: {  	v2 =	vld [tilespmem:s1+$0x4020];
	[tilespmem:s0+$0x14030] =	vst v1;
	v1 =	vmul.f32 $2.209708650e-02, v3  }
0x4d: {  	v3 =	vld [tilespmem:s1+$0x4030];
	[tilespmem:s0+$0x14040] =	vst v0;
	v0 =	vmul.f32 $2.209708650e-02, v7  }
0x4e: {  	v7 =	vld [tilespmem:s1+$0x4040];
	v5 =	vmul.f32 $2.209708650e-02, v5;
	[tilespmem:s0+$0x14050] =	vst v1  }
0x4f: {  	v1 =	vmul.f32 $2.209708650e-02, v6;
	v6 =	vld [tilespmem:s1+$0x4050];
	[tilespmem:s0+$0x14060] =	vst v0  }
0x50: {  	v0 =	vmul.f32 $2.209708650e-02, v4;
	v4 =	vld [tilespmem:s1+$0x4060];
	[tilespmem:s1+$0x14070] =	vst v5  }
0x51: {  	[tilespmem:s1+$0x14000] =	vst v1;
	v1 =	vmul.f32 $2.209708650e-02, v2  }
0x52: {  	[tilespmem:s1+$0x14010] =	vst v0;
	v0 =	vmul.f32 $2.209708650e-02, v3  }
0x53: {  	[tilespmem:s1+$0x14020] =	vst v1;
	v1 =	vmul.f32 $2.209708650e-02, v7  }
0x54: {  	[tilespmem:s1+$0x14030] =	vst v0;
	v0 =	vmul.f32 $2.209708650e-02, v6  }
0x55: {  	[tilespmem:s1+$0x14040] =	vst v1;
	v1 =	vmul.f32 $2.209708650e-02, v4  }
0x56: {  	[tilespmem:s1+$0x14050] =	vst v0  }
0x57: {  	[tilespmem:s1+$0x14060] =	vst v1  }
0x58: {  	s14 =	simm.s32 $0x0;
	s1 =	rddreg [dreg:$0x4]  }
0x59: {  	[hbm4b:s1+s14] =	stream.linear.scatter [tilespmem:s26], [sflag:$0x4], $0x4000, $0x38;
	[tilespmem:$0x18000] =	vst v63  }
0x5a: {  	s18 =	rddreg [dreg:$0x5]  }
0x5b: {  	[tilespmem:s14], [sflag:$0x1] =	stream.linear.gather [hbm4b:s18+s14], $0x8000, $0x38;
	[tilespmem:$0x18000] =	vst v63  }
0x5c: {  	_ =	swait.ge [sflag:s28], $0x8000  }
0x5d: {  	[sflag:s28] =	ssyncset.done $0x0  }
0x5e: {  	[sflag:s28] =	ssyncadd.s32 $0xFFFF8000  }
0x5f: {  	_ =	swait.ge [sflag:s29], $0x4000  }
0x60: {  	s19 =	sand.u32 $0x3C00, s14;
	s0 =	sand.u32 $0x380, s14;
	[sflag:s29] =	ssyncset.done $0x0  }
0x61: {  	s0 =	sor.u32 s0, s19;
	[sflag:s29] =	ssyncadd.s32 $0xFFFFC000  }
0x62: {  	v3 =	vld [tilespmem:s0+$0x8070]  }
0x63: {  	v6 =	vld [tilespmem:s0+$0x8000]  }
0x64: {  	v4 =	vld [tilespmem:s0+$0x8010]  }
0x65: {  	v2 =	vld [tilespmem:s0+$0x8020]  }
0x66: {  	v1 =	vld [tilespmem:s0+$0x8030]  }
0x67: {  	s7 =	simm.s32 $0x8;
	s1 =	simm.s32 $0x400;
	v0 =	vld [tilespmem:s0+$0x8040];
	v5 =	vmul.f32 $2.209708650e-02, v3  }
0x68: {  	s11 =	sand.u32 $0x380, s7;
	s7 =	simm.s32 $0x10;
	s10 =	sand.u32 $0x3C00, s1;
	v6 =	vmul.f32 $2.209708650e-02, v6;
	v3 =	vld [tilespmem:s0+$0x8050]  }
.LBB2_6:
0x69: {  	p0 =	sne.s32 s7, $0x3F8;
	v4 =	vmul.f32 $2.209708650e-02, v4;
	v7 =	vld [tilespmem:s0+$0x8060];
	[tilespmem:s0+$0x10070] =	vst v5;
	s12 =	smov.u32 s0;
	s0 =	sor.u32 s11, s10  }
0x6a: {  	v5 =	vld [tilespmem:s0+$0x8070];
	[tilespmem:s12+$0x10000] =	vst v6;
	v2 =	vmul.f32 $2.209708650e-02, v2  }
0x6b: {  	v6 =	vld [tilespmem:s0+$0x8000];
	[tilespmem:s12+$0x10010] =	vst v4;
	v1 =	vmul.f32 $2.209708650e-02, v1  }
.Ltmp2:
0x6c: {  	v4 =	vld [tilespmem:s0+$0x8010];
	[tilespmem:s12+$0x10020] =	vst v2;
	v0 =	vmul.f32 $2.209708650e-02, v0;
	(pc) =	sbr.rel @p0 .LBB2_6-.Ltmp2, $4  }
0x6d: {  	v2 =	vld [tilespmem:s0+$0x8020];
	[tilespmem:s12+$0x10030] =	vst v1;
	v3 =	vmul.f32 $2.209708650e-02, v3  }
0x6e: {  	v1 =	vld [tilespmem:s0+$0x8030];
	[tilespmem:s12+$0x10040] =	vst v0;
	v7 =	vmul.f32 $2.209708650e-02, v7  }
0x6f: {  	s1 =	sadd.s32 $0x400, s1;
	v0 =	vld [tilespmem:s0+$0x8040];
	v5 =	vmul.f32 $2.209708650e-02, v5;
	[tilespmem:s12+$0x10050] =	vst v3  }
0x70: {  	s11 =	sand.u32 $0x380, s7;
	s7 =	sadd.s32 $0x8, s7;
	s10 =	sand.u32 $0x3C00, s1;
	v6 =	vmul.f32 $2.209708650e-02, v6;
	v3 =	vld [tilespmem:s0+$0x8050];
	[tilespmem:s12+$0x10060] =	vst v7  }
0x71: {  	v7 =	vld [tilespmem:s0+$0x8060];
	s1 =	sor.u32 s11, s10;
	v4 =	vmul.f32 $2.209708650e-02, v4;
	[tilespmem:s0+$0x10070] =	vst v5  }
0x72: {  	v5 =	vld [tilespmem:s1+$0x8070];
	[tilespmem:s0+$0x10000] =	vst v6;
	v2 =	vmul.f32 $2.209708650e-02, v2  }
0x73: {  	v6 =	vld [tilespmem:s1+$0x8000];
	[tilespmem:s0+$0x10010] =	vst v4;
	v1 =	vmul.f32 $2.209708650e-02, v1  }
0x74: {  	v4 =	vld [tilespmem:s1+$0x8010];
	[tilespmem:s0+$0x10020] =	vst v2;
	v0 =	vmul.f32 $2.209708650e-02, v0  }
0x75: {  	v2 =	vld [tilespmem:s1+$0x8020];
	[tilespmem:s0+$0x10030] =	vst v1;
	v1 =	vmul.f32 $2.209708650e-02, v3  }
0x76: {  	v3 =	vld [tilespmem:s1+$0x8030];
	[tilespmem:s0+$0x10040] =	vst v0;
	v0 =	vmul.f32 $2.209708650e-02, v7  }
0x77: {  	v7 =	vld [tilespmem:s1+$0x8040];
	v5 =	vmul.f32 $2.209708650e-02, v5;
	[tilespmem:s0+$0x10050] =	vst v1  }
0x78: {  	v1 =	vmul.f32 $2.209708650e-02, v6;
	v6 =	vld [tilespmem:s1+$0x8050];
	[tilespmem:s0+$0x10060] =	vst v0  }
0x79: {  	v0 =	vmul.f32 $2.209708650e-02, v4;
	v4 =	vld [tilespmem:s1+$0x8060];
	[tilespmem:s1+$0x10070] =	vst v5  }
0x7a: {  	[tilespmem:s1+$0x10000] =	vst v1;
	v1 =	vmul.f32 $2.209708650e-02, v2  }
0x7b: {  	[tilespmem:s1+$0x10010] =	vst v0;
	v0 =	vmul.f32 $2.209708650e-02, v3  }
0x7c: {  	[tilespmem:s1+$0x10020] =	vst v1;
	v1 =	vmul.f32 $2.209708650e-02, v7  }
0x7d: {  	[tilespmem:s1+$0x10030] =	vst v0;
	v0 =	vmul.f32 $2.209708650e-02, v6  }
0x7e: {  	[tilespmem:s1+$0x10040] =	vst v1;
	v1 =	vmul.f32 $2.209708650e-02, v4  }
0x7f: {  	[tilespmem:s1+$0x10050] =	vst v0  }
0x80: {  	[tilespmem:s1+$0x10060] =	vst v1  }
0x81: {  	s18 =	simm.s32 $0x0;
	s1 =	rddreg [dreg:$0x6]  }
0x82: {  	[hbm4b:s1+s18] =	stream.linear.scatter [tilespmem:s25], [sflag:$0x3], $0x4000, $0x38;
	[tilespmem:$0x18000] =	vst v63  }
0x83: {  	_ =	swait.ge [sflag:s30], $0x4000  }
0x84: {  	s19 =	sand.u32 $0x3C00, s18;
	s0 =	sand.u32 $0x380, s18;
	[sflag:s30] =	ssyncset.done $0x0  }
0x85: {  	s0 =	sor.u32 s0, s19;
	[sflag:s30] =	ssyncadd.s32 $0xFFFFC000  }
0x86: {  	v3 =	vld [tilespmem:s0+$0xC070]  }
0x87: {  	v6 =	vld [tilespmem:s0+$0xC000]  }
0x88: {  	v4 =	vld [tilespmem:s0+$0xC010]  }
0x89: {  	v2 =	vld [tilespmem:s0+$0xC020]  }
0x8a: {  	v1 =	vld [tilespmem:s0+$0xC030]  }
0x8b: {  	s7 =	simm.s32 $0x8;
	s1 =	simm.s32 $0x400;
	v0 =	vld [tilespmem:s0+$0xC040];
	v5 =	vmul.f32 $2.209708650e-02, v3  }
0x8c: {  	s11 =	sand.u32 $0x380, s7;
	s7 =	simm.s32 $0x10;
	s10 =	sand.u32 $0x3C00, s1;
	v6 =	vmul.f32 $2.209708650e-02, v6;
	v3 =	vld [tilespmem:s0+$0xC050]  }
.LBB2_8:
0x8d: {  	p0 =	sne.s32 s7, $0x3F8;
	v4 =	vmul.f32 $2.209708650e-02, v4;
	v7 =	vld [tilespmem:s0+$0xC060];
	[tilespmem:s0+$0x14070] =	vst v5;
	s12 =	smov.u32 s0;
	s0 =	sor.u32 s11, s10  }
0x8e: {  	v5 =	vld [tilespmem:s0+$0xC070];
	[tilespmem:s12+$0x14000] =	vst v6;
	v2 =	vmul.f32 $2.209708650e-02, v2  }
0x8f: {  	v6 =	vld [tilespmem:s0+$0xC000];
	[tilespmem:s12+$0x14010] =	vst v4;
	v1 =	vmul.f32 $2.209708650e-02, v1  }
.Ltmp3:
0x90: {  	v4 =	vld [tilespmem:s0+$0xC010];
	[tilespmem:s12+$0x14020] =	vst v2;
	v0 =	vmul.f32 $2.209708650e-02, v0;
	(pc) =	sbr.rel @p0 .LBB2_8-.Ltmp3, $4  }
0x91: {  	v2 =	vld [tilespmem:s0+$0xC020];
	[tilespmem:s12+$0x14030] =	vst v1;
	v3 =	vmul.f32 $2.209708650e-02, v3  }
0x92: {  	v1 =	vld [tilespmem:s0+$0xC030];
	[tilespmem:s12+$0x14040] =	vst v0;
	v7 =	vmul.f32 $2.209708650e-02, v7  }
0x93: {  	s1 =	sadd.s32 $0x400, s1;
	v0 =	vld [tilespmem:s0+$0xC040];
	v5 =	vmul.f32 $2.209708650e-02, v5;
	[tilespmem:s12+$0x14050] =	vst v3  }
0x94: {  	s11 =	sand.u32 $0x380, s7;
	s7 =	sadd.s32 $0x8, s7;
	s10 =	sand.u32 $0x3C00, s1;
	v6 =	vmul.f32 $2.209708650e-02, v6;
	v3 =	vld [tilespmem:s0+$0xC050];
	[tilespmem:s12+$0x14060] =	vst v7  }
0x95: {  	v7 =	vld [tilespmem:s0+$0xC060];
	s1 =	sor.u32 s11, s10;
	v4 =	vmul.f32 $2.209708650e-02, v4;
	[tilespmem:s0+$0x14070] =	vst v5  }
0x96: {  	v47 =	vld [tilespmem:s1+$0xC070];
	[tilespmem:s0+$0x14000] =	vst v6;
	v2 =	vmul.f32 $2.209708650e-02, v2  }
0x97: {  	v48 =	vld [tilespmem:s1+$0xC000];
	[tilespmem:s0+$0x14010] =	vst v4;
	v1 =	vmul.f32 $2.209708650e-02, v1  }
0x98: {  	v49 =	vld [tilespmem:s1+$0xC010];
	[tilespmem:s0+$0x14020] =	vst v2;
	v0 =	vmul.f32 $2.209708650e-02, v0  }
0x99: {  	v50 =	vld [tilespmem:s1+$0xC020];
	[tilespmem:s0+$0x14030] =	vst v1;
	v51 =	vmul.f32 $2.209708650e-02, v3  }
0x9a: {  	v52 =	vld [tilespmem:s1+$0xC030];
	[tilespmem:s0+$0x14040] =	vst v0;
	v53 =	vmul.f32 $2.209708650e-02, v7  }
0x9b: {  	v54 =	vld [tilespmem:s1+$0xC040];
	v5 =	vmul.f32 $2.209708650e-02, v47;
	[tilespmem:s0+$0x14050] =	vst v51  }
0x9c: {  	v56 =	vld [tilespmem:s1+$0xC050];
	v55 =	vmul.f32 $2.209708650e-02, v48;
	[tilespmem:s0+$0x14060] =	vst v53  }
0x9d: {  	v58 =	vld [tilespmem:s1+$0xC060];
	v57 =	vmul.f32 $2.209708650e-02, v49;
	[tilespmem:s1+$0x14070] =	vst v5  }
0x9e: {  	v59 =	vmul.f32 $2.209708650e-02, v50;
	[tilespmem:s1+$0x14000] =	vst v55  }
0x9f: {  	v60 =	vmul.f32 $2.209708650e-02, v52;
	[tilespmem:s1+$0x14010] =	vst v57  }
0xa0: {  	v61 =	vmul.f32 $2.209708650e-02, v54;
	[tilespmem:s1+$0x14020] =	vst v59  }
0xa1: {  	v62 =	vmul.f32 $2.209708650e-02, v56;
	[tilespmem:s1+$0x14030] =	vst v60  }
0xa2: {  	v63 =	vmul.f32 $2.209708650e-02, v58;
	[tilespmem:s1+$0x14040] =	vst v61  }
0xa3: {  	[tilespmem:s1+$0x14050] =	vst v62  }
0xa4: {  	[tilespmem:s1+$0x14060] =	vst v63  }
0xa5: {  	s0 =	simm.s32 $0x0;
	s1 =	rddreg [dreg:$0x7]  }
0xa6: {  	[hbm4b:s1+s0] =	stream.linear.scatter [tilespmem:s26], [sflag:$0x4], $0x4000, $0x38;
	[tilespmem:$0x18000] =	vst v63  }
0xa7: {  	s19 =	rddreg [dreg:$0x8];
	s1 =	simm.s32 $0x0  }
0xa8: {  	[tilespmem:s23], [sflag:$0x2] =	stream.linear.gather [hbm4b:s19+s0], $0x8000, $0x38;
	[tilespmem:$0x18000] =	vst v63  }
.LBB2_10:
0xa9: {  	_ =	swait.ge [sflag:s24], $0x8000  }
0xaa: {  	[sflag:s24] =	ssyncset.done $0x0  }
0xab: {  	[sflag:s24] =	ssyncadd.s32 $0xFFFF8000  }
0xac: {  	_ =	swait.ge [sflag:s29], $0x4000  }
0xad: {  	s7 =	sand.u32 $0x3C00, s0;
	s10 =	sand.u32 $0x380, s0;
	[sflag:s29] =	ssyncset.done $0x0  }
0xae: {  	s7 =	sor.u32 s10, s7;
	[sflag:s29] =	ssyncadd.s32 $0xFFFFC000  }
0xaf: {  	v3 =	vld [tilespmem:s7+$0x70]  }
0xb0: {  	v6 =	vld [tilespmem:s7+$0x0]  }
0xb1: {  	v4 =	vld [tilespmem:s7+$0x10]  }
0xb2: {  	v2 =	vld [tilespmem:s7+$0x20]  }
0xb3: {  	v1 =	vld [tilespmem:s7+$0x30]  }
0xb4: {  	s11 =	simm.s32 $0x8;
	s10 =	simm.s32 $0x400;
	v0 =	vld [tilespmem:s7+$0x40];
	v5 =	vmul.f32 $2.209708650e-02, v3  }
0xb5: {  	s13 =	sand.u32 $0x380, s11;
	s11 =	simm.s32 $0x10;
	s12 =	sand.u32 $0x3C00, s10;
	v6 =	vmul.f32 $2.209708650e-02, v6;
	v3 =	vld [tilespmem:s7+$0x50]  }
.LBB2_11:
0xb6: {  	p0 =	sne.s32 s11, $0x3F8;
	v4 =	vmul.f32 $2.209708650e-02, v4;
	v7 =	vld [tilespmem:s7+$0x60];
	[tilespmem:s7+$0x10070] =	vst v5;
	s14 =	smov.u32 s7;
	s7 =	sor.u32 s13, s12  }
0xb7: {  	v5 =	vld [tilespmem:s7+$0x70];
	[tilespmem:s14+$0x10000] =	vst v6;
	v2 =	vmul.f32 $2.209708650e-02, v2  }
0xb8: {  	v6 =	vld [tilespmem:s7+$0x0];
	[tilespmem:s14+$0x10010] =	vst v4;
	v1 =	vmul.f32 $2.209708650e-02, v1  }
.Ltmp4:
0xb9: {  	v4 =	vld [tilespmem:s7+$0x10];
	[tilespmem:s14+$0x10020] =	vst v2;
	v0 =	vmul.f32 $2.209708650e-02, v0;
	(pc) =	sbr.rel @p0 .LBB2_11-.Ltmp4, $4  }
0xba: {  	v2 =	vld [tilespmem:s7+$0x20];
	[tilespmem:s14+$0x10030] =	vst v1;
	v3 =	vmul.f32 $2.209708650e-02, v3  }
0xbb: {  	v1 =	vld [tilespmem:s7+$0x30];
	[tilespmem:s14+$0x10040] =	vst v0;
	v7 =	vmul.f32 $2.209708650e-02, v7  }
0xbc: {  	s10 =	sadd.s32 $0x400, s10;
	v0 =	vld [tilespmem:s7+$0x40];
	v5 =	vmul.f32 $2.209708650e-02, v5;
	[tilespmem:s14+$0x10050] =	vst v3  }
0xbd: {  	s13 =	sand.u32 $0x380, s11;
	s11 =	sadd.s32 $0x8, s11;
	s12 =	sand.u32 $0x3C00, s10;
	v6 =	vmul.f32 $2.209708650e-02, v6;
	v3 =	vld [tilespmem:s7+$0x50];
	[tilespmem:s14+$0x10060] =	vst v7  }
0xbe: {  	v7 =	vld [tilespmem:s7+$0x60];
	s11 =	sor.u32 s13, s12;
	v4 =	vmul.f32 $2.209708650e-02, v4;
	[tilespmem:s7+$0x10070] =	vst v5  }
0xbf: {  	v5 =	vld [tilespmem:s11+$0x70];
	[tilespmem:s7+$0x10000] =	vst v6;
	v2 =	vmul.f32 $2.209708650e-02, v2  }
0xc0: {  	v6 =	vld [tilespmem:s11+$0x0];
	[tilespmem:s7+$0x10010] =	vst v4;
	v1 =	vmul.f32 $2.209708650e-02, v1  }
0xc1: {  	v4 =	vld [tilespmem:s11+$0x10];
	[tilespmem:s7+$0x10020] =	vst v2;
	v0 =	vmul.f32 $2.209708650e-02, v0  }
0xc2: {  	v2 =	vld [tilespmem:s11+$0x20];
	[tilespmem:s7+$0x10030] =	vst v1;
	v1 =	vmul.f32 $2.209708650e-02, v3  }
0xc3: {  	v3 =	vld [tilespmem:s11+$0x30];
	[tilespmem:s7+$0x10040] =	vst v0;
	v0 =	vmul.f32 $2.209708650e-02, v7  }
0xc4: {  	v7 =	vld [tilespmem:s11+$0x40];
	v5 =	vmul.f32 $2.209708650e-02, v5;
	[tilespmem:s7+$0x10050] =	vst v1  }
0xc5: {  	v1 =	vmul.f32 $2.209708650e-02, v6;
	v6 =	vld [tilespmem:s11+$0x50];
	[tilespmem:s7+$0x10060] =	vst v0  }
0xc6: {  	v0 =	vmul.f32 $2.209708650e-02, v4;
	v4 =	vld [tilespmem:s11+$0x60];
	[tilespmem:s11+$0x10070] =	vst v5  }
0xc7: {  	[tilespmem:s11+$0x10000] =	vst v1;
	v1 =	vmul.f32 $2.209708650e-02, v2  }
0xc8: {  	[tilespmem:s11+$0x10010] =	vst v0;
	v0 =	vmul.f32 $2.209708650e-02, v3  }
0xc9: {  	s1 =	sadd.s32 $0x1, s1;
	[tilespmem:s11+$0x10020] =	vst v1;
	v1 =	vmul.f32 $2.209708650e-02, v7  }
0xca: {  	s7 =	sshll.u32 s1, $0x5;
	[tilespmem:s11+$0x10030] =	vst v0;
	v0 =	vmul.f32 $2.209708650e-02, v6  }
0xcb: {  	s10 =	sadd.s32 s5, s7;
	[tilespmem:s11+$0x10040] =	vst v1;
	v1 =	vmul.f32 $2.209708650e-02, v4  }
0xcc: {  	s10 =	sshll.u32 s10, $0x8;
	[tilespmem:s11+$0x10050] =	vst v0  }
0xcd: {  	s14 =	simm.s32 $0x0;
	s13 =	sadd.s32 s3, s10;
	[tilespmem:s11+$0x10060] =	vst v1  }
0xce: {  	[hbm4b:s13+s14] =	stream.linear.scatter [tilespmem:s25], [sflag:$0x3], $0x4000, $0x38;
	[tilespmem:$0x18000] =	vst v63  }
0xcf: {  	_ =	swait.ge [sflag:s30], $0x4000  }
0xd0: {  	s18 =	sand.u32 $0x3C00, s14;
	s12 =	sand.u32 $0x380, s14;
	[sflag:s30] =	ssyncset.done $0x0  }
0xd1: {  	s11 =	sor.u32 s12, s18;
	[sflag:s30] =	ssyncadd.s32 $0xFFFFC000  }
0xd2: {  	v3 =	vld [tilespmem:s11+$0x4070]  }
0xd3: {  	v6 =	vld [tilespmem:s11+$0x4000]  }
0xd4: {  	v4 =	vld [tilespmem:s11+$0x4010]  }
0xd5: {  	v2 =	vld [tilespmem:s11+$0x4020]  }
0xd6: {  	v1 =	vld [tilespmem:s11+$0x4030]  }
0xd7: {  	s19 =	simm.s32 $0x8;
	s12 =	simm.s32 $0x400;
	v0 =	vld [tilespmem:s11+$0x4040];
	v5 =	vmul.f32 $2.209708650e-02, v3  }
0xd8: {  	s18 =	sand.u32 $0x380, s19;
	s14 =	sand.u32 $0x3C00, s12;
	s13 =	simm.s32 $0x10;
	v6 =	vmul.f32 $2.209708650e-02, v6;
	v3 =	vld [tilespmem:s11+$0x4050]  }
.LBB2_13:
0xd9: {  	p0 =	sne.s32 s13, $0x3F8;
	v4 =	vmul.f32 $2.209708650e-02, v4;
	v7 =	vld [tilespmem:s11+$0x4060];
	[tilespmem:s11+$0x14070] =	vst v5;
	s19 =	smov.u32 s11;
	s11 =	sor.u32 s18, s14  }
0xda: {  	v5 =	vld [tilespmem:s11+$0x4070];
	[tilespmem:s19+$0x14000] =	vst v6;
	v2 =	vmul.f32 $2.209708650e-02, v2  }
0xdb: {  	v6 =	vld [tilespmem:s11+$0x4000];
	[tilespmem:s19+$0x14010] =	vst v4;
	v1 =	vmul.f32 $2.209708650e-02, v1  }
.Ltmp5:
0xdc: {  	v4 =	vld [tilespmem:s11+$0x4010];
	[tilespmem:s19+$0x14020] =	vst v2;
	v0 =	vmul.f32 $2.209708650e-02, v0;
	(pc) =	sbr.rel @p0 .LBB2_13-.Ltmp5, $4  }
0xdd: {  	v2 =	vld [tilespmem:s11+$0x4020];
	[tilespmem:s19+$0x14030] =	vst v1;
	v3 =	vmul.f32 $2.209708650e-02, v3  }
0xde: {  	v1 =	vld [tilespmem:s11+$0x4030];
	[tilespmem:s19+$0x14040] =	vst v0;
	v7 =	vmul.f32 $2.209708650e-02, v7  }
0xdf: {  	s12 =	sadd.s32 $0x400, s12;
	v0 =	vld [tilespmem:s11+$0x4040];
	v5 =	vmul.f32 $2.209708650e-02, v5;
	[tilespmem:s19+$0x14050] =	vst v3  }
0xe0: {  	s18 =	sand.u32 $0x380, s13;
	s13 =	sadd.s32 $0x8, s13;
	s14 =	sand.u32 $0x3C00, s12;
	v6 =	vmul.f32 $2.209708650e-02, v6;
	v3 =	vld [tilespmem:s11+$0x4050];
	[tilespmem:s19+$0x14060] =	vst v7  }
0xe1: {  	v7 =	vld [tilespmem:s11+$0x4060];
	s12 =	sor.u32 s18, s14;
	v4 =	vmul.f32 $2.209708650e-02, v4;
	[tilespmem:s11+$0x14070] =	vst v5  }
0xe2: {  	v5 =	vld [tilespmem:s12+$0x4070];
	[tilespmem:s11+$0x14000] =	vst v6;
	v2 =	vmul.f32 $2.209708650e-02, v2  }
0xe3: {  	v6 =	vld [tilespmem:s12+$0x4000];
	[tilespmem:s11+$0x14010] =	vst v4;
	v1 =	vmul.f32 $2.209708650e-02, v1  }
0xe4: {  	v4 =	vld [tilespmem:s12+$0x4010];
	[tilespmem:s11+$0x14020] =	vst v2;
	v0 =	vmul.f32 $2.209708650e-02, v0  }
0xe5: {  	v2 =	vld [tilespmem:s12+$0x4020];
	[tilespmem:s11+$0x14030] =	vst v1;
	v1 =	vmul.f32 $2.209708650e-02, v3  }
0xe6: {  	v3 =	vld [tilespmem:s12+$0x4030];
	[tilespmem:s11+$0x14040] =	vst v0;
	v0 =	vmul.f32 $2.209708650e-02, v7  }
0xe7: {  	v7 =	vld [tilespmem:s12+$0x4040];
	v5 =	vmul.f32 $2.209708650e-02, v5;
	[tilespmem:s11+$0x14050] =	vst v1  }
0xe8: {  	v1 =	vmul.f32 $2.209708650e-02, v6;
	v6 =	vld [tilespmem:s12+$0x4050];
	[tilespmem:s11+$0x14060] =	vst v0  }
0xe9: {  	v0 =	vmul.f32 $2.209708650e-02, v4;
	v4 =	vld [tilespmem:s12+$0x4060];
	[tilespmem:s12+$0x14070] =	vst v5  }
0xea: {  	[tilespmem:s12+$0x14000] =	vst v1;
	v1 =	vmul.f32 $2.209708650e-02, v2  }
0xeb: {  	[tilespmem:s12+$0x14010] =	vst v0;
	v0 =	vmul.f32 $2.209708650e-02, v3  }
0xec: {  	[tilespmem:s12+$0x14020] =	vst v1;
	v1 =	vmul.f32 $2.209708650e-02, v7  }
0xed: {  	[tilespmem:s12+$0x14030] =	vst v0;
	v0 =	vmul.f32 $2.209708650e-02, v6  }
0xee: {  	[tilespmem:s12+$0x14040] =	vst v1;
	v1 =	vmul.f32 $2.209708650e-02, v4  }
0xef: {  	[tilespmem:s12+$0x14050] =	vst v0  }
0xf0: {  	s10 =	sadd.s32 s10, s9;
	s13 =	simm.s32 $0x0;
	s14 =	sadd.s32 s7, s15;
	[tilespmem:s12+$0x14060] =	vst v1  }
0xf1: {  	[hbm4b:s10+s13] =	stream.linear.scatter [tilespmem:s26], [sflag:$0x4], $0x4000, $0x38;
	[tilespmem:$0x18000] =	vst v63  }
0xf2: {  	s10 =	sshll.u32 s14, $0x8  }
0xf3: {  	s10 =	sadd.s32 s2, s10  }
0xf4: {  	[tilespmem:s13], [sflag:$0x1] =	stream.linear.gather [hbm4b:s10+s13], $0x8000, $0x38;
	[tilespmem:$0x18000] =	vst v63  }
0xf5: {  	_ =	swait.ge [sflag:s28], $0x8000  }
0xf6: {  	[sflag:s28] =	ssyncset.done $0x0  }
0xf7: {  	[sflag:s28] =	ssyncadd.s32 $0xFFFF8000  }
0xf8: {  	_ =	swait.ge [sflag:s29], $0x4000  }
0xf9: {  	s18 =	sand.u32 $0x3C00, s13;
	s11 =	sand.u32 $0x380, s13;
	[sflag:s29] =	ssyncset.done $0x0  }
0xfa: {  	s10 =	sor.u32 s11, s18;
	[sflag:s29] =	ssyncadd.s32 $0xFFFFC000  }
0xfb: {  	v3 =	vld [tilespmem:s10+$0x8070]  }
0xfc: {  	v6 =	vld [tilespmem:s10+$0x8000]  }
0xfd: {  	v4 =	vld [tilespmem:s10+$0x8010]  }
0xfe: {  	v2 =	vld [tilespmem:s10+$0x8020]  }
0xff: {  	v1 =	vld [tilespmem:s10+$0x8030]  }
0x100: {  	s19 =	simm.s32 $0x8;
	s11 =	simm.s32 $0x400;
	v0 =	vld [tilespmem:s10+$0x8040];
	v5 =	vmul.f32 $2.209708650e-02, v3  }
0x101: {  	s12 =	simm.s32 $0x10;
	s14 =	sand.u32 $0x380, s19;
	s13 =	sand.u32 $0x3C00, s11;
	v6 =	vmul.f32 $2.209708650e-02, v6;
	v3 =	vld [tilespmem:s10+$0x8050]  }
.LBB2_15:
0x102: {  	p0 =	sne.s32 s12, $0x3F8;
	v4 =	vmul.f32 $2.209708650e-02, v4;
	v7 =	vld [tilespmem:s10+$0x8060];
	[tilespmem:s10+$0x10070] =	vst v5;
	s18 =	smov.u32 s10;
	s10 =	sor.u32 s14, s13  }
0x103: {  	v5 =	vld [tilespmem:s10+$0x8070];
	[tilespmem:s18+$0x10000] =	vst v6;
	v2 =	vmul.f32 $2.209708650e-02, v2  }
0x104: {  	v6 =	vld [tilespmem:s10+$0x8000];
	[tilespmem:s18+$0x10010] =	vst v4;
	v1 =	vmul.f32 $2.209708650e-02, v1  }
.Ltmp6:
0x105: {  	v4 =	vld [tilespmem:s10+$0x8010];
	[tilespmem:s18+$0x10020] =	vst v2;
	v0 =	vmul.f32 $2.209708650e-02, v0;
	(pc) =	sbr.rel @p0 .LBB2_15-.Ltmp6, $4  }
0x106: {  	v2 =	vld [tilespmem:s10+$0x8020];
	[tilespmem:s18+$0x10030] =	vst v1;
	v3 =	vmul.f32 $2.209708650e-02, v3  }
0x107: {  	v1 =	vld [tilespmem:s10+$0x8030];
	[tilespmem:s18+$0x10040] =	vst v0;
	v7 =	vmul.f32 $2.209708650e-02, v7  }
0x108: {  	s11 =	sadd.s32 $0x400, s11;
	v0 =	vld [tilespmem:s10+$0x8040];
	v5 =	vmul.f32 $2.209708650e-02, v5;
	[tilespmem:s18+$0x10050] =	vst v3  }
0x109: {  	s14 =	sand.u32 $0x380, s12;
	s12 =	sadd.s32 $0x8, s12;
	s13 =	sand.u32 $0x3C00, s11;
	v6 =	vmul.f32 $2.209708650e-02, v6;
	v3 =	vld [tilespmem:s10+$0x8050];
	[tilespmem:s18+$0x10060] =	vst v7  }
0x10a: {  	v7 =	vld [tilespmem:s10+$0x8060];
	s11 =	sor.u32 s14, s13;
	v4 =	vmul.f32 $2.209708650e-02, v4;
	[tilespmem:s10+$0x10070] =	vst v5  }
0x10b: {  	v5 =	vld [tilespmem:s11+$0x8070];
	[tilespmem:s10+$0x10000] =	vst v6;
	v2 =	vmul.f32 $2.209708650e-02, v2  }
0x10c: {  	v6 =	vld [tilespmem:s11+$0x8000];
	[tilespmem:s10+$0x10010] =	vst v4;
	v1 =	vmul.f32 $2.209708650e-02, v1  }
0x10d: {  	v4 =	vld [tilespmem:s11+$0x8010];
	[tilespmem:s10+$0x10020] =	vst v2;
	v0 =	vmul.f32 $2.209708650e-02, v0  }
0x10e: {  	v2 =	vld [tilespmem:s11+$0x8020];
	[tilespmem:s10+$0x10030] =	vst v1;
	v1 =	vmul.f32 $2.209708650e-02, v3  }
0x10f: {  	v3 =	vld [tilespmem:s11+$0x8030];
	[tilespmem:s10+$0x10040] =	vst v0;
	v0 =	vmul.f32 $2.209708650e-02, v7  }
0x110: {  	v7 =	vld [tilespmem:s11+$0x8040];
	v5 =	vmul.f32 $2.209708650e-02, v5;
	[tilespmem:s10+$0x10050] =	vst v1  }
0x111: {  	v1 =	vmul.f32 $2.209708650e-02, v6;
	v6 =	vld [tilespmem:s11+$0x8050];
	[tilespmem:s10+$0x10060] =	vst v0  }
0x112: {  	v0 =	vmul.f32 $2.209708650e-02, v4;
	v4 =	vld [tilespmem:s11+$0x8060];
	[tilespmem:s11+$0x10070] =	vst v5  }
0x113: {  	[tilespmem:s11+$0x10000] =	vst v1;
	v1 =	vmul.f32 $2.209708650e-02, v2  }
0x114: {  	[tilespmem:s11+$0x10010] =	vst v0;
	v0 =	vmul.f32 $2.209708650e-02, v3  }
0x115: {  	[tilespmem:s11+$0x10020] =	vst v1;
	v1 =	vmul.f32 $2.209708650e-02, v7  }
0x116: {  	[tilespmem:s11+$0x10030] =	vst v0;
	v0 =	vmul.f32 $2.209708650e-02, v6  }
0x117: {  	s13 =	sadd.s32 s7, s16;
	[tilespmem:s11+$0x10040] =	vst v1;
	v1 =	vmul.f32 $2.209708650e-02, v4  }
0x118: {  	s10 =	sshll.u32 s13, $0x8;
	[tilespmem:s11+$0x10050] =	vst v0  }
0x119: {  	s12 =	simm.s32 $0x0;
	s14 =	sadd.s32 s3, s10;
	[tilespmem:s11+$0x10060] =	vst v1  }
0x11a: {  	[hbm4b:s14+s12] =	stream.linear.scatter [tilespmem:s25], [sflag:$0x3], $0x4000, $0x38;
	[tilespmem:$0x18000] =	vst v63  }
0x11b: {  	_ =	swait.ge [sflag:s30], $0x4000  }
0x11c: {  	s18 =	sand.u32 $0x3C00, s12;
	s12 =	sand.u32 $0x380, s12;
	[sflag:s30] =	ssyncset.done $0x0  }
0x11d: {  	s11 =	sor.u32 s12, s18;
	[sflag:s30] =	ssyncadd.s32 $0xFFFFC000  }
0x11e: {  	v3 =	vld [tilespmem:s11+$0xC070]  }
0x11f: {  	v6 =	vld [tilespmem:s11+$0xC000]  }
0x120: {  	v4 =	vld [tilespmem:s11+$0xC010]  }
0x121: {  	v2 =	vld [tilespmem:s11+$0xC020]  }
0x122: {  	v1 =	vld [tilespmem:s11+$0xC030]  }
0x123: {  	s19 =	simm.s32 $0x8;
	s12 =	simm.s32 $0x400;
	v0 =	vld [tilespmem:s11+$0xC040];
	v5 =	vmul.f32 $2.209708650e-02, v3  }
0x124: {  	s13 =	simm.s32 $0x10;
	s18 =	sand.u32 $0x380, s19;
	s14 =	sand.u32 $0x3C00, s12;
	v6 =	vmul.f32 $2.209708650e-02, v6;
	v3 =	vld [tilespmem:s11+$0xC050]  }
.LBB2_17:
0x125: {  	p0 =	sne.s32 s13, $0x3F8;
	v4 =	vmul.f32 $2.209708650e-02, v4;
	v7 =	vld [tilespmem:s11+$0xC060];
	[tilespmem:s11+$0x14070] =	vst v5;
	s19 =	smov.u32 s11;
	s11 =	sor.u32 s18, s14  }
0x126: {  	v5 =	vld [tilespmem:s11+$0xC070];
	[tilespmem:s19+$0x14000] =	vst v6;
	v2 =	vmul.f32 $2.209708650e-02, v2  }
0x127: {  	v6 =	vld [tilespmem:s11+$0xC000];
	[tilespmem:s19+$0x14010] =	vst v4;
	v1 =	vmul.f32 $2.209708650e-02, v1  }
.Ltmp7:
0x128: {  	v4 =	vld [tilespmem:s11+$0xC010];
	[tilespmem:s19+$0x14020] =	vst v2;
	v0 =	vmul.f32 $2.209708650e-02, v0;
	(pc) =	sbr.rel @p0 .LBB2_17-.Ltmp7, $4  }
0x129: {  	v2 =	vld [tilespmem:s11+$0xC020];
	[tilespmem:s19+$0x14030] =	vst v1;
	v3 =	vmul.f32 $2.209708650e-02, v3  }
0x12a: {  	v1 =	vld [tilespmem:s11+$0xC030];
	[tilespmem:s19+$0x14040] =	vst v0;
	v7 =	vmul.f32 $2.209708650e-02, v7  }
0x12b: {  	s12 =	sadd.s32 $0x400, s12;
	v0 =	vld [tilespmem:s11+$0xC040];
	v5 =	vmul.f32 $2.209708650e-02, v5;
	[tilespmem:s19+$0x14050] =	vst v3  }
0x12c: {  	s18 =	sand.u32 $0x380, s13;
	s13 =	sadd.s32 $0x8, s13;
	s14 =	sand.u32 $0x3C00, s12;
	v6 =	vmul.f32 $2.209708650e-02, v6;
	v3 =	vld [tilespmem:s11+$0xC050];
	[tilespmem:s19+$0x14060] =	vst v7  }
0x12d: {  	v7 =	vld [tilespmem:s11+$0xC060];
	s12 =	sor.u32 s18, s14;
	v4 =	vmul.f32 $2.209708650e-02, v4;
	[tilespmem:s11+$0x14070] =	vst v5  }
0x12e: {  	v47 =	vld [tilespmem:s12+$0xC070];
	[tilespmem:s11+$0x14000] =	vst v6;
	v2 =	vmul.f32 $2.209708650e-02, v2  }
0x12f: {  	v48 =	vld [tilespmem:s12+$0xC000];
	[tilespmem:s11+$0x14010] =	vst v4;
	v1 =	vmul.f32 $2.209708650e-02, v1  }
0x130: {  	v49 =	vld [tilespmem:s12+$0xC010];
	[tilespmem:s11+$0x14020] =	vst v2;
	v0 =	vmul.f32 $2.209708650e-02, v0  }
0x131: {  	v50 =	vld [tilespmem:s12+$0xC020];
	[tilespmem:s11+$0x14030] =	vst v1;
	v51 =	vmul.f32 $2.209708650e-02, v3  }
0x132: {  	v52 =	vld [tilespmem:s12+$0xC030];
	[tilespmem:s11+$0x14040] =	vst v0;
	v53 =	vmul.f32 $2.209708650e-02, v7  }
0x133: {  	v54 =	vld [tilespmem:s12+$0xC040];
	v5 =	vmul.f32 $2.209708650e-02, v47;
	[tilespmem:s11+$0x14050] =	vst v51  }
0x134: {  	v56 =	vld [tilespmem:s12+$0xC050];
	v55 =	vmul.f32 $2.209708650e-02, v48;
	[tilespmem:s11+$0x14060] =	vst v53  }
0x135: {  	v58 =	vld [tilespmem:s12+$0xC060];
	v57 =	vmul.f32 $2.209708650e-02, v49;
	[tilespmem:s12+$0x14070] =	vst v5  }
0x136: {  	v59 =	vmul.f32 $2.209708650e-02, v50;
	[tilespmem:s12+$0x14000] =	vst v55  }
0x137: {  	v60 =	vmul.f32 $2.209708650e-02, v52;
	[tilespmem:s12+$0x14010] =	vst v57  }
0x138: {  	v61 =	vmul.f32 $2.209708650e-02, v54;
	[tilespmem:s12+$0x14020] =	vst v59  }
0x139: {  	v62 =	vmul.f32 $2.209708650e-02, v56;
	[tilespmem:s12+$0x14030] =	vst v60  }
0x13a: {  	p0 =	sne.s32 s1, $0x6;
	v63 =	vmul.f32 $2.209708650e-02, v58;
	[tilespmem:s12+$0x14040] =	vst v61  }
.Ltmp8:
0x13b: {  	s10 =	sand.u32 $0x1FFFF000, s10;
	s7 =	sadd.s32 s7, s17;
	[tilespmem:s12+$0x14050] =	vst v62;
	(pc) =	sbr.rel @p0 .LBB2_10-.Ltmp8, $4  }
0x13c: {  	s10 =	sadd.s32 s10, s9;
	s7 =	sshll.u32 s7, $0x8;
	[tilespmem:s12+$0x14060] =	vst v63  }
0x13d: {  	[hbm4b:s10+s4] =	stream.linear.scatter [tilespmem:s26], [sflag:$0x4], $0x4000, $0x38;
	[tilespmem:$0x18000] =	vst v63  }
0x13e: {  	s7 =	sadd.s32 s2, s7  }
0x13f: {  	[tilespmem:s23], [sflag:$0x2] =	stream.linear.gather [hbm4b:s7+s4], $0x8000, $0x38;
	[tilespmem:$0x18000] =	vst v63  }
0x140: {  	_ =	swait.ge [sflag:s24], $0x8000  }
0x141: {  	[sflag:s24] =	ssyncset.done $0x0  }
0x142: {  	[sflag:s24] =	ssyncadd.s32 $0xFFFF8000  }
0x143: {  	s0 =	simm.s32 $0x0;
	_ =	swait.ge [sflag:s29], $0x4000  }
0x144: {  	s1 =	sand.u32 $0x3C00, s0;
	s0 =	sand.u32 $0x380, s0;
	[sflag:s29] =	ssyncset.done $0x0  }
0x145: {  	s0 =	sor.u32 s0, s1;
	[sflag:s29] =	ssyncadd.s32 $0xFFFFC000  }
0x146: {  	v3 =	vld [tilespmem:s0+$0x70]  }
0x147: {  	v6 =	vld [tilespmem:s0+$0x0]  }
0x148: {  	v4 =	vld [tilespmem:s0+$0x10]  }
0x149: {  	v2 =	vld [tilespmem:s0+$0x20]  }
0x14a: {  	v1 =	vld [tilespmem:s0+$0x30]  }
0x14b: {  	s7 =	simm.s32 $0x8;
	s1 =	simm.s32 $0x400;
	v0 =	vld [tilespmem:s0+$0x40];
	v5 =	vmul.f32 $2.209708650e-02, v3  }
0x14c: {  	s11 =	sand.u32 $0x380, s7;
	s7 =	simm.s32 $0x10;
	s10 =	sand.u32 $0x3C00, s1;
	v6 =	vmul.f32 $2.209708650e-02, v6;
	v3 =	vld [tilespmem:s0+$0x50]  }
.LBB2_20:
0x14d: {  	p0 =	sne.s32 s7, $0x3F8;
	v4 =	vmul.f32 $2.209708650e-02, v4;
	v7 =	vld [tilespmem:s0+$0x60];
	[tilespmem:s0+$0x10070] =	vst v5;
	s12 =	smov.u32 s0;
	s0 =	sor.u32 s11, s10  }
0x14e: {  	v5 =	vld [tilespmem:s0+$0x70];
	[tilespmem:s12+$0x10000] =	vst v6;
	v2 =	vmul.f32 $2.209708650e-02, v2  }
0x14f: {  	v6 =	vld [tilespmem:s0+$0x0];
	[tilespmem:s12+$0x10010] =	vst v4;
	v1 =	vmul.f32 $2.209708650e-02, v1  }
.Ltmp9:
0x150: {  	v4 =	vld [tilespmem:s0+$0x10];
	[tilespmem:s12+$0x10020] =	vst v2;
	v0 =	vmul.f32 $2.209708650e-02, v0;
	(pc) =	sbr.rel @p0 .LBB2_20-.Ltmp9, $4  }
0x151: {  	v2 =	vld [tilespmem:s0+$0x20];
	[tilespmem:s12+$0x10030] =	vst v1;
	v3 =	vmul.f32 $2.209708650e-02, v3  }
0x152: {  	v1 =	vld [tilespmem:s0+$0x30];
	[tilespmem:s12+$0x10040] =	vst v0;
	v7 =	vmul.f32 $2.209708650e-02, v7  }
0x153: {  	s1 =	sadd.s32 $0x400, s1;
	v0 =	vld [tilespmem:s0+$0x40];
	v5 =	vmul.f32 $2.209708650e-02, v5;
	[tilespmem:s12+$0x10050] =	vst v3  }
0x154: {  	s11 =	sand.u32 $0x380, s7;
	s7 =	sadd.s32 $0x8, s7;
	s10 =	sand.u32 $0x3C00, s1;
	v6 =	vmul.f32 $2.209708650e-02, v6;
	v3 =	vld [tilespmem:s0+$0x50];
	[tilespmem:s12+$0x10060] =	vst v7  }
0x155: {  	v7 =	vld [tilespmem:s0+$0x60];
	s1 =	sor.u32 s11, s10;
	v4 =	vmul.f32 $2.209708650e-02, v4;
	[tilespmem:s0+$0x10070] =	vst v5  }
0x156: {  	v5 =	vld [tilespmem:s1+$0x70];
	[tilespmem:s0+$0x10000] =	vst v6;
	v2 =	vmul.f32 $2.209708650e-02, v2  }
0x157: {  	v6 =	vld [tilespmem:s1+$0x0];
	[tilespmem:s0+$0x10010] =	vst v4;
	v1 =	vmul.f32 $2.209708650e-02, v1  }
0x158: {  	v4 =	vld [tilespmem:s1+$0x10];
	[tilespmem:s0+$0x10020] =	vst v2;
	v0 =	vmul.f32 $2.209708650e-02, v0  }
0x159: {  	v2 =	vld [tilespmem:s1+$0x20];
	[tilespmem:s0+$0x10030] =	vst v1;
	v1 =	vmul.f32 $2.209708650e-02, v3  }
0x15a: {  	v3 =	vld [tilespmem:s1+$0x30];
	[tilespmem:s0+$0x10040] =	vst v0;
	v0 =	vmul.f32 $2.209708650e-02, v7  }
0x15b: {  	v7 =	vld [tilespmem:s1+$0x40];
	v5 =	vmul.f32 $2.209708650e-02, v5;
	[tilespmem:s0+$0x10050] =	vst v1  }
0x15c: {  	v1 =	vmul.f32 $2.209708650e-02, v6;
	v6 =	vld [tilespmem:s1+$0x50];
	[tilespmem:s0+$0x10060] =	vst v0  }
0x15d: {  	v0 =	vmul.f32 $2.209708650e-02, v4;
	v4 =	vld [tilespmem:s1+$0x60];
	[tilespmem:s1+$0x10070] =	vst v5  }
0x15e: {  	[tilespmem:s1+$0x10000] =	vst v1;
	v1 =	vmul.f32 $2.209708650e-02, v2  }
0x15f: {  	[tilespmem:s1+$0x10010] =	vst v0;
	v0 =	vmul.f32 $2.209708650e-02, v3  }
0x160: {  	[tilespmem:s1+$0x10020] =	vst v1;
	v1 =	vmul.f32 $2.209708650e-02, v7  }
0x161: {  	[tilespmem:s1+$0x10030] =	vst v0;
	v0 =	vmul.f32 $2.209708650e-02, v6  }
0x162: {  	[tilespmem:s1+$0x10040] =	vst v1;
	v1 =	vmul.f32 $2.209708650e-02, v4  }
0x163: {  	[tilespmem:s1+$0x10050] =	vst v0  }
0x164: {  	[tilespmem:s1+$0x10060] =	vst v1  }
0x165: {  	s18 =	simm.s32 $0x0;
	s1 =	rddreg [dreg:$0x9]  }
0x166: {  	[hbm4b:s1+s18] =	stream.linear.scatter [tilespmem:s25], [sflag:$0x3], $0x4000, $0x38;
	[tilespmem:$0x18000] =	vst v63  }
0x167: {  	_ =	swait.ge [sflag:s30], $0x4000  }
0x168: {  	s19 =	sand.u32 $0x3C00, s18;
	s0 =	sand.u32 $0x380, s18;
	[sflag:s30] =	ssyncset.done $0x0  }
0x169: {  	s0 =	sor.u32 s0, s19;
	[sflag:s30] =	ssyncadd.s32 $0xFFFFC000  }
0x16a: {  	v3 =	vld [tilespmem:s0+$0x4070]  }
0x16b: {  	v6 =	vld [tilespmem:s0+$0x4000]  }
0x16c: {  	v4 =	vld [tilespmem:s0+$0x4010]  }
0x16d: {  	v2 =	vld [tilespmem:s0+$0x4020]  }
0x16e: {  	v1 =	vld [tilespmem:s0+$0x4030]  }
0x16f: {  	s7 =	simm.s32 $0x8;
	s1 =	simm.s32 $0x400;
	v0 =	vld [tilespmem:s0+$0x4040];
	v5 =	vmul.f32 $2.209708650e-02, v3  }
0x170: {  	s11 =	sand.u32 $0x380, s7;
	s7 =	simm.s32 $0x10;
	s10 =	sand.u32 $0x3C00, s1;
	v6 =	vmul.f32 $2.209708650e-02, v6;
	v3 =	vld [tilespmem:s0+$0x4050]  }
.LBB2_22:
0x171: {  	p0 =	sne.s32 s7, $0x3F8;
	v4 =	vmul.f32 $2.209708650e-02, v4;
	v7 =	vld [tilespmem:s0+$0x4060];
	[tilespmem:s0+$0x14070] =	vst v5;
	s12 =	smov.u32 s0;
	s0 =	sor.u32 s11, s10  }
0x172: {  	v5 =	vld [tilespmem:s0+$0x4070];
	[tilespmem:s12+$0x14000] =	vst v6;
	v2 =	vmul.f32 $2.209708650e-02, v2  }
0x173: {  	v6 =	vld [tilespmem:s0+$0x4000];
	[tilespmem:s12+$0x14010] =	vst v4;
	v1 =	vmul.f32 $2.209708650e-02, v1  }
.Ltmp10:
0x174: {  	v4 =	vld [tilespmem:s0+$0x4010];
	[tilespmem:s12+$0x14020] =	vst v2;
	v0 =	vmul.f32 $2.209708650e-02, v0;
	(pc) =	sbr.rel @p0 .LBB2_22-.Ltmp10, $4  }
0x175: {  	v2 =	vld [tilespmem:s0+$0x4020];
	[tilespmem:s12+$0x14030] =	vst v1;
	v3 =	vmul.f32 $2.209708650e-02, v3  }
0x176: {  	v1 =	vld [tilespmem:s0+$0x4030];
	[tilespmem:s12+$0x14040] =	vst v0;
	v7 =	vmul.f32 $2.209708650e-02, v7  }
0x177: {  	s1 =	sadd.s32 $0x400, s1;
	v0 =	vld [tilespmem:s0+$0x4040];
	v5 =	vmul.f32 $2.209708650e-02, v5;
	[tilespmem:s12+$0x14050] =	vst v3  }
0x178: {  	s11 =	sand.u32 $0x380, s7;
	s7 =	sadd.s32 $0x8, s7;
	s10 =	sand.u32 $0x3C00, s1;
	v6 =	vmul.f32 $2.209708650e-02, v6;
	v3 =	vld [tilespmem:s0+$0x4050];
	[tilespmem:s12+$0x14060] =	vst v7  }
0x179: {  	v7 =	vld [tilespmem:s0+$0x4060];
	s1 =	sor.u32 s11, s10;
	v4 =	vmul.f32 $2.209708650e-02, v4;
	[tilespmem:s0+$0x14070] =	vst v5  }
0x17a: {  	v5 =	vld [tilespmem:s1+$0x4070];
	[tilespmem:s0+$0x14000] =	vst v6;
	v2 =	vmul.f32 $2.209708650e-02, v2  }
0x17b: {  	v6 =	vld [tilespmem:s1+$0x4000];
	[tilespmem:s0+$0x14010] =	vst v4;
	v1 =	vmul.f32 $2.209708650e-02, v1  }
0x17c: {  	v4 =	vld [tilespmem:s1+$0x4010];
	[tilespmem:s0+$0x14020] =	vst v2;
	v0 =	vmul.f32 $2.209708650e-02, v0  }
0x17d: {  	v2 =	vld [tilespmem:s1+$0x4020];
	[tilespmem:s0+$0x14030] =	vst v1;
	v1 =	vmul.f32 $2.209708650e-02, v3  }
0x17e: {  	v3 =	vld [tilespmem:s1+$0x4030];
	[tilespmem:s0+$0x14040] =	vst v0;
	v0 =	vmul.f32 $2.209708650e-02, v7  }
0x17f: {  	v7 =	vld [tilespmem:s1+$0x4040];
	v5 =	vmul.f32 $2.209708650e-02, v5;
	[tilespmem:s0+$0x14050] =	vst v1  }
0x180: {  	v1 =	vmul.f32 $2.209708650e-02, v6;
	v6 =	vld [tilespmem:s1+$0x4050];
	[tilespmem:s0+$0x14060] =	vst v0  }
0x181: {  	v0 =	vmul.f32 $2.209708650e-02, v4;
	v4 =	vld [tilespmem:s1+$0x4060];
	[tilespmem:s1+$0x14070] =	vst v5  }
0x182: {  	[tilespmem:s1+$0x14000] =	vst v1;
	v1 =	vmul.f32 $2.209708650e-02, v2  }
0x183: {  	[tilespmem:s1+$0x14010] =	vst v0;
	v0 =	vmul.f32 $2.209708650e-02, v3  }
0x184: {  	[tilespmem:s1+$0x14020] =	vst v1;
	v1 =	vmul.f32 $2.209708650e-02, v7  }
0x185: {  	[tilespmem:s1+$0x14030] =	vst v0;
	v0 =	vmul.f32 $2.209708650e-02, v6  }
0x186: {  	[tilespmem:s1+$0x14040] =	vst v1;
	v1 =	vmul.f32 $2.209708650e-02, v4  }
0x187: {  	[tilespmem:s1+$0x14050] =	vst v0  }
0x188: {  	[tilespmem:s1+$0x14060] =	vst v1  }
0x189: {  	s18 =	simm.s32 $0x0;
	s1 =	rddreg [dreg:$0xa]  }
0x18a: {  	[hbm4b:s1+s18] =	stream.linear.scatter [tilespmem:s26], [sflag:$0x4], $0x4000, $0x38;
	[tilespmem:$0x18000] =	vst v63  }
0x18b: {  	_ =	swait.ge [sflag:s28], $0x8000  }
0x18c: {  	[sflag:s28] =	ssyncset.done $0x0  }
0x18d: {  	[sflag:s28] =	ssyncadd.s32 $0xFFFF8000  }
0x18e: {  	_ =	swait.ge [sflag:s29], $0x4000  }
0x18f: {  	s19 =	sand.u32 $0x3C00, s18;
	s0 =	sand.u32 $0x380, s18;
	[sflag:s29] =	ssyncset.done $0x0  }
0x190: {  	s0 =	sor.u32 s0, s19;
	[sflag:s29] =	ssyncadd.s32 $0xFFFFC000  }
0x191: {  	v3 =	vld [tilespmem:s0+$0x8070]  }
0x192: {  	v6 =	vld [tilespmem:s0+$0x8000]  }
0x193: {  	v4 =	vld [tilespmem:s0+$0x8010]  }
0x194: {  	v2 =	vld [tilespmem:s0+$0x8020]  }
0x195: {  	v1 =	vld [tilespmem:s0+$0x8030]  }
0x196: {  	s7 =	simm.s32 $0x8;
	s1 =	simm.s32 $0x400;
	v0 =	vld [tilespmem:s0+$0x8040];
	v5 =	vmul.f32 $2.209708650e-02, v3  }
0x197: {  	s11 =	sand.u32 $0x380, s7;
	s7 =	simm.s32 $0x10;
	s10 =	sand.u32 $0x3C00, s1;
	v6 =	vmul.f32 $2.209708650e-02, v6;
	v3 =	vld [tilespmem:s0+$0x8050]  }
.LBB2_24:
0x198: {  	p0 =	sne.s32 s7, $0x3F8;
	v4 =	vmul.f32 $2.209708650e-02, v4;
	v7 =	vld [tilespmem:s0+$0x8060];
	[tilespmem:s0+$0x10070] =	vst v5;
	s12 =	smov.u32 s0;
	s0 =	sor.u32 s11, s10  }
0x199: {  	v5 =	vld [tilespmem:s0+$0x8070];
	[tilespmem:s12+$0x10000] =	vst v6;
	v2 =	vmul.f32 $2.209708650e-02, v2  }
0x19a: {  	v6 =	vld [tilespmem:s0+$0x8000];
	[tilespmem:s12+$0x10010] =	vst v4;
	v1 =	vmul.f32 $2.209708650e-02, v1  }
.Ltmp11:
0x19b: {  	v4 =	vld [tilespmem:s0+$0x8010];
	[tilespmem:s12+$0x10020] =	vst v2;
	v0 =	vmul.f32 $2.209708650e-02, v0;
	(pc) =	sbr.rel @p0 .LBB2_24-.Ltmp11, $4  }
0x19c: {  	v2 =	vld [tilespmem:s0+$0x8020];
	[tilespmem:s12+$0x10030] =	vst v1;
	v3 =	vmul.f32 $2.209708650e-02, v3  }
0x19d: {  	v1 =	vld [tilespmem:s0+$0x8030];
	[tilespmem:s12+$0x10040] =	vst v0;
	v7 =	vmul.f32 $2.209708650e-02, v7  }
0x19e: {  	s1 =	sadd.s32 $0x400, s1;
	v0 =	vld [tilespmem:s0+$0x8040];
	v5 =	vmul.f32 $2.209708650e-02, v5;
	[tilespmem:s12+$0x10050] =	vst v3  }
0x19f: {  	s11 =	sand.u32 $0x380, s7;
	s7 =	sadd.s32 $0x8, s7;
	s10 =	sand.u32 $0x3C00, s1;
	v6 =	vmul.f32 $2.209708650e-02, v6;
	v3 =	vld [tilespmem:s0+$0x8050];
	[tilespmem:s12+$0x10060] =	vst v7  }
0x1a0: {  	v7 =	vld [tilespmem:s0+$0x8060];
	s1 =	sor.u32 s11, s10;
	v4 =	vmul.f32 $2.209708650e-02, v4;
	[tilespmem:s0+$0x10070] =	vst v5  }
0x1a1: {  	v5 =	vld [tilespmem:s1+$0x8070];
	[tilespmem:s0+$0x10000] =	vst v6;
	v2 =	vmul.f32 $2.209708650e-02, v2  }
0x1a2: {  	v6 =	vld [tilespmem:s1+$0x8000];
	[tilespmem:s0+$0x10010] =	vst v4;
	v1 =	vmul.f32 $2.209708650e-02, v1  }
0x1a3: {  	v4 =	vld [tilespmem:s1+$0x8010];
	[tilespmem:s0+$0x10020] =	vst v2;
	v0 =	vmul.f32 $2.209708650e-02, v0  }
0x1a4: {  	v2 =	vld [tilespmem:s1+$0x8020];
	[tilespmem:s0+$0x10030] =	vst v1;
	v1 =	vmul.f32 $2.209708650e-02, v3  }
0x1a5: {  	v3 =	vld [tilespmem:s1+$0x8030];
	[tilespmem:s0+$0x10040] =	vst v0;
	v0 =	vmul.f32 $2.209708650e-02, v7  }
0x1a6: {  	v7 =	vld [tilespmem:s1+$0x8040];
	v5 =	vmul.f32 $2.209708650e-02, v5;
	[tilespmem:s0+$0x10050] =	vst v1  }
0x1a7: {  	v1 =	vmul.f32 $2.209708650e-02, v6;
	v6 =	vld [tilespmem:s1+$0x8050];
	[tilespmem:s0+$0x10060] =	vst v0  }
0x1a8: {  	v0 =	vmul.f32 $2.209708650e-02, v4;
	v4 =	vld [tilespmem:s1+$0x8060];
	[tilespmem:s1+$0x10070] =	vst v5  }
0x1a9: {  	[tilespmem:s1+$0x10000] =	vst v1;
	v1 =	vmul.f32 $2.209708650e-02, v2  }
0x1aa: {  	[tilespmem:s1+$0x10010] =	vst v0;
	v0 =	vmul.f32 $2.209708650e-02, v3  }
0x1ab: {  	[tilespmem:s1+$0x10020] =	vst v1;
	v1 =	vmul.f32 $2.209708650e-02, v7  }
0x1ac: {  	[tilespmem:s1+$0x10030] =	vst v0;
	v0 =	vmul.f32 $2.209708650e-02, v6  }
0x1ad: {  	[tilespmem:s1+$0x10040] =	vst v1;
	v1 =	vmul.f32 $2.209708650e-02, v4  }
0x1ae: {  	[tilespmem:s1+$0x10050] =	vst v0  }
0x1af: {  	s18 =	simm.s32 $0x0;
	[tilespmem:s1+$0x10060] =	vst v1  }
0x1b0: {  	[hbm4b:s20+s18] =	stream.linear.scatter [tilespmem:s25], [sflag:$0x3], $0x4000, $0x38;
	[tilespmem:$0x18000] =	vst v63  }
0x1b1: {  	_ =	swait.ge [sflag:s30], $0x4000  }
0x1b2: {  	s19 =	sand.u32 $0x3C00, s18;
	s0 =	sand.u32 $0x380, s18;
	[sflag:s30] =	ssyncset.done $0x0  }
0x1b3: {  	s0 =	sor.u32 s0, s19;
	[sflag:s30] =	ssyncadd.s32 $0xFFFFC000  }
0x1b4: {  	v3 =	vld [tilespmem:s0+$0xC070]  }
0x1b5: {  	v6 =	vld [tilespmem:s0+$0xC000]  }
0x1b6: {  	v4 =	vld [tilespmem:s0+$0xC010]  }
0x1b7: {  	v2 =	vld [tilespmem:s0+$0xC020]  }
0x1b8: {  	v1 =	vld [tilespmem:s0+$0xC030]  }
0x1b9: {  	s7 =	simm.s32 $0x8;
	s1 =	simm.s32 $0x400;
	v0 =	vld [tilespmem:s0+$0xC040];
	v5 =	vmul.f32 $2.209708650e-02, v3  }
0x1ba: {  	s11 =	sand.u32 $0x380, s7;
	s7 =	simm.s32 $0x10;
	s10 =	sand.u32 $0x3C00, s1;
	v6 =	vmul.f32 $2.209708650e-02, v6;
	v3 =	vld [tilespmem:s0+$0xC050]  }
.LBB2_26:
0x1bb: {  	p0 =	sne.s32 s7, $0x3F8;
	v4 =	vmul.f32 $2.209708650e-02, v4;
	v7 =	vld [tilespmem:s0+$0xC060];
	[tilespmem:s0+$0x14070] =	vst v5;
	s12 =	smov.u32 s0;
	s0 =	sor.u32 s11, s10  }
0x1bc: {  	v5 =	vld [tilespmem:s0+$0xC070];
	[tilespmem:s12+$0x14000] =	vst v6;
	v2 =	vmul.f32 $2.209708650e-02, v2  }
0x1bd: {  	v6 =	vld [tilespmem:s0+$0xC000];
	[tilespmem:s12+$0x14010] =	vst v4;
	v1 =	vmul.f32 $2.209708650e-02, v1  }
.Ltmp12:
0x1be: {  	v4 =	vld [tilespmem:s0+$0xC010];
	[tilespmem:s12+$0x14020] =	vst v2;
	v0 =	vmul.f32 $2.209708650e-02, v0;
	(pc) =	sbr.rel @p0 .LBB2_26-.Ltmp12, $4  }
0x1bf: {  	v2 =	vld [tilespmem:s0+$0xC020];
	[tilespmem:s12+$0x14030] =	vst v1;
	v3 =	vmul.f32 $2.209708650e-02, v3  }
0x1c0: {  	v1 =	vld [tilespmem:s0+$0xC030];
	[tilespmem:s12+$0x14040] =	vst v0;
	v7 =	vmul.f32 $2.209708650e-02, v7  }
0x1c1: {  	s1 =	sadd.s32 $0x400, s1;
	v0 =	vld [tilespmem:s0+$0xC040];
	v5 =	vmul.f32 $2.209708650e-02, v5;
	[tilespmem:s12+$0x14050] =	vst v3  }
0x1c2: {  	s11 =	sand.u32 $0x380, s7;
	s7 =	sadd.s32 $0x8, s7;
	s10 =	sand.u32 $0x3C00, s1;
	v6 =	vmul.f32 $2.209708650e-02, v6;
	v3 =	vld [tilespmem:s0+$0xC050];
	[tilespmem:s12+$0x14060] =	vst v7  }
0x1c3: {  	v7 =	vld [tilespmem:s0+$0xC060];
	s1 =	sor.u32 s11, s10;
	v4 =	vmul.f32 $2.209708650e-02, v4;
	[tilespmem:s0+$0x14070] =	vst v5  }
0x1c4: {  	v47 =	vld [tilespmem:s1+$0xC070];
	[tilespmem:s0+$0x14000] =	vst v6;
	v2 =	vmul.f32 $2.209708650e-02, v2  }
0x1c5: {  	v48 =	vld [tilespmem:s1+$0xC000];
	[tilespmem:s0+$0x14010] =	vst v4;
	v1 =	vmul.f32 $2.209708650e-02, v1  }
0x1c6: {  	v49 =	vld [tilespmem:s1+$0xC010];
	[tilespmem:s0+$0x14020] =	vst v2;
	v0 =	vmul.f32 $2.209708650e-02, v0  }
0x1c7: {  	v50 =	vld [tilespmem:s1+$0xC020];
	[tilespmem:s0+$0x14030] =	vst v1;
	v51 =	vmul.f32 $2.209708650e-02, v3  }
0x1c8: {  	v52 =	vld [tilespmem:s1+$0xC030];
	[tilespmem:s0+$0x14040] =	vst v0;
	v53 =	vmul.f32 $2.209708650e-02, v7  }
0x1c9: {  	v54 =	vld [tilespmem:s1+$0xC040];
	v5 =	vmul.f32 $2.209708650e-02, v47;
	[tilespmem:s0+$0x14050] =	vst v51  }
0x1ca: {  	v56 =	vld [tilespmem:s1+$0xC050];
	v55 =	vmul.f32 $2.209708650e-02, v48;
	[tilespmem:s0+$0x14060] =	vst v53  }
0x1cb: {  	v58 =	vld [tilespmem:s1+$0xC060];
	v57 =	vmul.f32 $2.209708650e-02, v49;
	[tilespmem:s1+$0x14070] =	vst v5  }
0x1cc: {  	v59 =	vmul.f32 $2.209708650e-02, v50;
	[tilespmem:s1+$0x14000] =	vst v55  }
0x1cd: {  	v60 =	vmul.f32 $2.209708650e-02, v52;
	[tilespmem:s1+$0x14010] =	vst v57  }
0x1ce: {  	v61 =	vmul.f32 $2.209708650e-02, v54;
	[tilespmem:s1+$0x14020] =	vst v59  }
0x1cf: {  	v62 =	vmul.f32 $2.209708650e-02, v56;
	[tilespmem:s1+$0x14030] =	vst v60  }
0x1d0: {  	v63 =	vmul.f32 $2.209708650e-02, v58;
	[tilespmem:s1+$0x14040] =	vst v61  }
0x1d1: {  	[tilespmem:s1+$0x14050] =	vst v62  }
0x1d2: {  	s31 =	sadd.s32 $0x1, s31;
	[tilespmem:s1+$0x14060] =	vst v63  }
0x1d3: {  	[hbm4b:s21+s4] =	stream.linear.scatter [tilespmem:s26], [sflag:$0x4], $0x4000, $0x38;
	[tilespmem:$0x18000] =	vst v63  }
0x1d4: {  	p0 =	sne.s32 s31, s22;
	_ =	swait.ge [sflag:s29], $0x4000  }
.Ltmp13:
0x1d5: {  	[sflag:s29] =	ssyncset.done $0x0;
	(pc) =	sbr.rel @p0 .LBB2_1-.Ltmp13, $4  }
0x1d6: {  	[sflag:s29] =	ssyncadd.s32 $0xFFFFC000  }
0x1d7: {  	_ =	swait.ge [sflag:s30], $0x4000  }
0x1d8: {  	[sflag:s30] =	ssyncset.done $0x0  }
0x1d9: {  	[sflag:s30] =	ssyncadd.s32 $0xFFFFC000  }
0x1da: {  	_ =	sfence.sel $0x180000  }
0x1db: {  	[bflag:$0x0] =	sbarrier.arrive $0xFFFF  }
0x1dc: {  	_ =	strace $0x90000047  }
0x1dd: {  	s0 =	stileid.u32;
	[bflag:$0x2] =	sbarrier.arrive $0xFFFF  }
0x1de: {  	p0 =	sne.s32 s0, $0x0;
	s0 =	rddreg [dreg:$0x2]  }
0x1df: {  	s0 =	sadd.s32 @!p0 $0x100000, s0  }
0x1e0: {  	[sflag:s0] =	ssyncadd.tile.s32 @!p0 $0x1;
	_ =	shalt  }
.Lfunc_end2:
_tile_overlayer_lowered:
.L_overlay_start_2:
0x1e1: {  	(tag) =	ssettag $0x2  }
0x1e2: {  	s0 =	rddreg [dreg:$0x0];
	s2 =	stileid.u32  }
0x1e3: {  	s1 =	rddreg [dreg:$0x1];
	p0 =	sne.s32 s2, $0x0  }
0x1e4: {  	s3 =	rddreg [dreg:$0x2];
	[bflag:$0x3] =	sbarrier.arrive $0xFFFF;
	s2 =	simm.s32 @!p0 $0x1C05  }
0x1e5: {  	[timem:s3], [sflag:s2] =	dma.local @!p0 [hbm:s0], s1  }
0x1e6: {  	s0 =	simm.s32 @!p0 $0x5  }
0x1e7: {  	_ =	swait.ge @!p0 [sflag:s0], s1  }
0x1e8: {  	s1 =	ssub.s32 @!p0 $0x0, s1;
	[sflag:s0] =	ssyncset.done @!p0 $0x0  }
0x1e9: {  	[sflag:s0] =	ssyncadd.s32 @!p0 s1  }
0x1ea: {  	[bflag:$0x3] =	sbarrier.arrive $0xFFFF  }
0x1eb: {  	_ =	shalt  }

</sc_bundles>
